<compile_context>
chip_gen: v7x
topology: tpu7x:2x2x1
jax: 0.10.2.dev20260603
libtpu: 0.0.44.dev20260713+nightly
codegen_flags: <defaults>
</compile_context>

<pallas_src>
import functools

import jax
import jax.numpy as jnp
from jax import lax
from jax.experimental import pallas as pl
from jax.experimental.pallas import tpu as pltpu
from jax.experimental.pallas import tpu_sc as plsc

N = 10000
E = 320000
D = 128

NC = 2
NS = 16
NW = NC * NS

NPAD = 10240
EPAD = NW * NPAD
PADNODE = N
B = 80
U = 4
NTT = EPAD // (U * B)
NTH = NTT // NW
NT0 = 12
NT1 = NTT // NS - NT0
RPT = NPAD // NS

_MESH = plsc.VectorSubcoreMesh(core_axis_name="c", subcore_axis_name="s")


def _superstep_indices(sd_hbm, g, idx_v, isem):
    return pltpu.async_copy(sd_hbm.at[g], idx_v, isem)


@functools.partial(
    pl.kernel,
    out_type=jax.ShapeDtypeStruct((NC, NPAD, D), jnp.float32),
    mesh=_MESH,
    scratch_types=[
        pltpu.VMEM((2, U, B), jnp.int32),
        pltpu.VMEM((2, U, B), jnp.int32),
        pltpu.VMEM((B, D), jnp.float32),
        pltpu.VMEM_SHARED((NPAD, D), jnp.float32),
        pltpu.SemaphoreType.DMA((2,)),
        pltpu.SemaphoreType.DMA((U,)),
    ],
)
def _sc_hist(sd_hbm, zeros_hbm, ones_hbm, out_hbm,
             idx0, idx1, ones_v, hist_sh, isems, ssems):
    cid = lax.axis_index("c")
    sid = lax.axis_index("s")
    wid = cid * NS + sid
    base = wid * NTH
    pltpu.sync_copy(ones_hbm, ones_v)
    pltpu.sync_copy(zeros_hbm, hist_sh.at[pl.ds(sid * RPT, RPT)])
    _superstep_indices(sd_hbm, base, idx0, isems.at[0])
    plsc.subcore_barrier()

    def idx_wait(idx_v, p):
        pltpu.make_async_copy(sd_hbm.at[0], idx_v, isems.at[p]).wait()

    def add_wait(k):
        pltpu.make_async_copy(ones_v, hist_sh.at[pl.ds(0, B)],
                              ssems.at[k]).wait()

    def superstep(t, bufs, first=False, last=False):
        idx_v, nxt_v = bufs
        p = t % 2
        idx_wait(idx_v, p)
        if not first:
            for k in range(U):
                add_wait(k)
        if not last:
            _superstep_indices(sd_hbm, base + t + 1, nxt_v, isems.at[1 - p])
        for k in range(U):
            pltpu.async_copy(
                ones_v, hist_sh.at[idx_v.at[1, k]], ssems.at[k], add=True
            )

    superstep(0, (idx0, idx1), first=True)

    def body(t2, carry):
        ta = 2 * t2 + 1
        superstep(ta, (idx1, idx0))
        superstep(ta + 1, (idx0, idx1))
        return carry

    lax.fori_loop(0, (NTH - 2) // 2, body, 0)
    superstep(NTH - 1, (idx1, idx0), last=True)
    for k in range(U):
        add_wait(k)
    plsc.subcore_barrier()
    pltpu.sync_copy(
        hist_sh.at[pl.ds(sid * RPT, RPT)],
        out_hbm.at[cid, pl.ds(sid * RPT, RPT)],
    )


@functools.partial(
    pl.kernel,
    out_type=jax.ShapeDtypeStruct((NC, NPAD, D), jnp.float32),
    mesh=_MESH,
    scratch_types=[
        pltpu.VMEM((2, U, B), jnp.int32),
        pltpu.VMEM((2, U, B), jnp.int32),
    ] + [pltpu.VMEM((B, D), jnp.float32) for _ in range(U)] + [
        pltpu.VMEM_SHARED((NPAD, D), jnp.float32),
        pltpu.SemaphoreType.DMA((2,)),
        pltpu.SemaphoreType.DMA((U,)),
        pltpu.SemaphoreType.DMA((U,)),
    ],
)
def _sc_edges(hs_hbm, sd_hbm, zrows_hbm, out_hbm,
              idx0, idx1, r0, r1, r2, r3, acc_sh, isems, gsems, ssems):
    rows = (r0, r1, r2, r3)
    cid = lax.axis_index("c")
    sid = lax.axis_index("s")
    wid = cid * NS + sid
    nt = jnp.where(cid == 0, NT0, NT1)
    base = jnp.where(cid == 0, sid * NT0, NS * NT0 + sid * NT1)
    pltpu.sync_copy(zrows_hbm, acc_sh.at[pl.ds(sid * RPT, RPT)])
    _superstep_indices(sd_hbm, base, idx0, isems.at[0])
    plsc.subcore_barrier()

    def idx_wait(idx_v, p):
        pltpu.make_async_copy(sd_hbm.at[0], idx_v, isems.at[p]).wait()

    def scat_wait(k):
        pltpu.make_async_copy(rows[k], acc_sh.at[pl.ds(0, B)],
                              ssems.at[k]).wait()

    def superstep(t, bufs, first=False, last=False):
        idx_v, nxt_v = bufs
        p = t % 2
        idx_wait(idx_v, p)
        gd = []
        for k in range(U):
            if not first:
                scat_wait(k)
            gd.append(
                pltpu.async_copy(
                    hs_hbm.at[idx_v.at[0, k]], rows[k], gsems.at[k]
                )
            )
        if not last:
            _superstep_indices(sd_hbm, base + t + 1, nxt_v, isems.at[1 - p])
        for k in range(U):
            gd[k].wait()
            pltpu.async_copy(
                rows[k], acc_sh.at[idx_v.at[1, k]], ssems.at[k], add=True
            )

    superstep(0, (idx0, idx1), first=True)

    def body(t2, carry):
        ta = 2 * t2 + 1
        superstep(ta, (idx1, idx0))
        superstep(ta + 1, (idx0, idx1))
        return carry

    lax.fori_loop(0, (nt - 2) // 2, body, 0)
    superstep(nt - 1, (idx1, idx0), last=True)
    for k in range(U):
        scat_wait(k)
    plsc.subcore_barrier()
    pltpu.sync_copy(
        acc_sh.at[pl.ds(sid * RPT, RPT)],
        out_hbm.at[cid, pl.ds(sid * RPT, RPT)],
    )


def _tc_pre_body(x_ref, w_ref, hg_ref, hs_ref):
    deg = hg_ref[0, :, 0] + hg_ref[1, :, 0] + 1.0
    di = lax.rsqrt(deg)
    h = jnp.dot(x_ref[...], w_ref[...], preferred_element_type=jnp.float32)
    hs_ref[...] = h * di[:, None]


def _tc_pre(x_p, W, hists):
    blk = 512
    return pl.pallas_call(
        _tc_pre_body,
        grid=(NPAD // blk,),
        in_specs=[
            pl.BlockSpec((blk, D), lambda i: (i, 0)),
            pl.BlockSpec((D, D), lambda i: (0, 0)),
            pl.BlockSpec((NC, blk, D), lambda i: (0, i, 0)),
        ],
        out_specs=pl.BlockSpec((blk, D), lambda i: (i, 0)),
        out_shape=jax.ShapeDtypeStruct((NPAD, D), jnp.float32),
    )(x_p, W, hists)


def _tc_post_body(p_ref, hs_ref, hg_ref, b_ref, o_ref):
    deg = hg_ref[0, :, 0] + hg_ref[1, :, 0] + 1.0
    di = lax.rsqrt(deg)
    s = (p_ref[0] + p_ref[1] + hs_ref[...]) * di[:, None] + b_ref[...]
    o_ref[...] = jnp.maximum(s, 0.0)


def _tc_post(parts, hs, hists, b2):
    blk = 512
    return pl.pallas_call(
        _tc_post_body,
        grid=(NPAD // blk,),
        in_specs=[
            pl.BlockSpec((NC, blk, D), lambda i: (0, i, 0)),
            pl.BlockSpec((blk, D), lambda i: (i, 0)),
            pl.BlockSpec((NC, blk, D), lambda i: (0, i, 0)),
            pl.BlockSpec((1, D), lambda i: (0, 0)),
        ],
        out_specs=pl.BlockSpec((blk, D), lambda i: (i, 0)),
        out_shape=jax.ShapeDtypeStruct((NPAD, D), jnp.float32),
    )(parts, hs, hists, b2)


def kernel(x, edge_index, W, b):
    src = edge_index[0].astype(jnp.int32)
    dst = edge_index[1].astype(jnp.int32)
    padi = jnp.full((EPAD - E,), PADNODE, jnp.int32)
    src_p = jnp.concatenate([src, padi]).reshape(NTT, U, B)
    dst_p = jnp.concatenate([dst, padi]).reshape(NTT, U, B)
    srcdst = jnp.stack([src_p, dst_p], axis=1)
    x_p = jnp.concatenate(
        [x.astype(jnp.float32), jnp.zeros((NPAD - N, D), jnp.float32)]
    )

    ones_rows = jnp.ones((B, D), jnp.float32)
    zrows = jnp.zeros((RPT, D), jnp.float32)

    hists = _sc_hist(srcdst, zrows, ones_rows)
    hs = _tc_pre(x_p, W.astype(jnp.float32), hists)
    parts = _sc_edges(hs, srcdst, zrows)
    out = _tc_post(parts, hs, hists, b.reshape(1, D).astype(jnp.float32))
    return out[:N]

# --- scband reference (transcript-rebuilt; emitter-appended) ---
"""Pipeline reference for scband-graph-rfi-7997229105852 (READ-ONLY COPY).

The authoritative reference and input builder live on the scoring server;
editing this copy changes nothing except your own understanding.
"""

import jax, jax.numpy as jnp
import numpy as np

N_NODES = 10000
N_EDGES = 320000
D_IN = 128
D_HID = 128


def setup_inputs(seed: int = 0) -> dict:
    key = jax.random.key(seed)
    k1, k2, k3 = jax.random.split(key, 3)
    x = jax.random.normal(k1, (N_NODES, D_IN), dtype=jnp.float32)
    edge_index = jax.random.randint(k2, (2, N_EDGES), 0, N_NODES)
    # GCNConv learned parameters (glorot-ish init) and bias
    W = jax.random.normal(k3, (D_IN, D_HID), dtype=jnp.float32) * (1.0 / np.sqrt(D_IN))
    b = jnp.zeros((D_HID,), dtype=jnp.float32)
    return {"x": x, "edge_index": edge_index, "W": W, "b": b}


def _gcn_conv(x, edge_index, W, b):
    # Faithful PyG GCNConv: add self-loops, symmetric normalization,
    # linear transform, scatter-add aggregation, bias.
    N = x.shape[0]
    loop = jnp.arange(N, dtype=edge_index.dtype)
    src = jnp.concatenate([edge_index[0], loop])
    dst = jnp.concatenate([edge_index[1], loop])
    # degree computed on destination nodes (col) with unit edge weights
    deg = jnp.zeros((N,), dtype=jnp.float32).at[dst].add(1.0)
    deg_inv_sqrt = jnp.where(deg > 0, jax.lax.rsqrt(jnp.maximum(deg, 1e-12)), 0.0)
    norm = deg_inv_sqrt[src] * deg_inv_sqrt[dst]
    h = x @ W
    msg = h[src] * norm[:, None]
    out = jnp.zeros((N, W.shape[1]), dtype=jnp.float32).at[dst].add(msg)
    return out + b


def reference(x, edge_index, W, b):
    h = _gcn_conv(x, edge_index, W, b)
    return jax.nn.relu(h)

if __name__ == "__main__":
    import jax
    _d = setup_inputs()
    print(jax.jit(kernel)(*tuple(_d.values())))

</pallas_src>

<mosaic_0001>
#map = affine_map<(d0, d1) -> (0, 0)>
#map1 = affine_map<(d0, d1) -> (0, 0, 0, 0)>
#map2 = affine_map<(d0, d1) -> (0, 0, 0)>
module attributes {stable_mosaic.version = 14 : i64} {
  func.func @_sc_edges(%arg0: i32, %arg1: i32, %arg2: memref<10240x128xf32, #tpu.memory_space<hbm>>, %arg3: memref<1024x2x4x80xi32, #tpu.memory_space<hbm>>, %arg4: memref<640x128xf32, #tpu.memory_space<hbm>>, %arg5: memref<2x10240x128xf32, #tpu.memory_space<hbm>>, %arg6: memref<2x4x80xi32, #tpu.memory_space<vmem>>, %arg7: memref<2x4x80xi32, #tpu.memory_space<vmem>>, %arg8: memref<80x128xf32, #tpu.memory_space<vmem>>, %arg9: memref<80x128xf32, #tpu.memory_space<vmem>>, %arg10: memref<80x128xf32, #tpu.memory_space<vmem>>, %arg11: memref<80x128xf32, #tpu.memory_space<vmem>>, %arg12: memref<10240x128xf32, #tpu.memory_space<vmem_shared>>, %arg13: memref<2x!tpu.dma_semaphore, #tpu.memory_space<semaphore_mem>>, %arg14: memref<4x!tpu.dma_semaphore, #tpu.memory_space<semaphore_mem>>, %arg15: memref<4x!tpu.dma_semaphore, #tpu.memory_space<semaphore_mem>>) attributes {dimension_semantics = [#tpu.dimension_semantics<core_parallel>, #tpu.dimension_semantics<subcore_parallel>], iteration_bounds = array<i64: 2, 16>, scalar_prefetch = 0 : i64, scratch_operands = 10 : i64, tpu.core_type = #tpu.core_type<sc_vector_subcore>, window_params = [{transform_indices = #map}, {transform_indices = #map1}, {transform_indices = #map}, {transform_indices = #map2}]} {
    %mul3A = arith.constant 16 : i32
    %mul3A_0 = arith.muli %arg0, %mul3A : i32
    %add3A = arith.addi %mul3A_0, %arg1 : i32
    %eq3A = arith.constant 0 : i32
    %eq3A_1 = arith.cmpi eq, %arg0, %eq3A : i32
    %jit3A = arith.constant 12 : i32
    %jit3A_2 = arith.constant 52 : i32
    %select_n3A = arith.select %eq3A_1, %jit3A, %jit3A_2 : i32
    %eq3A_3 = arith.constant 0 : i32
    %eq3A_4 = arith.cmpi eq, %arg0, %eq3A_3 : i32
    %mul3A_5 = arith.constant 12 : i32
    %mul3A_6 = arith.muli %arg1, %mul3A_5 : i32
    %mul3A_7 = arith.constant 52 : i32
    %mul3A_8 = arith.muli %arg1, %mul3A_7 : i32
    %add3A_9 = arith.constant 192 : i32
    %add3A_10 = arith.addi %add3A_9, %mul3A_8 : i32
    %select_n3A_11 = arith.select %eq3A_4, %mul3A_6, %add3A_10 : i32
    %mul3A_12 = arith.constant 640 : i32
    %mul3A_13 = arith.muli %arg1, %mul3A_12 : i32
    "tpu.region"() ({
      %run_scoped3A = tpu.sem_alloc : memref<!tpu.dma_semaphore, #tpu.memory_space<semaphore_mem>>
      %dma_start3A_456 = arith.constant 0 : i32
      %dma_start3A_457 = tpu.memref_slice %arg12[%mul3A_13, %dma_start3A_456] : memref<10240x128xf32, #tpu.memory_space<vmem_shared>> -> memref<640x128xf32, #tpu.memory_space<vmem_shared>>
      tpu.enqueue_dma source(%arg4 : memref<640x128xf32, #tpu.memory_space<hbm>>) target(%dma_start3A_457 : memref<640x128xf32, #tpu.memory_space<vmem_shared>>) target_semaphore(%run_scoped3A : memref<!tpu.dma_semaphore, #tpu.memory_space<semaphore_mem>>)
      %dma_wait3A_458 = arith.constant 0 : i32
      %dma_wait3A_459 = tpu.memref_slice %arg12[%mul3A_13, %dma_wait3A_458] : memref<10240x128xf32, #tpu.memory_space<vmem_shared>> -> memref<640x128xf32, #tpu.memory_space<vmem_shared>>
      tpu.wait_dma2 semaphore(%run_scoped3A : memref<!tpu.dma_semaphore, #tpu.memory_space<semaphore_mem>>) src(%arg4 : memref<640x128xf32, #tpu.memory_space<hbm>>) dst(%dma_wait3A_459 : memref<640x128xf32, #tpu.memory_space<vmem_shared>>)
      tpu.yield
    }) : () -> ()
    %dma_start3A = arith.constant 0 : i32
    %dma_start3A_14 = arith.constant 0 : i32
    %dma_start3A_15 = arith.constant 0 : i32
    %dma_start3A_16 = arith.constant 0 : i32
    %dma_start3A_17 = tpu.memref_slice %arg3[%select_n3A_11, %dma_start3A_14, %dma_start3A_15, %dma_start3A_16] : memref<1024x2x4x80xi32, #tpu.memory_space<hbm>> -> memref<1x2x4x80xi32, #tpu.memory_space<hbm>>
    %dma_start3A_18 = tpu.memref_squeeze %dma_start3A_17 : memref<1x2x4x80xi32, #tpu.memory_space<hbm>> -> memref<2x4x80xi32, #tpu.memory_space<hbm>>
    %dma_start3A_19 = tpu.memref_slice %arg13[%dma_start3A] : memref<2x!tpu.dma_semaphore, #tpu.memory_space<semaphore_mem>> -> memref<1x!tpu.dma_semaphore, #tpu.memory_space<semaphore_mem>>
    %dma_start3A_20 = tpu.memref_squeeze %dma_start3A_19 : memref<1x!tpu.dma_semaphore, #tpu.memory_space<semaphore_mem>> -> memref<!tpu.dma_semaphore, #tpu.memory_space<semaphore_mem>>
    %dma_start3A_21 = arith.constant 0 : i32
    %dma_start3A_22 = arith.constant 0 : i32
    %dma_start3A_23 = arith.constant 0 : i32
    %dma_start3A_24 = tpu.memref_slice %arg3[%select_n3A_11, %dma_start3A_21, %dma_start3A_22, %dma_start3A_23] : memref<1024x2x4x80xi32, #tpu.memory_space<hbm>> -> memref<1x2x4x80xi32, #tpu.memory_space<hbm>>
    %dma_start3A_25 = tpu.memref_squeeze %dma_start3A_24 : memref<1x2x4x80xi32, #tpu.memory_space<hbm>> -> memref<2x4x80xi32, #tpu.memory_space<hbm>>
    tpu.enqueue_dma source(%dma_start3A_25 : memref<2x4x80xi32, #tpu.memory_space<hbm>>) target(%arg6 : memref<2x4x80xi32, #tpu.memory_space<vmem>>) target_semaphore(%dma_start3A_20 : memref<!tpu.dma_semaphore, #tpu.memory_space<semaphore_mem>>)
    %barrier3A = arith.constant 0 : index
    tpu.barrier barrier_id(%barrier3A)
    %dma_wait3A = arith.constant 0 : i32
    %dma_wait3A_26 = arith.constant 0 : i32
    %dma_wait3A_27 = arith.constant 0 : i32
    %dma_wait3A_28 = arith.constant 0 : i32
    %dma_wait3A_29 = arith.constant 0 : i32
    %dma_wait3A_30 = tpu.memref_slice %arg3[%dma_wait3A, %dma_wait3A_27, %dma_wait3A_28, %dma_wait3A_29] : memref<1024x2x4x80xi32, #tpu.memory_space<hbm>> -> memref<1x2x4x80xi32, #tpu.memory_space<hbm>>
    %dma_wait3A_31 = tpu.memref_squeeze %dma_wait3A_30 : memref<1x2x4x80xi32, #tpu.memory_space<hbm>> -> memref<2x4x80xi32, #tpu.memory_space<hbm>>
    %dma_wait3A_32 = tpu.memref_slice %arg13[%dma_wait3A_26] : memref<2x!tpu.dma_semaphore, #tpu.memory_space<semaphore_mem>> -> memref<1x!tpu.dma_semaphore, #tpu.memory_space<semaphore_mem>>
    %dma_wait3A_33 = tpu.memref_squeeze %dma_wait3A_32 : memref<1x!tpu.dma_semaphore, #tpu.memory_space<semaphore_mem>> -> memref<!tpu.dma_semaphore, #tpu.memory_space<semaphore_mem>>
    %dma_wait3A_34 = arith.constant 0 : i32
    %dma_wait3A_35 = arith.constant 0 : i32
    %dma_wait3A_36 = arith.constant 0 : i32
    %dma_wait3A_37 = tpu.memref_slice %arg3[%dma_wait3A, %dma_wait3A_34, %dma_wait3A_35, %dma_wait3A_36] : memref<1024x2x4x80xi32, #tpu.memory_space<hbm>> -> memref<1x2x4x80xi32, #tpu.memory_space<hbm>>
    %dma_wait3A_38 = tpu.memref_squeeze %dma_wait3A_37 : memref<1x2x4x80xi32, #tpu.memory_space<hbm>> -> memref<2x4x80xi32, #tpu.memory_space<hbm>>
    tpu.wait_dma2 semaphore(%dma_wait3A_33 : memref<!tpu.dma_semaphore, #tpu.memory_space<semaphore_mem>>) src(%dma_wait3A_38 : memref<2x4x80xi32, #tpu.memory_space<hbm>>) dst(%arg6 : memref<2x4x80xi32, #tpu.memory_space<vmem>>)
    %dma_start3A_39 = arith.constant 0 : i32
    %dma_start3A_40 = arith.constant 0 : i32
    %dma_start3A_41 = arith.constant 0 : i32
    %dma_start3A_42 = arith.constant 0 : i32
    %dma_start3A_43 = tpu.memref_slice %arg6[%dma_start3A_39, %dma_start3A_40, %dma_start3A_42] : memref<2x4x80xi32, #tpu.memory_space<vmem>> -> memref<1x1x80xi32, #tpu.memory_space<vmem>>
    %dma_start3A_44 = tpu.memref_squeeze %dma_start3A_43 : memref<1x1x80xi32, #tpu.memory_space<vmem>> -> memref<80xi32, #tpu.memory_space<vmem>>
    %dma_start3A_45 = arith.constant 0 : i32
    %dma_start3A_46 = arith.constant 0 : i32
    %dma_start3A_47 = tpu.memref_slice %arg2[%dma_start3A_45, %dma_start3A_46] : memref<10240x128xf32, #tpu.memory_space<hbm>> -> memref<10240x128xf32, #tpu.memory_space<hbm>>
    %dma_start3A_48 = tpu.memref_slice %arg14[%dma_start3A_41] : memref<4x!tpu.dma_semaphore, #tpu.memory_space<semaphore_mem>> -> memref<1x!tpu.dma_semaphore, #tpu.memory_space<semaphore_mem>>
    %dma_start3A_49 = tpu.memref_squeeze %dma_start3A_48 : memref<1x!tpu.dma_semaphore, #tpu.memory_space<semaphore_mem>> -> memref<!tpu.dma_semaphore, #tpu.memory_space<semaphore_mem>>
    tpu.enqueue_indirect_dma source(%dma_start3A_47 : memref<10240x128xf32, #tpu.memory_space<hbm>>) target(%arg8 : memref<80x128xf32, #tpu.memory_space<vmem>>) offsets(%dma_start3A_44 : memref<80xi32, #tpu.memory_space<vmem>>) semaphore(%dma_start3A_49 : memref<!tpu.dma_semaphore, #tpu.memory_space<semaphore_mem>>)
    %dma_start3A_50 = arith.constant 0 : i32
    %dma_start3A_51 = arith.constant 1 : i32
    %dma_start3A_52 = arith.constant 1 : i32
    %dma_start3A_53 = arith.constant 0 : i32
    %dma_start3A_54 = tpu.memref_slice %arg6[%dma_start3A_50, %dma_start3A_51, %dma_start3A_53] : memref<2x4x80xi32, #tpu.memory_space<vmem>> -> memref<1x1x80xi32, #tpu.memory_space<vmem>>
    %dma_start3A_55 = tpu.memref_squeeze %dma_start3A_54 : memref<1x1x80xi32, #tpu.memory_space<vmem>> -> memref<80xi32, #tpu.memory_space<vmem>>
    %dma_start3A_56 = arith.constant 0 : i32
    %dma_start3A_57 = arith.constant 0 : i32
    %dma_start3A_58 = tpu.memref_slice %arg2[%dma_start3A_56, %dma_start3A_57] : memref<10240x128xf32, #tpu.memory_space<hbm>> -> memref<10240x128xf32, #tpu.memory_space<hbm>>
    %dma_start3A_59 = tpu.memref_slice %arg14[%dma_start3A_52] : memref<4x!tpu.dma_semaphore, #tpu.memory_space<semaphore_mem>> -> memref<1x!tpu.dma_semaphore, #tpu.memory_space<semaphore_mem>>
    %dma_start3A_60 = tpu.memref_squeeze %dma_start3A_59 : memref<1x!tpu.dma_semaphore, #tpu.memory_space<semaphore_mem>> -> memref<!tpu.dma_semaphore, #tpu.memory_space<semaphore_mem>>
    tpu.enqueue_indirect_dma source(%dma_start3A_58 : memref<10240x128xf32, #tpu.memory_space<hbm>>) target(%arg9 : memref<80x128xf32, #tpu.memory_space<vmem>>) offsets(%dma_start3A_55 : memref<80xi32, #tpu.memory_space<vmem>>) semaphore(%dma_start3A_60 : memref<!tpu.dma_semaphore, #tpu.memory_space<semaphore_mem>>)
    %dma_start3A_61 = arith.constant 0 : i32
    %dma_start3A_62 = arith.constant 2 : i32
    %dma_start3A_63 = arith.constant 2 : i32
    %dma_start3A_64 = arith.constant 0 : i32
    %dma_start3A_65 = tpu.memref_slice %arg6[%dma_start3A_61, %dma_start3A_62, %dma_start3A_64] : memref<2x4x80xi32, #tpu.memory_space<vmem>> -> memref<1x1x80xi32, #tpu.memory_space<vmem>>
    %dma_start3A_66 = tpu.memref_squeeze %dma_start3A_65 : memref<1x1x80xi32, #tpu.memory_space<vmem>> -> memref<80xi32, #tpu.memory_space<vmem>>
    %dma_start3A_67 = arith.constant 0 : i32
    %dma_start3A_68 = arith.constant 0 : i32
    %dma_start3A_69 = tpu.memref_slice %arg2[%dma_start3A_67, %dma_start3A_68] : memref<10240x128xf32, #tpu.memory_space<hbm>> -> memref<10240x128xf32, #tpu.memory_space<hbm>>
    %dma_start3A_70 = tpu.memref_slice %arg14[%dma_start3A_63] : memref<4x!tpu.dma_semaphore, #tpu.memory_space<semaphore_mem>> -> memref<1x!tpu.dma_semaphore, #tpu.memory_space<semaphore_mem>>
    %dma_start3A_71 = tpu.memref_squeeze %dma_start3A_70 : memref<1x!tpu.dma_semaphore, #tpu.memory_space<semaphore_mem>> -> memref<!tpu.dma_semaphore, #tpu.memory_space<semaphore_mem>>
    tpu.enqueue_indirect_dma source(%dma_start3A_69 : memref<10240x128xf32, #tpu.memory_space<hbm>>) target(%arg10 : memref<80x128xf32, #tpu.memory_space<vmem>>) offsets(%dma_start3A_66 : memref<80xi32, #tpu.memory_space<vmem>>) semaphore(%dma_start3A_71 : memref<!tpu.dma_semaphore, #tpu.memory_space<semaphore_mem>>)
    %dma_start3A_72 = arith.constant 0 : i32
    %dma_start3A_73 = arith.constant 3 : i32
    %dma_start3A_74 = arith.constant 3 : i32
    %dma_start3A_75 = arith.constant 0 : i32
    %dma_start3A_76 = tpu.memref_slice %arg6[%dma_start3A_72, %dma_start3A_73, %dma_start3A_75] : memref<2x4x80xi32, #tpu.memory_space<vmem>> -> memref<1x1x80xi32, #tpu.memory_space<vmem>>
    %dma_start3A_77 = tpu.memref_squeeze %dma_start3A_76 : memref<1x1x80xi32, #tpu.memory_space<vmem>> -> memref<80xi32, #tpu.memory_space<vmem>>
    %dma_start3A_78 = arith.constant 0 : i32
    %dma_start3A_79 = arith.constant 0 : i32
    %dma_start3A_80 = tpu.memref_slice %arg2[%dma_start3A_78, %dma_start3A_79] : memref<10240x128xf32, #tpu.memory_space<hbm>> -> memref<10240x128xf32, #tpu.memory_space<hbm>>
    %dma_start3A_81 = tpu.memref_slice %arg14[%dma_start3A_74] : memref<4x!tpu.dma_semaphore, #tpu.memory_space<semaphore_mem>> -> memref<1x!tpu.dma_semaphore, #tpu.memory_space<semaphore_mem>>
    %dma_start3A_82 = tpu.memref_squeeze %dma_start3A_81 : memref<1x!tpu.dma_semaphore, #tpu.memory_space<semaphore_mem>> -> memref<!tpu.dma_semaphore, #tpu.memory_space<semaphore_mem>>
    tpu.enqueue_indirect_dma source(%dma_start3A_80 : memref<10240x128xf32, #tpu.memory_space<hbm>>) target(%arg11 : memref<80x128xf32, #tpu.memory_space<vmem>>) offsets(%dma_start3A_77 : memref<80xi32, #tpu.memory_space<vmem>>) semaphore(%dma_start3A_82 : memref<!tpu.dma_semaphore, #tpu.memory_space<semaphore_mem>>)
    %add3A_83 = arith.constant 0 : i32
    %add3A_84 = arith.addi %select_n3A_11, %add3A_83 : i32
    %add3A_85 = arith.constant 1 : i32
    %add3A_86 = arith.addi %add3A_84, %add3A_85 : i32
    %dma_start3A_87 = arith.constant 1 : i32
    %dma_start3A_88 = arith.constant 0 : i32
    %dma_start3A_89 = arith.constant 0 : i32
    %dma_start3A_90 = arith.constant 0 : i32
    %dma_start3A_91 = tpu.memref_slice %arg3[%add3A_86, %dma_start3A_88, %dma_start3A_89, %dma_start3A_90] : memref<1024x2x4x80xi32, #tpu.memory_space<hbm>> -> memref<1x2x4x80xi32, #tpu.memory_space<hbm>>
    %dma_start3A_92 = tpu.memref_squeeze %dma_start3A_91 : memref<1x2x4x80xi32, #tpu.memory_space<hbm>> -> memref<2x4x80xi32, #tpu.memory_space<hbm>>
    %dma_start3A_93 = tpu.memref_slice %arg13[%dma_start3A_87] : memref<2x!tpu.dma_semaphore, #tpu.memory_space<semaphore_mem>> -> memref<1x!tpu.dma_semaphore, #tpu.memory_space<semaphore_mem>>
    %dma_start3A_94 = tpu.memref_squeeze %dma_start3A_93 : memref<1x!tpu.dma_semaphore, #tpu.memory_space<semaphore_mem>> -> memref<!tpu.dma_semaphore, #tpu.memory_space<semaphore_mem>>
    %dma_start3A_95 = arith.constant 0 : i32
    %dma_start3A_96 = arith.constant 0 : i32
    %dma_start3A_97 = arith.constant 0 : i32
    %dma_start3A_98 = tpu.memref_slice %arg3[%add3A_86, %dma_start3A_95, %dma_start3A_96, %dma_start3A_97] : memref<1024x2x4x80xi32, #tpu.memory_space<hbm>> -> memref<1x2x4x80xi32, #tpu.memory_space<hbm>>
    %dma_start3A_99 = tpu.memref_squeeze %dma_start3A_98 : memref<1x2x4x80xi32, #tpu.memory_space<hbm>> -> memref<2x4x80xi32, #tpu.memory_space<hbm>>
    tpu.enqueue_dma source(%dma_start3A_99 : memref<2x4x80xi32, #tpu.memory_space<hbm>>) target(%arg7 : memref<2x4x80xi32, #tpu.memory_space<vmem>>) target_semaphore(%dma_start3A_94 : memref<!tpu.dma_semaphore, #tpu.memory_space<semaphore_mem>>)
    %dma_wait3A_100 = arith.constant 0 : i32
    %dma_wait3A_101 = arith.constant 0 : i32
    %dma_wait3A_102 = arith.constant 0 : i32
    %dma_wait3A_103 = arith.constant 0 : i32
    %dma_wait3A_104 = tpu.memref_slice %arg6[%dma_wait3A_100, %dma_wait3A_101, %dma_wait3A_103] : memref<2x4x80xi32, #tpu.memory_space<vmem>> -> memref<1x1x80xi32, #tpu.memory_space<vmem>>
    %dma_wait3A_105 = tpu.memref_squeeze %dma_wait3A_104 : memref<1x1x80xi32, #tpu.memory_space<vmem>> -> memref<80xi32, #tpu.memory_space<vmem>>
    %dma_wait3A_106 = arith.constant 0 : i32
    %dma_wait3A_107 = arith.constant 0 : i32
    %dma_wait3A_108 = tpu.memref_slice %arg2[%dma_wait3A_106, %dma_wait3A_107] : memref<10240x128xf32, #tpu.memory_space<hbm>> -> memref<10240x128xf32, #tpu.memory_space<hbm>>
    %dma_wait3A_109 = tpu.memref_slice %arg14[%dma_wait3A_102] : memref<4x!tpu.dma_semaphore, #tpu.memory_space<semaphore_mem>> -> memref<1x!tpu.dma_semaphore, #tpu.memory_space<semaphore_mem>>
    %dma_wait3A_110 = tpu.memref_squeeze %dma_wait3A_109 : memref<1x!tpu.dma_semaphore, #tpu.memory_space<semaphore_mem>> -> memref<!tpu.dma_semaphore, #tpu.memory_space<semaphore_mem>>
    tpu.wait_indirect_dma semaphore(%dma_wait3A_110 : memref<!tpu.dma_semaphore, #tpu.memory_space<semaphore_mem>>) src(%dma_wait3A_108 : memref<10240x128xf32, #tpu.memory_space<hbm>>) dst(%arg8 : memref<80x128xf32, #tpu.memory_space<vmem>>)
    %dma_start3A_111 = arith.constant 1 : i32
    %dma_start3A_112 = arith.constant 0 : i32
    %dma_start3A_113 = arith.constant 0 : i32
    %dma_start3A_114 = arith.constant 0 : i32
    %dma_start3A_115 = tpu.memref_slice %arg6[%dma_start3A_111, %dma_start3A_112, %dma_start3A_114] : memref<2x4x80xi32, #tpu.memory_space<vmem>> -> memref<1x1x80xi32, #tpu.memory_space<vmem>>
    %dma_start3A_116 = tpu.memref_squeeze %dma_start3A_115 : memref<1x1x80xi32, #tpu.memory_space<vmem>> -> memref<80xi32, #tpu.memory_space<vmem>>
    %dma_start3A_117 = arith.constant 0 : i32
    %dma_start3A_118 = arith.constant 0 : i32
    %dma_start3A_119 = tpu.memref_slice %arg12[%dma_start3A_117, %dma_start3A_118] : memref<10240x128xf32, #tpu.memory_space<vmem_shared>> -> memref<10240x128xf32, #tpu.memory_space<vmem_shared>>
    %dma_start3A_120 = tpu.memref_slice %arg15[%dma_start3A_113] : memref<4x!tpu.dma_semaphore, #tpu.memory_space<semaphore_mem>> -> memref<1x!tpu.dma_semaphore, #tpu.memory_space<semaphore_mem>>
    %dma_start3A_121 = tpu.memref_squeeze %dma_start3A_120 : memref<1x!tpu.dma_semaphore, #tpu.memory_space<semaphore_mem>> -> memref<!tpu.dma_semaphore, #tpu.memory_space<semaphore_mem>>
    tpu.enqueue_indirect_dma source(%arg8 : memref<80x128xf32, #tpu.memory_space<vmem>>) target(%dma_start3A_119 : memref<10240x128xf32, #tpu.memory_space<vmem_shared>>) offsets(%dma_start3A_116 : memref<80xi32, #tpu.memory_space<vmem>>) semaphore(%dma_start3A_121 : memref<!tpu.dma_semaphore, #tpu.memory_space<semaphore_mem>>) {add = true}
    %dma_wait3A_122 = arith.constant 0 : i32
    %dma_wait3A_123 = arith.constant 1 : i32
    %dma_wait3A_124 = arith.constant 1 : i32
    %dma_wait3A_125 = arith.constant 0 : i32
    %dma_wait3A_126 = tpu.memref_slice %arg6[%dma_wait3A_122, %dma_wait3A_123, %dma_wait3A_125] : memref<2x4x80xi32, #tpu.memory_space<vmem>> -> memref<1x1x80xi32, #tpu.memory_space<vmem>>
    %dma_wait3A_127 = tpu.memref_squeeze %dma_wait3A_126 : memref<1x1x80xi32, #tpu.memory_space<vmem>> -> memref<80xi32, #tpu.memory_space<vmem>>
    %dma_wait3A_128 = arith.constant 0 : i32
    %dma_wait3A_129 = arith.constant 0 : i32
    %dma_wait3A_130 = tpu.memref_slice %arg2[%dma_wait3A_128, %dma_wait3A_129] : memref<10240x128xf32, #tpu.memory_space<hbm>> -> memref<10240x128xf32, #tpu.memory_space<hbm>>
    %dma_wait3A_131 = tpu.memref_slice %arg14[%dma_wait3A_124] : memref<4x!tpu.dma_semaphore, #tpu.memory_space<semaphore_mem>> -> memref<1x!tpu.dma_semaphore, #tpu.memory_space<semaphore_mem>>
    %dma_wait3A_132 = tpu.memref_squeeze %dma_wait3A_131 : memref<1x!tpu.dma_semaphore, #tpu.memory_space<semaphore_mem>> -> memref<!tpu.dma_semaphore, #tpu.memory_space<semaphore_mem>>
    tpu.wait_indirect_dma semaphore(%dma_wait3A_132 : memref<!tpu.dma_semaphore, #tpu.memory_space<semaphore_mem>>) src(%dma_wait3A_130 : memref<10240x128xf32, #tpu.memory_space<hbm>>) dst(%arg9 : memref<80x128xf32, #tpu.memory_space<vmem>>)
    %dma_start3A_133 = arith.constant 1 : i32
    %dma_start3A_134 = arith.constant 1 : i32
    %dma_start3A_135 = arith.constant 1 : i32
    %dma_start3A_136 = arith.constant 0 : i32
    %dma_start3A_137 = tpu.memref_slice %arg6[%dma_start3A_133, %dma_start3A_134, %dma_start3A_136] : memref<2x4x80xi32, #tpu.memory_space<vmem>> -> memref<1x1x80xi32, #tpu.memory_space<vmem>>
    %dma_start3A_138 = tpu.memref_squeeze %dma_start3A_137 : memref<1x1x80xi32, #tpu.memory_space<vmem>> -> memref<80xi32, #tpu.memory_space<vmem>>
    %dma_start3A_139 = arith.constant 0 : i32
    %dma_start3A_140 = arith.constant 0 : i32
    %dma_start3A_141 = tpu.memref_slice %arg12[%dma_start3A_139, %dma_start3A_140] : memref<10240x128xf32, #tpu.memory_space<vmem_shared>> -> memref<10240x128xf32, #tpu.memory_space<vmem_shared>>
    %dma_start3A_142 = tpu.memref_slice %arg15[%dma_start3A_135] : memref<4x!tpu.dma_semaphore, #tpu.memory_space<semaphore_mem>> -> memref<1x!tpu.dma_semaphore, #tpu.memory_space<semaphore_mem>>
    %dma_start3A_143 = tpu.memref_squeeze %dma_start3A_142 : memref<1x!tpu.dma_semaphore, #tpu.memory_space<semaphore_mem>> -> memref<!tpu.dma_semaphore, #tpu.memory_space<semaphore_mem>>
    tpu.enqueue_indirect_dma source(%arg9 : memref<80x128xf32, #tpu.memory_space<vmem>>) target(%dma_start3A_141 : memref<10240x128xf32, #tpu.memory_space<vmem_shared>>) offsets(%dma_start3A_138 : memref<80xi32, #tpu.memory_space<vmem>>) semaphore(%dma_start3A_143 : memref<!tpu.dma_semaphore, #tpu.memory_space<semaphore_mem>>) {add = true}
    %dma_wait3A_144 = arith.constant 0 : i32
    %dma_wait3A_145 = arith.constant 2 : i32
    %dma_wait3A_146 = arith.constant 2 : i32
    %dma_wait3A_147 = arith.constant 0 : i32
    %dma_wait3A_148 = tpu.memref_slice %arg6[%dma_wait3A_144, %dma_wait3A_145, %dma_wait3A_147] : memref<2x4x80xi32, #tpu.memory_space<vmem>> -> memref<1x1x80xi32, #tpu.memory_space<vmem>>
    %dma_wait3A_149 = tpu.memref_squeeze %dma_wait3A_148 : memref<1x1x80xi32, #tpu.memory_space<vmem>> -> memref<80xi32, #tpu.memory_space<vmem>>
    %dma_wait3A_150 = arith.constant 0 : i32
    %dma_wait3A_151 = arith.constant 0 : i32
    %dma_wait3A_152 = tpu.memref_slice %arg2[%dma_wait3A_150, %dma_wait3A_151] : memref<10240x128xf32, #tpu.memory_space<hbm>> -> memref<10240x128xf32, #tpu.memory_space<hbm>>
    %dma_wait3A_153 = tpu.memref_slice %arg14[%dma_wait3A_146] : memref<4x!tpu.dma_semaphore, #tpu.memory_space<semaphore_mem>> -> memref<1x!tpu.dma_semaphore, #tpu.memory_space<semaphore_mem>>
    %dma_wait3A_154 = tpu.memref_squeeze %dma_wait3A_153 : memref<1x!tpu.dma_semaphore, #tpu.memory_space<semaphore_mem>> -> memref<!tpu.dma_semaphore, #tpu.memory_space<semaphore_mem>>
    tpu.wait_indirect_dma semaphore(%dma_wait3A_154 : memref<!tpu.dma_semaphore, #tpu.memory_space<semaphore_mem>>) src(%dma_wait3A_152 : memref<10240x128xf32, #tpu.memory_space<hbm>>) dst(%arg10 : memref<80x128xf32, #tpu.memory_space<vmem>>)
    %dma_start3A_155 = arith.constant 1 : i32
    %dma_start3A_156 = arith.constant 2 : i32
    %dma_start3A_157 = arith.constant 2 : i32
    %dma_start3A_158 = arith.constant 0 : i32
    %dma_start3A_159 = tpu.memref_slice %arg6[%dma_start3A_155, %dma_start3A_156, %dma_start3A_158] : memref<2x4x80xi32, #tpu.memory_space<vmem>> -> memref<1x1x80xi32, #tpu.memory_space<vmem>>
    %dma_start3A_160 = tpu.memref_squeeze %dma_start3A_159 : memref<1x1x80xi32, #tpu.memory_space<vmem>> -> memref<80xi32, #tpu.memory_space<vmem>>
    %dma_start3A_161 = arith.constant 0 : i32
    %dma_start3A_162 = arith.constant 0 : i32
    %dma_start3A_163 = tpu.memref_slice %arg12[%dma_start3A_161, %dma_start3A_162] : memref<10240x128xf32, #tpu.memory_space<vmem_shared>> -> memref<10240x128xf32, #tpu.memory_space<vmem_shared>>
    %dma_start3A_164 = tpu.memref_slice %arg15[%dma_start3A_157] : memref<4x!tpu.dma_semaphore, #tpu.memory_space<semaphore_mem>> -> memref<1x!tpu.dma_semaphore, #tpu.memory_space<semaphore_mem>>
    %dma_start3A_165 = tpu.memref_squeeze %dma_start3A_164 : memref<1x!tpu.dma_semaphore, #tpu.memory_space<semaphore_mem>> -> memref<!tpu.dma_semaphore, #tpu.memory_space<semaphore_mem>>
    tpu.enqueue_indirect_dma source(%arg10 : memref<80x128xf32, #tpu.memory_space<vmem>>) target(%dma_start3A_163 : memref<10240x128xf32, #tpu.memory_space<vmem_shared>>) offsets(%dma_start3A_160 : memref<80xi32, #tpu.memory_space<vmem>>) semaphore(%dma_start3A_165 : memref<!tpu.dma_semaphore, #tpu.memory_space<semaphore_mem>>) {add = true}
    %dma_wait3A_166 = arith.constant 0 : i32
    %dma_wait3A_167 = arith.constant 3 : i32
    %dma_wait3A_168 = arith.constant 3 : i32
    %dma_wait3A_169 = arith.constant 0 : i32
    %dma_wait3A_170 = tpu.memref_slice %arg6[%dma_wait3A_166, %dma_wait3A_167, %dma_wait3A_169] : memref<2x4x80xi32, #tpu.memory_space<vmem>> -> memref<1x1x80xi32, #tpu.memory_space<vmem>>
    %dma_wait3A_171 = tpu.memref_squeeze %dma_wait3A_170 : memref<1x1x80xi32, #tpu.memory_space<vmem>> -> memref<80xi32, #tpu.memory_space<vmem>>
    %dma_wait3A_172 = arith.constant 0 : i32
    %dma_wait3A_173 = arith.constant 0 : i32
    %dma_wait3A_174 = tpu.memref_slice %arg2[%dma_wait3A_172, %dma_wait3A_173] : memref<10240x128xf32, #tpu.memory_space<hbm>> -> memref<10240x128xf32, #tpu.memory_space<hbm>>
    %dma_wait3A_175 = tpu.memref_slice %arg14[%dma_wait3A_168] : memref<4x!tpu.dma_semaphore, #tpu.memory_space<semaphore_mem>> -> memref<1x!tpu.dma_semaphore, #tpu.memory_space<semaphore_mem>>
    %dma_wait3A_176 = tpu.memref_squeeze %dma_wait3A_175 : memref<1x!tpu.dma_semaphore, #tpu.memory_space<semaphore_mem>> -> memref<!tpu.dma_semaphore, #tpu.memory_space<semaphore_mem>>
    tpu.wait_indirect_dma semaphore(%dma_wait3A_176 : memref<!tpu.dma_semaphore, #tpu.memory_space<semaphore_mem>>) src(%dma_wait3A_174 : memref<10240x128xf32, #tpu.memory_space<hbm>>) dst(%arg11 : memref<80x128xf32, #tpu.memory_space<vmem>>)
    %dma_start3A_177 = arith.constant 1 : i32
    %dma_start3A_178 = arith.constant 3 : i32
    %dma_start3A_179 = arith.constant 3 : i32
    %dma_start3A_180 = arith.constant 0 : i32
    %dma_start3A_181 = tpu.memref_slice %arg6[%dma_start3A_177, %dma_start3A_178, %dma_start3A_180] : memref<2x4x80xi32, #tpu.memory_space<vmem>> -> memref<1x1x80xi32, #tpu.memory_space<vmem>>
    %dma_start3A_182 = tpu.memref_squeeze %dma_start3A_181 : memref<1x1x80xi32, #tpu.memory_space<vmem>> -> memref<80xi32, #tpu.memory_space<vmem>>
    %dma_start3A_183 = arith.constant 0 : i32
    %dma_start3A_184 = arith.constant 0 : i32
    %dma_start3A_185 = tpu.memref_slice %arg12[%dma_start3A_183, %dma_start3A_184] : memref<10240x128xf32, #tpu.memory_space<vmem_shared>> -> memref<10240x128xf32, #tpu.memory_space<vmem_shared>>
    %dma_start3A_186 = tpu.memref_slice %arg15[%dma_start3A_179] : memref<4x!tpu.dma_semaphore, #tpu.memory_space<semaphore_mem>> -> memref<1x!tpu.dma_semaphore, #tpu.memory_space<semaphore_mem>>
    %dma_start3A_187 = tpu.memref_squeeze %dma_start3A_186 : memref<1x!tpu.dma_semaphore, #tpu.memory_space<semaphore_mem>> -> memref<!tpu.dma_semaphore, #tpu.memory_space<semaphore_mem>>
    tpu.enqueue_indirect_dma source(%arg11 : memref<80x128xf32, #tpu.memory_space<vmem>>) target(%dma_start3A_185 : memref<10240x128xf32, #tpu.memory_space<vmem_shared>>) offsets(%dma_start3A_182 : memref<80xi32, #tpu.memory_space<vmem>>) semaphore(%dma_start3A_187 : memref<!tpu.dma_semaphore, #tpu.memory_space<semaphore_mem>>) {add = true}
    %sub3A = arith.constant 2 : i32
    %sub3A_188 = arith.subi %select_n3A, %sub3A : i32
    %jit3A_189 = arith.constant 2 : i32
    %div3A = arith.divsi %sub3A_188, %jit3A_189 : i32
    %sign3A = arith.constant 0 : i32
    %sign3A_190 = arith.cmpi sgt, %sub3A_188, %sign3A : i32
    %sign3A_191 = arith.extui %sign3A_190 : i1 to i32
    %sign3A_192 = arith.constant 0 : i32
    %sign3A_193 = arith.cmpi slt, %sub3A_188, %sign3A_192 : i32
    %sign3A_194 = arith.extui %sign3A_193 : i1 to i32
    %sign3A_195 = arith.subi %sign3A_191, %sign3A_194 : i32
    %sign3A_196 = arith.constant 0 : i32
    %sign3A_197 = arith.cmpi sgt, %jit3A_189, %sign3A_196 : i32
    %sign3A_198 = arith.extui %sign3A_197 : i1 to i32
    %sign3A_199 = arith.constant 0 : i32
    %sign3A_200 = arith.cmpi slt, %jit3A_189, %sign3A_199 : i32
    %sign3A_201 = arith.extui %sign3A_200 : i1 to i32
    %sign3A_202 = arith.subi %sign3A_198, %sign3A_201 : i32
    %ne3A = arith.cmpi ne, %sign3A_195, %sign3A_202 : i32
    %rem3A = arith.remsi %sub3A_188, %jit3A_189 : i32
    %ne3A_203 = arith.constant 0 : i32
    %ne3A_204 = arith.cmpi ne, %rem3A, %ne3A_203 : i32
    %and3A = arith.andi %ne3A, %ne3A_204 : i1
    %sub3A_205 = arith.constant 1 : i32
    %sub3A_206 = arith.subi %div3A, %sub3A_205 : i32
    %select_n3A_207 = arith.select %and3A, %sub3A_206, %div3A : i32
    %while3A = arith.constant 0 : i32
    %while3A_208 = arith.constant 0 : i32
    %while3A_209 = arith.subi %select_n3A_207, %while3A_208 : i32
    %while3A_210 = arith.addi %while3A_208, %while3A_209 : i32
    %while3A_211 = arith.constant 1 : i32
    %while3A_212 = arith.divsi %while3A_209, %while3A_211 : i32
    %while3A_213 = arith.muli %while3A_212, %while3A_211 : i32
    %while3A_214 = arith.addi %while3A_208, %while3A_213 : i32
    %while3A_215 = arith.constant 1 : i32
    scf.for %while3A_456 = %while3A_208 to %while3A_214 step %while3A_215  : i32 {
      %mul3A_457 = arith.constant 2 : i32
      %mul3A_458 = arith.muli %mul3A_457, %while3A_456 : i32
      %add3A_459 = arith.constant 1 : i32
      %add3A_460 = arith.addi %mul3A_458, %add3A_459 : i32
      %jit3A_461 = arith.constant 2 : i32
      %eq3A_462 = arith.constant 0 : i32
      %eq3A_463 = arith.cmpi eq, %jit3A_461, %eq3A_462 : i32
      %jit3A_464 = arith.constant 1 : i32
      %select_n3A_465 = arith.select %eq3A_463, %jit3A_464, %jit3A_461 : i32
      %rem3A_466 = arith.remsi %add3A_460, %select_n3A_465 : i32
      %ne3A_467 = arith.constant 0 : i32
      %ne3A_468 = arith.cmpi ne, %rem3A_466, %ne3A_467 : i32
      %lt3A_469 = arith.constant 0 : i32
      %lt3A_470 = arith.cmpi slt, %rem3A_466, %lt3A_469 : i32
      %lt3A_471 = arith.constant 0 : i32
      %lt3A_472 = arith.cmpi slt, %select_n3A_465, %lt3A_471 : i32
      %ne3A_473 = arith.xori %lt3A_470, %lt3A_472 : i1
      %and3A_474 = arith.andi %ne3A_473, %ne3A_468 : i1
      %add3A_475 = arith.addi %rem3A_466, %select_n3A_465 : i32
      %select_n3A_476 = arith.select %and3A_474, %add3A_475, %rem3A_466 : i32
      %dma_wait3A_477 = arith.constant 0 : i32
      %dma_wait3A_478 = arith.constant 0 : i32
      %dma_wait3A_479 = arith.constant 0 : i32
      %dma_wait3A_480 = arith.constant 0 : i32
      %dma_wait3A_481 = tpu.memref_slice %arg3[%dma_wait3A_477, %dma_wait3A_478, %dma_wait3A_479, %dma_wait3A_480] : memref<1024x2x4x80xi32, #tpu.memory_space<hbm>> -> memref<1x2x4x80xi32, #tpu.memory_space<hbm>>
      %dma_wait3A_482 = tpu.memref_squeeze %dma_wait3A_481 : memref<1x2x4x80xi32, #tpu.memory_space<hbm>> -> memref<2x4x80xi32, #tpu.memory_space<hbm>>
      %dma_wait3A_483 = tpu.memref_slice %arg13[%select_n3A_476] : memref<2x!tpu.dma_semaphore, #tpu.memory_space<semaphore_mem>> -> memref<1x!tpu.dma_semaphore, #tpu.memory_space<semaphore_mem>>
      %dma_wait3A_484 = tpu.memref_squeeze %dma_wait3A_483 : memref<1x!tpu.dma_semaphore, #tpu.memory_space<semaphore_mem>> -> memref<!tpu.dma_semaphore, #tpu.memory_space<semaphore_mem>>
      %dma_wait3A_485 = arith.constant 0 : i32
      %dma_wait3A_486 = arith.constant 0 : i32
      %dma_wait3A_487 = arith.constant 0 : i32
      %dma_wait3A_488 = tpu.memref_slice %arg3[%dma_wait3A_477, %dma_wait3A_485, %dma_wait3A_486, %dma_wait3A_487] : memref<1024x2x4x80xi32, #tpu.memory_space<hbm>> -> memref<1x2x4x80xi32, #tpu.memory_space<hbm>>
      %dma_wait3A_489 = tpu.memref_squeeze %dma_wait3A_488 : memref<1x2x4x80xi32, #tpu.memory_space<hbm>> -> memref<2x4x80xi32, #tpu.memory_space<hbm>>
      tpu.wait_dma2 semaphore(%dma_wait3A_484 : memref<!tpu.dma_semaphore, #tpu.memory_space<semaphore_mem>>) src(%dma_wait3A_489 : memref<2x4x80xi32, #tpu.memory_space<hbm>>) dst(%arg7 : memref<2x4x80xi32, #tpu.memory_space<vmem>>)
      %dma_wait3A_490 = arith.constant 0 : i32
      %dma_wait3A_491 = arith.constant 0 : i32
      %dma_wait3A_492 = arith.constant 0 : i32
      %dma_wait3A_493 = tpu.memref_slice %arg12[%dma_wait3A_491, %dma_wait3A_492] : memref<10240x128xf32, #tpu.memory_space<vmem_shared>> -> memref<80x128xf32, #tpu.memory_space<vmem_shared>>
      %dma_wait3A_494 = tpu.memref_slice %arg15[%dma_wait3A_490] : memref<4x!tpu.dma_semaphore, #tpu.memory_space<semaphore_mem>> -> memref<1x!tpu.dma_semaphore, #tpu.memory_space<semaphore_mem>>
      %dma_wait3A_495 = tpu.memref_squeeze %dma_wait3A_494 : memref<1x!tpu.dma_semaphore, #tpu.memory_space<semaphore_mem>> -> memref<!tpu.dma_semaphore, #tpu.memory_space<semaphore_mem>>
      %dma_wait3A_496 = arith.constant 0 : i32
      %dma_wait3A_497 = arith.constant 0 : i32
      %dma_wait3A_498 = tpu.memref_slice %arg12[%dma_wait3A_496, %dma_wait3A_497] : memref<10240x128xf32, #tpu.memory_space<vmem_shared>> -> memref<80x128xf32, #tpu.memory_space<vmem_shared>>
      tpu.wait_dma2 semaphore(%dma_wait3A_495 : memref<!tpu.dma_semaphore, #tpu.memory_space<semaphore_mem>>) src(%arg8 : memref<80x128xf32, #tpu.memory_space<vmem>>) dst(%dma_wait3A_498 : memref<80x128xf32, #tpu.memory_space<vmem_shared>>)
      %dma_start3A_499 = arith.constant 0 : i32
      %dma_start3A_500 = arith.constant 0 : i32
      %dma_start3A_501 = arith.constant 0 : i32
      %dma_start3A_502 = arith.constant 0 : i32
      %dma_start3A_503 = tpu.memref_slice %arg7[%dma_start3A_499, %dma_start3A_500, %dma_start3A_502] : memref<2x4x80xi32, #tpu.memory_space<vmem>> -> memref<1x1x80xi32, #tpu.memory_space<vmem>>
      %dma_start3A_504 = tpu.memref_squeeze %dma_start3A_503 : memref<1x1x80xi32, #tpu.memory_space<vmem>> -> memref<80xi32, #tpu.memory_space<vmem>>
      %dma_start3A_505 = arith.constant 0 : i32
      %dma_start3A_506 = arith.constant 0 : i32
      %dma_start3A_507 = tpu.memref_slice %arg2[%dma_start3A_505, %dma_start3A_506] : memref<10240x128xf32, #tpu.memory_space<hbm>> -> memref<10240x128xf32, #tpu.memory_space<hbm>>
      %dma_start3A_508 = tpu.memref_slice %arg14[%dma_start3A_501] : memref<4x!tpu.dma_semaphore, #tpu.memory_space<semaphore_mem>> -> memref<1x!tpu.dma_semaphore, #tpu.memory_space<semaphore_mem>>
      %dma_start3A_509 = tpu.memref_squeeze %dma_start3A_508 : memref<1x!tpu.dma_semaphore, #tpu.memory_space<semaphore_mem>> -> memref<!tpu.dma_semaphore, #tpu.memory_space<semaphore_mem>>
      tpu.enqueue_indirect_dma source(%dma_start3A_507 : memref<10240x128xf32, #tpu.memory_space<hbm>>) target(%arg8 : memref<80x128xf32, #tpu.memory_space<vmem>>) offsets(%dma_start3A_504 : memref<80xi32, #tpu.memory_space<vmem>>) semaphore(%dma_start3A_509 : memref<!tpu.dma_semaphore, #tpu.memory_space<semaphore_mem>>)
      %dma_wait3A_510 = arith.constant 1 : i32
      %dma_wait3A_511 = arith.constant 0 : i32
      %dma_wait3A_512 = arith.constant 0 : i32
      %dma_wait3A_513 = tpu.memref_slice %arg12[%dma_wait3A_511, %dma_wait3A_512] : memref<10240x128xf32, #tpu.memory_space<vmem_shared>> -> memref<80x128xf32, #tpu.memory_space<vmem_shared>>
      %dma_wait3A_514 = tpu.memref_slice %arg15[%dma_wait3A_510] : memref<4x!tpu.dma_semaphore, #tpu.memory_space<semaphore_mem>> -> memref<1x!tpu.dma_semaphore, #tpu.memory_space<semaphore_mem>>
      %dma_wait3A_515 = tpu.memref_squeeze %dma_wait3A_514 : memref<1x!tpu.dma_semaphore, #tpu.memory_space<semaphore_mem>> -> memref<!tpu.dma_semaphore, #tpu.memory_space<semaphore_mem>>
      %dma_wait3A_516 = arith.constant 0 : i32
      %dma_wait3A_517 = arith.constant 0 : i32
      %dma_wait3A_518 = tpu.memref_slice %arg12[%dma_wait3A_516, %dma_wait3A_517] : memref<10240x128xf32, #tpu.memory_space<vmem_shared>> -> memref<80x128xf32, #tpu.memory_space<vmem_shared>>
      tpu.wait_dma2 semaphore(%dma_wait3A_515 : memref<!tpu.dma_semaphore, #tpu.memory_space<semaphore_mem>>) src(%arg9 : memref<80x128xf32, #tpu.memory_space<vmem>>) dst(%dma_wait3A_518 : memref<80x128xf32, #tpu.memory_space<vmem_shared>>)
      %dma_start3A_519 = arith.constant 0 : i32
      %dma_start3A_520 = arith.constant 1 : i32
      %dma_start3A_521 = arith.constant 1 : i32
      %dma_start3A_522 = arith.constant 0 : i32
      %dma_start3A_523 = tpu.memref_slice %arg7[%dma_start3A_519, %dma_start3A_520, %dma_start3A_522] : memref<2x4x80xi32, #tpu.memory_space<vmem>> -> memref<1x1x80xi32, #tpu.memory_space<vmem>>
      %dma_start3A_524 = tpu.memref_squeeze %dma_start3A_523 : memref<1x1x80xi32, #tpu.memory_space<vmem>> -> memref<80xi32, #tpu.memory_space<vmem>>
      %dma_start3A_525 = arith.constant 0 : i32
      %dma_start3A_526 = arith.constant 0 : i32
      %dma_start3A_527 = tpu.memref_slice %arg2[%dma_start3A_525, %dma_start3A_526] : memref<10240x128xf32, #tpu.memory_space<hbm>> -> memref<10240x128xf32, #tpu.memory_space<hbm>>
      %dma_start3A_528 = tpu.memref_slice %arg14[%dma_start3A_521] : memref<4x!tpu.dma_semaphore, #tpu.memory_space<semaphore_mem>> -> memref<1x!tpu.dma_semaphore, #tpu.memory_space<semaphore_mem>>
      %dma_start3A_529 = tpu.memref_squeeze %dma_start3A_528 : memref<1x!tpu.dma_semaphore, #tpu.memory_space<semaphore_mem>> -> memref<!tpu.dma_semaphore, #tpu.memory_space<semaphore_mem>>
      tpu.enqueue_indirect_dma source(%dma_start3A_527 : memref<10240x128xf32, #tpu.memory_space<hbm>>) target(%arg9 : memref<80x128xf32, #tpu.memory_space<vmem>>) offsets(%dma_start3A_524 : memref<80xi32, #tpu.memory_space<vmem>>) semaphore(%dma_start3A_529 : memref<!tpu.dma_semaphore, #tpu.memory_space<semaphore_mem>>)
      %dma_wait3A_530 = arith.constant 2 : i32
      %dma_wait3A_531 = arith.constant 0 : i32
      %dma_wait3A_532 = arith.constant 0 : i32
      %dma_wait3A_533 = tpu.memref_slice %arg12[%dma_wait3A_531, %dma_wait3A_532] : memref<10240x128xf32, #tpu.memory_space<vmem_shared>> -> memref<80x128xf32, #tpu.memory_space<vmem_shared>>
      %dma_wait3A_534 = tpu.memref_slice %arg15[%dma_wait3A_530] : memref<4x!tpu.dma_semaphore, #tpu.memory_space<semaphore_mem>> -> memref<1x!tpu.dma_semaphore, #tpu.memory_space<semaphore_mem>>
      %dma_wait3A_535 = tpu.memref_squeeze %dma_wait3A_534 : memref<1x!tpu.dma_semaphore, #tpu.memory_space<semaphore_mem>> -> memref<!tpu.dma_semaphore, #tpu.memory_space<semaphore_mem>>
      %dma_wait3A_536 = arith.constant 0 : i32
      %dma_wait3A_537 = arith.constant 0 : i32
      %dma_wait3A_538 = tpu.memref_slice %arg12[%dma_wait3A_536, %dma_wait3A_537] : memref<10240x128xf32, #tpu.memory_space<vmem_shared>> -> memref<80x128xf32, #tpu.memory_space<vmem_shared>>
      tpu.wait_dma2 semaphore(%dma_wait3A_535 : memref<!tpu.dma_semaphore, #tpu.memory_space<semaphore_mem>>) src(%arg10 : memref<80x128xf32, #tpu.memory_space<vmem>>) dst(%dma_wait3A_538 : memref<80x128xf32, #tpu.memory_space<vmem_shared>>)
      %dma_start3A_539 = arith.constant 0 : i32
      %dma_start3A_540 = arith.constant 2 : i32
      %dma_start3A_541 = arith.constant 2 : i32
      %dma_start3A_542 = arith.constant 0 : i32
      %dma_start3A_543 = tpu.memref_slice %arg7[%dma_start3A_539, %dma_start3A_540, %dma_start3A_542] : memref<2x4x80xi32, #tpu.memory_space<vmem>> -> memref<1x1x80xi32, #tpu.memory_space<vmem>>
      %dma_start3A_544 = tpu.memref_squeeze %dma_start3A_543 : memref<1x1x80xi32, #tpu.memory_space<vmem>> -> memref<80xi32, #tpu.memory_space<vmem>>
      %dma_start3A_545 = arith.constant 0 : i32
      %dma_start3A_546 = arith.constant 0 : i32
      %dma_start3A_547 = tpu.memref_slice %arg2[%dma_start3A_545, %dma_start3A_546] : memref<10240x128xf32, #tpu.memory_space<hbm>> -> memref<10240x128xf32, #tpu.memory_space<hbm>>
      %dma_start3A_548 = tpu.memref_slice %arg14[%dma_start3A_541] : memref<4x!tpu.dma_semaphore, #tpu.memory_space<semaphore_mem>> -> memref<1x!tpu.dma_semaphore, #tpu.memory_space<semaphore_mem>>
      %dma_start3A_549 = tpu.memref_squeeze %dma_start3A_548 : memref<1x!tpu.dma_semaphore, #tpu.memory_space<semaphore_mem>> -> memref<!tpu.dma_semaphore, #tpu.memory_space<semaphore_mem>>
      tpu.enqueue_indirect_dma source(%dma_start3A_547 : memref<10240x128xf32, #tpu.memory_space<hbm>>) target(%arg10 : memref<80x128xf32, #tpu.memory_space<vmem>>) offsets(%dma_start3A_544 : memref<80xi32, #tpu.memory_space<vmem>>) semaphore(%dma_start3A_549 : memref<!tpu.dma_semaphore, #tpu.memory_space<semaphore_mem>>)
      %dma_wait3A_550 = arith.constant 3 : i32
      %dma_wait3A_551 = arith.constant 0 : i32
      %dma_wait3A_552 = arith.constant 0 : i32
      %dma_wait3A_553 = tpu.memref_slice %arg12[%dma_wait3A_551, %dma_wait3A_552] : memref<10240x128xf32, #tpu.memory_space<vmem_shared>> -> memref<80x128xf32, #tpu.memory_space<vmem_shared>>
      %dma_wait3A_554 = tpu.memref_slice %arg15[%dma_wait3A_550] : memref<4x!tpu.dma_semaphore, #tpu.memory_space<semaphore_mem>> -> memref<1x!tpu.dma_semaphore, #tpu.memory_space<semaphore_mem>>
      %dma_wait3A_555 = tpu.memref_squeeze %dma_wait3A_554 : memref<1x!tpu.dma_semaphore, #tpu.memory_space<semaphore_mem>> -> memref<!tpu.dma_semaphore, #tpu.memory_space<semaphore_mem>>
      %dma_wait3A_556 = arith.constant 0 : i32
      %dma_wait3A_557 = arith.constant 0 : i32
      %dma_wait3A_558 = tpu.memref_slice %arg12[%dma_wait3A_556, %dma_wait3A_557] : memref<10240x128xf32, #tpu.memory_space<vmem_shared>> -> memref<80x128xf32, #tpu.memory_space<vmem_shared>>
      tpu.wait_dma2 semaphore(%dma_wait3A_555 : memref<!tpu.dma_semaphore, #tpu.memory_space<semaphore_mem>>) src(%arg11 : memref<80x128xf32, #tpu.memory_space<vmem>>) dst(%dma_wait3A_558 : memref<80x128xf32, #tpu.memory_space<vmem_shared>>)
      %dma_start3A_559 = arith.constant 0 : i32
      %dma_start3A_560 = arith.constant 3 : i32
      %dma_start3A_561 = arith.constant 3 : i32
      %dma_start3A_562 = arith.constant 0 : i32
      %dma_start3A_563 = tpu.memref_slice %arg7[%dma_start3A_559, %dma_start3A_560, %dma_start3A_562] : memref<2x4x80xi32, #tpu.memory_space<vmem>> -> memref<1x1x80xi32, #tpu.memory_space<vmem>>
      %dma_start3A_564 = tpu.memref_squeeze %dma_start3A_563 : memref<1x1x80xi32, #tpu.memory_space<vmem>> -> memref<80xi32, #tpu.memory_space<vmem>>
      %dma_start3A_565 = arith.constant 0 : i32
      %dma_start3A_566 = arith.constant 0 : i32
      %dma_start3A_567 = tpu.memref_slice %arg2[%dma_start3A_565, %dma_start3A_566] : memref<10240x128xf32, #tpu.memory_space<hbm>> -> memref<10240x128xf32, #tpu.memory_space<hbm>>
      %dma_start3A_568 = tpu.memref_slice %arg14[%dma_start3A_561] : memref<4x!tpu.dma_semaphore, #tpu.memory_space<semaphore_mem>> -> memref<1x!tpu.dma_semaphore, #tpu.memory_space<semaphore_mem>>
      %dma_start3A_569 = tpu.memref_squeeze %dma_start3A_568 : memref<1x!tpu.dma_semaphore, #tpu.memory_space<semaphore_mem>> -> memref<!tpu.dma_semaphore, #tpu.memory_space<semaphore_mem>>
      tpu.enqueue_indirect_dma source(%dma_start3A_567 : memref<10240x128xf32, #tpu.memory_space<hbm>>) target(%arg11 : memref<80x128xf32, #tpu.memory_space<vmem>>) offsets(%dma_start3A_564 : memref<80xi32, #tpu.memory_space<vmem>>) semaphore(%dma_start3A_569 : memref<!tpu.dma_semaphore, #tpu.memory_space<semaphore_mem>>)
      %add3A_570 = arith.addi %select_n3A_11, %add3A_460 : i32
      %add3A_571 = arith.constant 1 : i32
      %add3A_572 = arith.addi %add3A_570, %add3A_571 : i32
      %sub3A_573 = arith.constant 1 : i32
      %sub3A_574 = arith.subi %sub3A_573, %select_n3A_476 : i32
      %dma_start3A_575 = arith.constant 0 : i32
      %dma_start3A_576 = arith.constant 0 : i32
      %dma_start3A_577 = arith.constant 0 : i32
      %dma_start3A_578 = tpu.memref_slice %arg3[%add3A_572, %dma_start3A_575, %dma_start3A_576, %dma_start3A_577] : memref<1024x2x4x80xi32, #tpu.memory_space<hbm>> -> memref<1x2x4x80xi32, #tpu.memory_space<hbm>>
      %dma_start3A_579 = tpu.memref_squeeze %dma_start3A_578 : memref<1x2x4x80xi32, #tpu.memory_space<hbm>> -> memref<2x4x80xi32, #tpu.memory_space<hbm>>
      %dma_start3A_580 = tpu.memref_slice %arg13[%sub3A_574] : memref<2x!tpu.dma_semaphore, #tpu.memory_space<semaphore_mem>> -> memref<1x!tpu.dma_semaphore, #tpu.memory_space<semaphore_mem>>
      %dma_start3A_581 = tpu.memref_squeeze %dma_start3A_580 : memref<1x!tpu.dma_semaphore, #tpu.memory_space<semaphore_mem>> -> memref<!tpu.dma_semaphore, #tpu.memory_space<semaphore_mem>>
      %dma_start3A_582 = arith.constant 0 : i32
      %dma_start3A_583 = arith.constant 0 : i32
      %dma_start3A_584 = arith.constant 0 : i32
      %dma_start3A_585 = tpu.memref_slice %arg3[%add3A_572, %dma_start3A_582, %dma_start3A_583, %dma_start3A_584] : memref<1024x2x4x80xi32, #tpu.memory_space<hbm>> -> memref<1x2x4x80xi32, #tpu.memory_space<hbm>>
      %dma_start3A_586 = tpu.memref_squeeze %dma_start3A_585 : memref<1x2x4x80xi32, #tpu.memory_space<hbm>> -> memref<2x4x80xi32, #tpu.memory_space<hbm>>
      tpu.enqueue_dma source(%dma_start3A_586 : memref<2x4x80xi32, #tpu.memory_space<hbm>>) target(%arg6 : memref<2x4x80xi32, #tpu.memory_space<vmem>>) target_semaphore(%dma_start3A_581 : memref<!tpu.dma_semaphore, #tpu.memory_space<semaphore_mem>>)
      %dma_wait3A_587 = arith.constant 0 : i32
      %dma_wait3A_588 = arith.constant 0 : i32
      %dma_wait3A_589 = arith.constant 0 : i32
      %dma_wait3A_590 = arith.constant 0 : i32
      %dma_wait3A_591 = tpu.memref_slice %arg7[%dma_wait3A_587, %dma_wait3A_588, %dma_wait3A_590] : memref<2x4x80xi32, #tpu.memory_space<vmem>> -> memref<1x1x80xi32, #tpu.memory_space<vmem>>
      %dma_wait3A_592 = tpu.memref_squeeze %dma_wait3A_591 : memref<1x1x80xi32, #tpu.memory_space<vmem>> -> memref<80xi32, #tpu.memory_space<vmem>>
      %dma_wait3A_593 = arith.constant 0 : i32
      %dma_wait3A_594 = arith.constant 0 : i32
      %dma_wait3A_595 = tpu.memref_slice %arg2[%dma_wait3A_593, %dma_wait3A_594] : memref<10240x128xf32, #tpu.memory_space<hbm>> -> memref<10240x128xf32, #tpu.memory_space<hbm>>
      %dma_wait3A_596 = tpu.memref_slice %arg14[%dma_wait3A_589] : memref<4x!tpu.dma_semaphore, #tpu.memory_space<semaphore_mem>> -> memref<1x!tpu.dma_semaphore, #tpu.memory_space<semaphore_mem>>
      %dma_wait3A_597 = tpu.memref_squeeze %dma_wait3A_596 : memref<1x!tpu.dma_semaphore, #tpu.memory_space<semaphore_mem>> -> memref<!tpu.dma_semaphore, #tpu.memory_space<semaphore_mem>>
      tpu.wait_indirect_dma semaphore(%dma_wait3A_597 : memref<!tpu.dma_semaphore, #tpu.memory_space<semaphore_mem>>) src(%dma_wait3A_595 : memref<10240x128xf32, #tpu.memory_space<hbm>>) dst(%arg8 : memref<80x128xf32, #tpu.memory_space<vmem>>)
      %dma_start3A_598 = arith.constant 1 : i32
      %dma_start3A_599 = arith.constant 0 : i32
      %dma_start3A_600 = arith.constant 0 : i32
      %dma_start3A_601 = arith.constant 0 : i32
      %dma_start3A_602 = tpu.memref_slice %arg7[%dma_start3A_598, %dma_start3A_599, %dma_start3A_601] : memref<2x4x80xi32, #tpu.memory_space<vmem>> -> memref<1x1x80xi32, #tpu.memory_space<vmem>>
      %dma_start3A_603 = tpu.memref_squeeze %dma_start3A_602 : memref<1x1x80xi32, #tpu.memory_space<vmem>> -> memref<80xi32, #tpu.memory_space<vmem>>
      %dma_start3A_604 = arith.constant 0 : i32
      %dma_start3A_605 = arith.constant 0 : i32
      %dma_start3A_606 = tpu.memref_slice %arg12[%dma_start3A_604, %dma_start3A_605] : memref<10240x128xf32, #tpu.memory_space<vmem_shared>> -> memref<10240x128xf32, #tpu.memory_space<vmem_shared>>
      %dma_start3A_607 = tpu.memref_slice %arg15[%dma_start3A_600] : memref<4x!tpu.dma_semaphore, #tpu.memory_space<semaphore_mem>> -> memref<1x!tpu.dma_semaphore, #tpu.memory_space<semaphore_mem>>
      %dma_start3A_608 = tpu.memref_squeeze %dma_start3A_607 : memref<1x!tpu.dma_semaphore, #tpu.memory_space<semaphore_mem>> -> memref<!tpu.dma_semaphore, #tpu.memory_space<semaphore_mem>>
      tpu.enqueue_indirect_dma source(%arg8 : memref<80x128xf32, #tpu.memory_space<vmem>>) target(%dma_start3A_606 : memref<10240x128xf32, #tpu.memory_space<vmem_shared>>) offsets(%dma_start3A_603 : memref<80xi32, #tpu.memory_space<vmem>>) semaphore(%dma_start3A_608 : memref<!tpu.dma_semaphore, #tpu.memory_space<semaphore_mem>>) {add = true}
      %dma_wait3A_609 = arith.constant 0 : i32
      %dma_wait3A_610 = arith.constant 1 : i32
      %dma_wait3A_611 = arith.constant 1 : i32
      %dma_wait3A_612 = arith.constant 0 : i32
      %dma_wait3A_613 = tpu.memref_slice %arg7[%dma_wait3A_609, %dma_wait3A_610, %dma_wait3A_612] : memref<2x4x80xi32, #tpu.memory_space<vmem>> -> memref<1x1x80xi32, #tpu.memory_space<vmem>>
      %dma_wait3A_614 = tpu.memref_squeeze %dma_wait3A_613 : memref<1x1x80xi32, #tpu.memory_space<vmem>> -> memref<80xi32, #tpu.memory_space<vmem>>
      %dma_wait3A_615 = arith.constant 0 : i32
      %dma_wait3A_616 = arith.constant 0 : i32
      %dma_wait3A_617 = tpu.memref_slice %arg2[%dma_wait3A_615, %dma_wait3A_616] : memref<10240x128xf32, #tpu.memory_space<hbm>> -> memref<10240x128xf32, #tpu.memory_space<hbm>>
      %dma_wait3A_618 = tpu.memref_slice %arg14[%dma_wait3A_611] : memref<4x!tpu.dma_semaphore, #tpu.memory_space<semaphore_mem>> -> memref<1x!tpu.dma_semaphore, #tpu.memory_space<semaphore_mem>>
      %dma_wait3A_619 = tpu.memref_squeeze %dma_wait3A_618 : memref<1x!tpu.dma_semaphore, #tpu.memory_space<semaphore_mem>> -> memref<!tpu.dma_semaphore, #tpu.memory_space<semaphore_mem>>
      tpu.wait_indirect_dma semaphore(%dma_wait3A_619 : memref<!tpu.dma_semaphore, #tpu.memory_space<semaphore_mem>>) src(%dma_wait3A_617 : memref<10240x128xf32, #tpu.memory_space<hbm>>) dst(%arg9 : memref<80x128xf32, #tpu.memory_space<vmem>>)
      %dma_start3A_620 = arith.constant 1 : i32
      %dma_start3A_621 = arith.constant 1 : i32
      %dma_start3A_622 = arith.constant 1 : i32
      %dma_start3A_623 = arith.constant 0 : i32
      %dma_start3A_624 = tpu.memref_slice %arg7[%dma_start3A_620, %dma_start3A_621, %dma_start3A_623] : memref<2x4x80xi32, #tpu.memory_space<vmem>> -> memref<1x1x80xi32, #tpu.memory_space<vmem>>
      %dma_start3A_625 = tpu.memref_squeeze %dma_start3A_624 : memref<1x1x80xi32, #tpu.memory_space<vmem>> -> memref<80xi32, #tpu.memory_space<vmem>>
      %dma_start3A_626 = arith.constant 0 : i32
      %dma_start3A_627 = arith.constant 0 : i32
      %dma_start3A_628 = tpu.memref_slice %arg12[%dma_start3A_626, %dma_start3A_627] : memref<10240x128xf32, #tpu.memory_space<vmem_shared>> -> memref<10240x128xf32, #tpu.memory_space<vmem_shared>>
      %dma_start3A_629 = tpu.memref_slice %arg15[%dma_start3A_622] : memref<4x!tpu.dma_semaphore, #tpu.memory_space<semaphore_mem>> -> memref<1x!tpu.dma_semaphore, #tpu.memory_space<semaphore_mem>>
      %dma_start3A_630 = tpu.memref_squeeze %dma_start3A_629 : memref<1x!tpu.dma_semaphore, #tpu.memory_space<semaphore_mem>> -> memref<!tpu.dma_semaphore, #tpu.memory_space<semaphore_mem>>
      tpu.enqueue_indirect_dma source(%arg9 : memref<80x128xf32, #tpu.memory_space<vmem>>) target(%dma_start3A_628 : memref<10240x128xf32, #tpu.memory_space<vmem_shared>>) offsets(%dma_start3A_625 : memref<80xi32, #tpu.memory_space<vmem>>) semaphore(%dma_start3A_630 : memref<!tpu.dma_semaphore, #tpu.memory_space<semaphore_mem>>) {add = true}
      %dma_wait3A_631 = arith.constant 0 : i32
      %dma_wait3A_632 = arith.constant 2 : i32
      %dma_wait3A_633 = arith.constant 2 : i32
      %dma_wait3A_634 = arith.constant 0 : i32
      %dma_wait3A_635 = tpu.memref_slice %arg7[%dma_wait3A_631, %dma_wait3A_632, %dma_wait3A_634] : memref<2x4x80xi32, #tpu.memory_space<vmem>> -> memref<1x1x80xi32, #tpu.memory_space<vmem>>
      %dma_wait3A_636 = tpu.memref_squeeze %dma_wait3A_635 : memref<1x1x80xi32, #tpu.memory_space<vmem>> -> memref<80xi32, #tpu.memory_space<vmem>>
      %dma_wait3A_637 = arith.constant 0 : i32
      %dma_wait3A_638 = arith.constant 0 : i32
      %dma_wait3A_639 = tpu.memref_slice %arg2[%dma_wait3A_637, %dma_wait3A_638] : memref<10240x128xf32, #tpu.memory_space<hbm>> -> memref<10240x128xf32, #tpu.memory_space<hbm>>
      %dma_wait3A_640 = tpu.memref_slice %arg14[%dma_wait3A_633] : memref<4x!tpu.dma_semaphore, #tpu.memory_space<semaphore_mem>> -> memref<1x!tpu.dma_semaphore, #tpu.memory_space<semaphore_mem>>
      %dma_wait3A_641 = tpu.memref_squeeze %dma_wait3A_640 : memref<1x!tpu.dma_semaphore, #tpu.memory_space<semaphore_mem>> -> memref<!tpu.dma_semaphore, #tpu.memory_space<semaphore_mem>>
      tpu.wait_indirect_dma semaphore(%dma_wait3A_641 : memref<!tpu.dma_semaphore, #tpu.memory_space<semaphore_mem>>) src(%dma_wait3A_639 : memref<10240x128xf32, #tpu.memory_space<hbm>>) dst(%arg10 : memref<80x128xf32, #tpu.memory_space<vmem>>)
      %dma_start3A_642 = arith.constant 1 : i32
      %dma_start3A_643 = arith.constant 2 : i32
      %dma_start3A_644 = arith.constant 2 : i32
      %dma_start3A_645 = arith.constant 0 : i32
      %dma_start3A_646 = tpu.memref_slice %arg7[%dma_start3A_642, %dma_start3A_643, %dma_start3A_645] : memref<2x4x80xi32, #tpu.memory_space<vmem>> -> memref<1x1x80xi32, #tpu.memory_space<vmem>>
      %dma_start3A_647 = tpu.memref_squeeze %dma_start3A_646 : memref<1x1x80xi32, #tpu.memory_space<vmem>> -> memref<80xi32, #tpu.memory_space<vmem>>
      %dma_start3A_648 = arith.constant 0 : i32
      %dma_start3A_649 = arith.constant 0 : i32
      %dma_start3A_650 = tpu.memref_slice %arg12[%dma_start3A_648, %dma_start3A_649] : memref<10240x128xf32, #tpu.memory_space<vmem_shared>> -> memref<10240x128xf32, #tpu.memory_space<vmem_shared>>
      %dma_start3A_651 = tpu.memref_slice %arg15[%dma_start3A_644] : memref<4x!tpu.dma_semaphore, #tpu.memory_space<semaphore_mem>> -> memref<1x!tpu.dma_semaphore, #tpu.memory_space<semaphore_mem>>
      %dma_start3A_652 = tpu.memref_squeeze %dma_start3A_651 : memref<1x!tpu.dma_semaphore, #tpu.memory_space<semaphore_mem>> -> memref<!tpu.dma_semaphore, #tpu.memory_space<semaphore_mem>>
      tpu.enqueue_indirect_dma source(%arg10 : memref<80x128xf32, #tpu.memory_space<vmem>>) target(%dma_start3A_650 : memref<10240x128xf32, #tpu.memory_space<vmem_shared>>) offsets(%dma_start3A_647 : memref<80xi32, #tpu.memory_space<vmem>>) semaphore(%dma_start3A_652 : memref<!tpu.dma_semaphore, #tpu.memory_space<semaphore_mem>>) {add = true}
      %dma_wait3A_653 = arith.constant 0 : i32
      %dma_wait3A_654 = arith.constant 3 : i32
      %dma_wait3A_655 = arith.constant 3 : i32
      %dma_wait3A_656 = arith.constant 0 : i32
      %dma_wait3A_657 = tpu.memref_slice %arg7[%dma_wait3A_653, %dma_wait3A_654, %dma_wait3A_656] : memref<2x4x80xi32, #tpu.memory_space<vmem>> -> memref<1x1x80xi32, #tpu.memory_space<vmem>>
      %dma_wait3A_658 = tpu.memref_squeeze %dma_wait3A_657 : memref<1x1x80xi32, #tpu.memory_space<vmem>> -> memref<80xi32, #tpu.memory_space<vmem>>
      %dma_wait3A_659 = arith.constant 0 : i32
      %dma_wait3A_660 = arith.constant 0 : i32
      %dma_wait3A_661 = tpu.memref_slice %arg2[%dma_wait3A_659, %dma_wait3A_660] : memref<10240x128xf32, #tpu.memory_space<hbm>> -> memref<10240x128xf32, #tpu.memory_space<hbm>>
      %dma_wait3A_662 = tpu.memref_slice %arg14[%dma_wait3A_655] : memref<4x!tpu.dma_semaphore, #tpu.memory_space<semaphore_mem>> -> memref<1x!tpu.dma_semaphore, #tpu.memory_space<semaphore_mem>>
      %dma_wait3A_663 = tpu.memref_squeeze %dma_wait3A_662 : memref<1x!tpu.dma_semaphore, #tpu.memory_space<semaphore_mem>> -> memref<!tpu.dma_semaphore, #tpu.memory_space<semaphore_mem>>
      tpu.wait_indirect_dma semaphore(%dma_wait3A_663 : memref<!tpu.dma_semaphore, #tpu.memory_space<semaphore_mem>>) src(%dma_wait3A_661 : memref<10240x128xf32, #tpu.memory_space<hbm>>) dst(%arg11 : memref<80x128xf32, #tpu.memory_space<vmem>>)
      %dma_start3A_664 = arith.constant 1 : i32
      %dma_start3A_665 = arith.constant 3 : i32
      %dma_start3A_666 = arith.constant 3 : i32
      %dma_start3A_667 = arith.constant 0 : i32
      %dma_start3A_668 = tpu.memref_slice %arg7[%dma_start3A_664, %dma_start3A_665, %dma_start3A_667] : memref<2x4x80xi32, #tpu.memory_space<vmem>> -> memref<1x1x80xi32, #tpu.memory_space<vmem>>
      %dma_start3A_669 = tpu.memref_squeeze %dma_start3A_668 : memref<1x1x80xi32, #tpu.memory_space<vmem>> -> memref<80xi32, #tpu.memory_space<vmem>>
      %dma_start3A_670 = arith.constant 0 : i32
      %dma_start3A_671 = arith.constant 0 : i32
      %dma_start3A_672 = tpu.memref_slice %arg12[%dma_start3A_670, %dma_start3A_671] : memref<10240x128xf32, #tpu.memory_space<vmem_shared>> -> memref<10240x128xf32, #tpu.memory_space<vmem_shared>>
      %dma_start3A_673 = tpu.memref_slice %arg15[%dma_start3A_666] : memref<4x!tpu.dma_semaphore, #tpu.memory_space<semaphore_mem>> -> memref<1x!tpu.dma_semaphore, #tpu.memory_space<semaphore_mem>>
      %dma_start3A_674 = tpu.memref_squeeze %dma_start3A_673 : memref<1x!tpu.dma_semaphore, #tpu.memory_space<semaphore_mem>> -> memref<!tpu.dma_semaphore, #tpu.memory_space<semaphore_mem>>
      tpu.enqueue_indirect_dma source(%arg11 : memref<80x128xf32, #tpu.memory_space<vmem>>) target(%dma_start3A_672 : memref<10240x128xf32, #tpu.memory_space<vmem_shared>>) offsets(%dma_start3A_669 : memref<80xi32, #tpu.memory_space<vmem>>) semaphore(%dma_start3A_674 : memref<!tpu.dma_semaphore, #tpu.memory_space<semaphore_mem>>) {add = true}
      %add3A_675 = arith.constant 1 : i32
      %add3A_676 = arith.addi %add3A_460, %add3A_675 : i32
      %jit3A_677 = arith.constant 2 : i32
      %eq3A_678 = arith.constant 0 : i32
      %eq3A_679 = arith.cmpi eq, %jit3A_677, %eq3A_678 : i32
      %jit3A_680 = arith.constant 1 : i32
      %select_n3A_681 = arith.select %eq3A_679, %jit3A_680, %jit3A_677 : i32
      %rem3A_682 = arith.remsi %add3A_676, %select_n3A_681 : i32
      %ne3A_683 = arith.constant 0 : i32
      %ne3A_684 = arith.cmpi ne, %rem3A_682, %ne3A_683 : i32
      %lt3A_685 = arith.constant 0 : i32
      %lt3A_686 = arith.cmpi slt, %rem3A_682, %lt3A_685 : i32
      %lt3A_687 = arith.constant 0 : i32
      %lt3A_688 = arith.cmpi slt, %select_n3A_681, %lt3A_687 : i32
      %ne3A_689 = arith.xori %lt3A_686, %lt3A_688 : i1
      %and3A_690 = arith.andi %ne3A_689, %ne3A_684 : i1
      %add3A_691 = arith.addi %rem3A_682, %select_n3A_681 : i32
      %select_n3A_692 = arith.select %and3A_690, %add3A_691, %rem3A_682 : i32
      %dma_wait3A_693 = arith.constant 0 : i32
      %dma_wait3A_694 = arith.constant 0 : i32
      %dma_wait3A_695 = arith.constant 0 : i32
      %dma_wait3A_696 = arith.constant 0 : i32
      %dma_wait3A_697 = tpu.memref_slice %arg3[%dma_wait3A_693, %dma_wait3A_694, %dma_wait3A_695, %dma_wait3A_696] : memref<1024x2x4x80xi32, #tpu.memory_space<hbm>> -> memref<1x2x4x80xi32, #tpu.memory_space<hbm>>
      %dma_wait3A_698 = tpu.memref_squeeze %dma_wait3A_697 : memref<1x2x4x80xi32, #tpu.memory_space<hbm>> -> memref<2x4x80xi32, #tpu.memory_space<hbm>>
      %dma_wait3A_699 = tpu.memref_slice %arg13[%select_n3A_692] : memref<2x!tpu.dma_semaphore, #tpu.memory_space<semaphore_mem>> -> memref<1x!tpu.dma_semaphore, #tpu.memory_space<semaphore_mem>>
      %dma_wait3A_700 = tpu.memref_squeeze %dma_wait3A_699 : memref<1x!tpu.dma_semaphore, #tpu.memory_space<semaphore_mem>> -> memref<!tpu.dma_semaphore, #tpu.memory_space<semaphore_mem>>
      %dma_wait3A_701 = arith.constant 0 : i32
      %dma_wait3A_702 = arith.constant 0 : i32
      %dma_wait3A_703 = arith.constant 0 : i32
      %dma_wait3A_704 = tpu.memref_slice %arg3[%dma_wait3A_693, %dma_wait3A_701, %dma_wait3A_702, %dma_wait3A_703] : memref<1024x2x4x80xi32, #tpu.memory_space<hbm>> -> memref<1x2x4x80xi32, #tpu.memory_space<hbm>>
      %dma_wait3A_705 = tpu.memref_squeeze %dma_wait3A_704 : memref<1x2x4x80xi32, #tpu.memory_space<hbm>> -> memref<2x4x80xi32, #tpu.memory_space<hbm>>
      tpu.wait_dma2 semaphore(%dma_wait3A_700 : memref<!tpu.dma_semaphore, #tpu.memory_space<semaphore_mem>>) src(%dma_wait3A_705 : memref<2x4x80xi32, #tpu.memory_space<hbm>>) dst(%arg6 : memref<2x4x80xi32, #tpu.memory_space<vmem>>)
      %dma_wait3A_706 = arith.constant 0 : i32
      %dma_wait3A_707 = arith.constant 0 : i32
      %dma_wait3A_708 = arith.constant 0 : i32
      %dma_wait3A_709 = tpu.memref_slice %arg12[%dma_wait3A_707, %dma_wait3A_708] : memref<10240x128xf32, #tpu.memory_space<vmem_shared>> -> memref<80x128xf32, #tpu.memory_space<vmem_shared>>
      %dma_wait3A_710 = tpu.memref_slice %arg15[%dma_wait3A_706] : memref<4x!tpu.dma_semaphore, #tpu.memory_space<semaphore_mem>> -> memref<1x!tpu.dma_semaphore, #tpu.memory_space<semaphore_mem>>
      %dma_wait3A_711 = tpu.memref_squeeze %dma_wait3A_710 : memref<1x!tpu.dma_semaphore, #tpu.memory_space<semaphore_mem>> -> memref<!tpu.dma_semaphore, #tpu.memory_space<semaphore_mem>>
      %dma_wait3A_712 = arith.constant 0 : i32
      %dma_wait3A_713 = arith.constant 0 : i32
      %dma_wait3A_714 = tpu.memref_slice %arg12[%dma_wait3A_712, %dma_wait3A_713] : memref<10240x128xf32, #tpu.memory_space<vmem_shared>> -> memref<80x128xf32, #tpu.memory_space<vmem_shared>>
      tpu.wait_dma2 semaphore(%dma_wait3A_711 : memref<!tpu.dma_semaphore, #tpu.memory_space<semaphore_mem>>) src(%arg8 : memref<80x128xf32, #tpu.memory_space<vmem>>) dst(%dma_wait3A_714 : memref<80x128xf32, #tpu.memory_space<vmem_shared>>)
      %dma_start3A_715 = arith.constant 0 : i32
      %dma_start3A_716 = arith.constant 0 : i32
      %dma_start3A_717 = arith.constant 0 : i32
      %dma_start3A_718 = arith.constant 0 : i32
      %dma_start3A_719 = tpu.memref_slice %arg6[%dma_start3A_715, %dma_start3A_716, %dma_start3A_718] : memref<2x4x80xi32, #tpu.memory_space<vmem>> -> memref<1x1x80xi32, #tpu.memory_space<vmem>>
      %dma_start3A_720 = tpu.memref_squeeze %dma_start3A_719 : memref<1x1x80xi32, #tpu.memory_space<vmem>> -> memref<80xi32, #tpu.memory_space<vmem>>
      %dma_start3A_721 = arith.constant 0 : i32
      %dma_start3A_722 = arith.constant 0 : i32
      %dma_start3A_723 = tpu.memref_slice %arg2[%dma_start3A_721, %dma_start3A_722] : memref<10240x128xf32, #tpu.memory_space<hbm>> -> memref<10240x128xf32, #tpu.memory_space<hbm>>
      %dma_start3A_724 = tpu.memref_slice %arg14[%dma_start3A_717] : memref<4x!tpu.dma_semaphore, #tpu.memory_space<semaphore_mem>> -> memref<1x!tpu.dma_semaphore, #tpu.memory_space<semaphore_mem>>
      %dma_start3A_725 = tpu.memref_squeeze %dma_start3A_724 : memref<1x!tpu.dma_semaphore, #tpu.memory_space<semaphore_mem>> -> memref<!tpu.dma_semaphore, #tpu.memory_space<semaphore_mem>>
      tpu.enqueue_indirect_dma source(%dma_start3A_723 : memref<10240x128xf32, #tpu.memory_space<hbm>>) target(%arg8 : memref<80x128xf32, #tpu.memory_space<vmem>>) offsets(%dma_start3A_720 : memref<80xi32, #tpu.memory_space<vmem>>) semaphore(%dma_start3A_725 : memref<!tpu.dma_semaphore, #tpu.memory_space<semaphore_mem>>)
      %dma_wait3A_726 = arith.constant 1 : i32
      %dma_wait3A_727 = arith.constant 0 : i32
      %dma_wait3A_728 = arith.constant 0 : i32
      %dma_wait3A_729 = tpu.memref_slice %arg12[%dma_wait3A_727, %dma_wait3A_728] : memref<10240x128xf32, #tpu.memory_space<vmem_shared>> -> memref<80x128xf32, #tpu.memory_space<vmem_shared>>
      %dma_wait3A_730 = tpu.memref_slice %arg15[%dma_wait3A_726] : memref<4x!tpu.dma_semaphore, #tpu.memory_space<semaphore_mem>> -> memref<1x!tpu.dma_semaphore, #tpu.memory_space<semaphore_mem>>
      %dma_wait3A_731 = tpu.memref_squeeze %dma_wait3A_730 : memref<1x!tpu.dma_semaphore, #tpu.memory_space<semaphore_mem>> -> memref<!tpu.dma_semaphore, #tpu.memory_space<semaphore_mem>>
      %dma_wait3A_732 = arith.constant 0 : i32
      %dma_wait3A_733 = arith.constant 0 : i32
      %dma_wait3A_734 = tpu.memref_slice %arg12[%dma_wait3A_732, %dma_wait3A_733] : memref<10240x128xf32, #tpu.memory_space<vmem_shared>> -> memref<80x128xf32, #tpu.memory_space<vmem_shared>>
      tpu.wait_dma2 semaphore(%dma_wait3A_731 : memref<!tpu.dma_semaphore, #tpu.memory_space<semaphore_mem>>) src(%arg9 : memref<80x128xf32, #tpu.memory_space<vmem>>) dst(%dma_wait3A_734 : memref<80x128xf32, #tpu.memory_space<vmem_shared>>)
      %dma_start3A_735 = arith.constant 0 : i32
      %dma_start3A_736 = arith.constant 1 : i32
      %dma_start3A_737 = arith.constant 1 : i32
      %dma_start3A_738 = arith.constant 0 : i32
      %dma_start3A_739 = tpu.memref_slice %arg6[%dma_start3A_735, %dma_start3A_736, %dma_start3A_738] : memref<2x4x80xi32, #tpu.memory_space<vmem>> -> memref<1x1x80xi32, #tpu.memory_space<vmem>>
      %dma_start3A_740 = tpu.memref_squeeze %dma_start3A_739 : memref<1x1x80xi32, #tpu.memory_space<vmem>> -> memref<80xi32, #tpu.memory_space<vmem>>
      %dma_start3A_741 = arith.constant 0 : i32
      %dma_start3A_742 = arith.constant 0 : i32
      %dma_start3A_743 = tpu.memref_slice %arg2[%dma_start3A_741, %dma_start3A_742] : memref<10240x128xf32, #tpu.memory_space<hbm>> -> memref<10240x128xf32, #tpu.memory_space<hbm>>
      %dma_start3A_744 = tpu.memref_slice %arg14[%dma_start3A_737] : memref<4x!tpu.dma_semaphore, #tpu.memory_space<semaphore_mem>> -> memref<1x!tpu.dma_semaphore, #tpu.memory_space<semaphore_mem>>
      %dma_start3A_745 = tpu.memref_squeeze %dma_start3A_744 : memref<1x!tpu.dma_semaphore, #tpu.memory_space<semaphore_mem>> -> memref<!tpu.dma_semaphore, #tpu.memory_space<semaphore_mem>>
      tpu.enqueue_indirect_dma source(%dma_start3A_743 : memref<10240x128xf32, #tpu.memory_space<hbm>>) target(%arg9 : memref<80x128xf32, #tpu.memory_space<vmem>>) offsets(%dma_start3A_740 : memref<80xi32, #tpu.memory_space<vmem>>) semaphore(%dma_start3A_745 : memref<!tpu.dma_semaphore, #tpu.memory_space<semaphore_mem>>)
      %dma_wait3A_746 = arith.constant 2 : i32
      %dma_wait3A_747 = arith.constant 0 : i32
      %dma_wait3A_748 = arith.constant 0 : i32
      %dma_wait3A_749 = tpu.memref_slice %arg12[%dma_wait3A_747, %dma_wait3A_748] : memref<10240x128xf32, #tpu.memory_space<vmem_shared>> -> memref<80x128xf32, #tpu.memory_space<vmem_shared>>
      %dma_wait3A_750 = tpu.memref_slice %arg15[%dma_wait3A_746] : memref<4x!tpu.dma_semaphore, #tpu.memory_space<semaphore_mem>> -> memref<1x!tpu.dma_semaphore, #tpu.memory_space<semaphore_mem>>
      %dma_wait3A_751 = tpu.memref_squeeze %dma_wait3A_750 : memref<1x!tpu.dma_semaphore, #tpu.memory_space<semaphore_mem>> -> memref<!tpu.dma_semaphore, #tpu.memory_space<semaphore_mem>>
      %dma_wait3A_752 = arith.constant 0 : i32
      %dma_wait3A_753 = arith.constant 0 : i32
      %dma_wait3A_754 = tpu.memref_slice %arg12[%dma_wait3A_752, %dma_wait3A_753] : memref<10240x128xf32, #tpu.memory_space<vmem_shared>> -> memref<80x128xf32, #tpu.memory_space<vmem_shared>>
      tpu.wait_dma2 semaphore(%dma_wait3A_751 : memref<!tpu.dma_semaphore, #tpu.memory_space<semaphore_mem>>) src(%arg10 : memref<80x128xf32, #tpu.memory_space<vmem>>) dst(%dma_wait3A_754 : memref<80x128xf32, #tpu.memory_space<vmem_shared>>)
      %dma_start3A_755 = arith.constant 0 : i32
      %dma_start3A_756 = arith.constant 2 : i32
      %dma_start3A_757 = arith.constant 2 : i32
      %dma_start3A_758 = arith.constant 0 : i32
      %dma_start3A_759 = tpu.memref_slice %arg6[%dma_start3A_755, %dma_start3A_756, %dma_start3A_758] : memref<2x4x80xi32, #tpu.memory_space<vmem>> -> memref<1x1x80xi32, #tpu.memory_space<vmem>>
      %dma_start3A_760 = tpu.memref_squeeze %dma_start3A_759 : memref<1x1x80xi32, #tpu.memory_space<vmem>> -> memref<80xi32, #tpu.memory_space<vmem>>
      %dma_start3A_761 = arith.constant 0 : i32
      %dma_start3A_762 = arith.constant 0 : i32
      %dma_start3A_763 = tpu.memref_slice %arg2[%dma_start3A_761, %dma_start3A_762] : memref<10240x128xf32, #tpu.memory_space<hbm>> -> memref<10240x128xf32, #tpu.memory_space<hbm>>
      %dma_start3A_764 = tpu.memref_slice %arg14[%dma_start3A_757] : memref<4x!tpu.dma_semaphore, #tpu.memory_space<semaphore_mem>> -> memref<1x!tpu.dma_semaphore, #tpu.memory_space<semaphore_mem>>
      %dma_start3A_765 = tpu.memref_squeeze %dma_start3A_764 : memref<1x!tpu.dma_semaphore, #tpu.memory_space<semaphore_mem>> -> memref<!tpu.dma_semaphore, #tpu.memory_space<semaphore_mem>>
      tpu.enqueue_indirect_dma source(%dma_start3A_763 : memref<10240x128xf32, #tpu.memory_space<hbm>>) target(%arg10 : memref<80x128xf32, #tpu.memory_space<vmem>>) offsets(%dma_start3A_760 : memref<80xi32, #tpu.memory_space<vmem>>) semaphore(%dma_start3A_765 : memref<!tpu.dma_semaphore, #tpu.memory_space<semaphore_mem>>)
      %dma_wait3A_766 = arith.constant 3 : i32
      %dma_wait3A_767 = arith.constant 0 : i32
      %dma_wait3A_768 = arith.constant 0 : i32
      %dma_wait3A_769 = tpu.memref_slice %arg12[%dma_wait3A_767, %dma_wait3A_768] : memref<10240x128xf32, #tpu.memory_space<vmem_shared>> -> memref<80x128xf32, #tpu.memory_space<vmem_shared>>
      %dma_wait3A_770 = tpu.memref_slice %arg15[%dma_wait3A_766] : memref<4x!tpu.dma_semaphore, #tpu.memory_space<semaphore_mem>> -> memref<1x!tpu.dma_semaphore, #tpu.memory_space<semaphore_mem>>
      %dma_wait3A_771 = tpu.memref_squeeze %dma_wait3A_770 : memref<1x!tpu.dma_semaphore, #tpu.memory_space<semaphore_mem>> -> memref<!tpu.dma_semaphore, #tpu.memory_space<semaphore_mem>>
      %dma_wait3A_772 = arith.constant 0 : i32
      %dma_wait3A_773 = arith.constant 0 : i32
      %dma_wait3A_774 = tpu.memref_slice %arg12[%dma_wait3A_772, %dma_wait3A_773] : memref<10240x128xf32, #tpu.memory_space<vmem_shared>> -> memref<80x128xf32, #tpu.memory_space<vmem_shared>>
      tpu.wait_dma2 semaphore(%dma_wait3A_771 : memref<!tpu.dma_semaphore, #tpu.memory_space<semaphore_mem>>) src(%arg11 : memref<80x128xf32, #tpu.memory_space<vmem>>) dst(%dma_wait3A_774 : memref<80x128xf32, #tpu.memory_space<vmem_shared>>)
      %dma_start3A_775 = arith.constant 0 : i32
      %dma_start3A_776 = arith.constant 3 : i32
      %dma_start3A_777 = arith.constant 3 : i32
      %dma_start3A_778 = arith.constant 0 : i32
      %dma_start3A_779 = tpu.memref_slice %arg6[%dma_start3A_775, %dma_start3A_776, %dma_start3A_778] : memref<2x4x80xi32, #tpu.memory_space<vmem>> -> memref<1x1x80xi32, #tpu.memory_space<vmem>>
      %dma_start3A_780 = tpu.memref_squeeze %dma_start3A_779 : memref<1x1x80xi32, #tpu.memory_space<vmem>> -> memref<80xi32, #tpu.memory_space<vmem>>
      %dma_start3A_781 = arith.constant 0 : i32
      %dma_start3A_782 = arith.constant 0 : i32
      %dma_start3A_783 = tpu.memref_slice %arg2[%dma_start3A_781, %dma_start3A_782] : memref<10240x128xf32, #tpu.memory_space<hbm>> -> memref<10240x128xf32, #tpu.memory_space<hbm>>
      %dma_start3A_784 = tpu.memref_slice %arg14[%dma_start3A_777] : memref<4x!tpu.dma_semaphore, #tpu.memory_space<semaphore_mem>> -> memref<1x!tpu.dma_semaphore, #tpu.memory_space<semaphore_mem>>
      %dma_start3A_785 = tpu.memref_squeeze %dma_start3A_784 : memref<1x!tpu.dma_semaphore, #tpu.memory_space<semaphore_mem>> -> memref<!tpu.dma_semaphore, #tpu.memory_space<semaphore_mem>>
      tpu.enqueue_indirect_dma source(%dma_start3A_783 : memref<10240x128xf32, #tpu.memory_space<hbm>>) target(%arg11 : memref<80x128xf32, #tpu.memory_space<vmem>>) offsets(%dma_start3A_780 : memref<80xi32, #tpu.memory_space<vmem>>) semaphore(%dma_start3A_785 : memref<!tpu.dma_semaphore, #tpu.memory_space<semaphore_mem>>)
      %add3A_786 = arith.addi %select_n3A_11, %add3A_676 : i32
      %add3A_787 = arith.constant 1 : i32
      %add3A_788 = arith.addi %add3A_786, %add3A_787 : i32
      %sub3A_789 = arith.constant 1 : i32
      %sub3A_790 = arith.subi %sub3A_789, %select_n3A_692 : i32
      %dma_start3A_791 = arith.constant 0 : i32
      %dma_start3A_792 = arith.constant 0 : i32
      %dma_start3A_793 = arith.constant 0 : i32
      %dma_start3A_794 = tpu.memref_slice %arg3[%add3A_788, %dma_start3A_791, %dma_start3A_792, %dma_start3A_793] : memref<1024x2x4x80xi32, #tpu.memory_space<hbm>> -> memref<1x2x4x80xi32, #tpu.memory_space<hbm>>
      %dma_start3A_795 = tpu.memref_squeeze %dma_start3A_794 : memref<1x2x4x80xi32, #tpu.memory_space<hbm>> -> memref<2x4x80xi32, #tpu.memory_space<hbm>>
      %dma_start3A_796 = tpu.memref_slice %arg13[%sub3A_790] : memref<2x!tpu.dma_semaphore, #tpu.memory_space<semaphore_mem>> -> memref<1x!tpu.dma_semaphore, #tpu.memory_space<semaphore_mem>>
      %dma_start3A_797 = tpu.memref_squeeze %dma_start3A_796 : memref<1x!tpu.dma_semaphore, #tpu.memory_space<semaphore_mem>> -> memref<!tpu.dma_semaphore, #tpu.memory_space<semaphore_mem>>
      %dma_start3A_798 = arith.constant 0 : i32
      %dma_start3A_799 = arith.constant 0 : i32
      %dma_start3A_800 = arith.constant 0 : i32
      %dma_start3A_801 = tpu.memref_slice %arg3[%add3A_788, %dma_start3A_798, %dma_start3A_799, %dma_start3A_800] : memref<1024x2x4x80xi32, #tpu.memory_space<hbm>> -> memref<1x2x4x80xi32, #tpu.memory_space<hbm>>
      %dma_start3A_802 = tpu.memref_squeeze %dma_start3A_801 : memref<1x2x4x80xi32, #tpu.memory_space<hbm>> -> memref<2x4x80xi32, #tpu.memory_space<hbm>>
      tpu.enqueue_dma source(%dma_start3A_802 : memref<2x4x80xi32, #tpu.memory_space<hbm>>) target(%arg7 : memref<2x4x80xi32, #tpu.memory_space<vmem>>) target_semaphore(%dma_start3A_797 : memref<!tpu.dma_semaphore, #tpu.memory_space<semaphore_mem>>)
      %dma_wait3A_803 = arith.constant 0 : i32
      %dma_wait3A_804 = arith.constant 0 : i32
      %dma_wait3A_805 = arith.constant 0 : i32
      %dma_wait3A_806 = arith.constant 0 : i32
      %dma_wait3A_807 = tpu.memref_slice %arg6[%dma_wait3A_803, %dma_wait3A_804, %dma_wait3A_806] : memref<2x4x80xi32, #tpu.memory_space<vmem>> -> memref<1x1x80xi32, #tpu.memory_space<vmem>>
      %dma_wait3A_808 = tpu.memref_squeeze %dma_wait3A_807 : memref<1x1x80xi32, #tpu.memory_space<vmem>> -> memref<80xi32, #tpu.memory_space<vmem>>
      %dma_wait3A_809 = arith.constant 0 : i32
      %dma_wait3A_810 = arith.constant 0 : i32
      %dma_wait3A_811 = tpu.memref_slice %arg2[%dma_wait3A_809, %dma_wait3A_810] : memref<10240x128xf32, #tpu.memory_space<hbm>> -> memref<10240x128xf32, #tpu.memory_space<hbm>>
      %dma_wait3A_812 = tpu.memref_slice %arg14[%dma_wait3A_805] : memref<4x!tpu.dma_semaphore, #tpu.memory_space<semaphore_mem>> -> memref<1x!tpu.dma_semaphore, #tpu.memory_space<semaphore_mem>>
      %dma_wait3A_813 = tpu.memref_squeeze %dma_wait3A_812 : memref<1x!tpu.dma_semaphore, #tpu.memory_space<semaphore_mem>> -> memref<!tpu.dma_semaphore, #tpu.memory_space<semaphore_mem>>
      tpu.wait_indirect_dma semaphore(%dma_wait3A_813 : memref<!tpu.dma_semaphore, #tpu.memory_space<semaphore_mem>>) src(%dma_wait3A_811 : memref<10240x128xf32, #tpu.memory_space<hbm>>) dst(%arg8 : memref<80x128xf32, #tpu.memory_space<vmem>>)
      %dma_start3A_814 = arith.constant 1 : i32
      %dma_start3A_815 = arith.constant 0 : i32
      %dma_start3A_816 = arith.constant 0 : i32
      %dma_start3A_817 = arith.constant 0 : i32
      %dma_start3A_818 = tpu.memref_slice %arg6[%dma_start3A_814, %dma_start3A_815, %dma_start3A_817] : memref<2x4x80xi32, #tpu.memory_space<vmem>> -> memref<1x1x80xi32, #tpu.memory_space<vmem>>
      %dma_start3A_819 = tpu.memref_squeeze %dma_start3A_818 : memref<1x1x80xi32, #tpu.memory_space<vmem>> -> memref<80xi32, #tpu.memory_space<vmem>>
      %dma_start3A_820 = arith.constant 0 : i32
      %dma_start3A_821 = arith.constant 0 : i32
      %dma_start3A_822 = tpu.memref_slice %arg12[%dma_start3A_820, %dma_start3A_821] : memref<10240x128xf32, #tpu.memory_space<vmem_shared>> -> memref<10240x128xf32, #tpu.memory_space<vmem_shared>>
      %dma_start3A_823 = tpu.memref_slice %arg15[%dma_start3A_816] : memref<4x!tpu.dma_semaphore, #tpu.memory_space<semaphore_mem>> -> memref<1x!tpu.dma_semaphore, #tpu.memory_space<semaphore_mem>>
      %dma_start3A_824 = tpu.memref_squeeze %dma_start3A_823 : memref<1x!tpu.dma_semaphore, #tpu.memory_space<semaphore_mem>> -> memref<!tpu.dma_semaphore, #tpu.memory_space<semaphore_mem>>
      tpu.enqueue_indirect_dma source(%arg8 : memref<80x128xf32, #tpu.memory_space<vmem>>) target(%dma_start3A_822 : memref<10240x128xf32, #tpu.memory_space<vmem_shared>>) offsets(%dma_start3A_819 : memref<80xi32, #tpu.memory_space<vmem>>) semaphore(%dma_start3A_824 : memref<!tpu.dma_semaphore, #tpu.memory_space<semaphore_mem>>) {add = true}
      %dma_wait3A_825 = arith.constant 0 : i32
      %dma_wait3A_826 = arith.constant 1 : i32
      %dma_wait3A_827 = arith.constant 1 : i32
      %dma_wait3A_828 = arith.constant 0 : i32
      %dma_wait3A_829 = tpu.memref_slice %arg6[%dma_wait3A_825, %dma_wait3A_826, %dma_wait3A_828] : memref<2x4x80xi32, #tpu.memory_space<vmem>> -> memref<1x1x80xi32, #tpu.memory_space<vmem>>
      %dma_wait3A_830 = tpu.memref_squeeze %dma_wait3A_829 : memref<1x1x80xi32, #tpu.memory_space<vmem>> -> memref<80xi32, #tpu.memory_space<vmem>>
      %dma_wait3A_831 = arith.constant 0 : i32
      %dma_wait3A_832 = arith.constant 0 : i32
      %dma_wait3A_833 = tpu.memref_slice %arg2[%dma_wait3A_831, %dma_wait3A_832] : memref<10240x128xf32, #tpu.memory_space<hbm>> -> memref<10240x128xf32, #tpu.memory_space<hbm>>
      %dma_wait3A_834 = tpu.memref_slice %arg14[%dma_wait3A_827] : memref<4x!tpu.dma_semaphore, #tpu.memory_space<semaphore_mem>> -> memref<1x!tpu.dma_semaphore, #tpu.memory_space<semaphore_mem>>
      %dma_wait3A_835 = tpu.memref_squeeze %dma_wait3A_834 : memref<1x!tpu.dma_semaphore, #tpu.memory_space<semaphore_mem>> -> memref<!tpu.dma_semaphore, #tpu.memory_space<semaphore_mem>>
      tpu.wait_indirect_dma semaphore(%dma_wait3A_835 : memref<!tpu.dma_semaphore, #tpu.memory_space<semaphore_mem>>) src(%dma_wait3A_833 : memref<10240x128xf32, #tpu.memory_space<hbm>>) dst(%arg9 : memref<80x128xf32, #tpu.memory_space<vmem>>)
      %dma_start3A_836 = arith.constant 1 : i32
      %dma_start3A_837 = arith.constant 1 : i32
      %dma_start3A_838 = arith.constant 1 : i32
      %dma_start3A_839 = arith.constant 0 : i32
      %dma_start3A_840 = tpu.memref_slice %arg6[%dma_start3A_836, %dma_start3A_837, %dma_start3A_839] : memref<2x4x80xi32, #tpu.memory_space<vmem>> -> memref<1x1x80xi32, #tpu.memory_space<vmem>>
      %dma_start3A_841 = tpu.memref_squeeze %dma_start3A_840 : memref<1x1x80xi32, #tpu.memory_space<vmem>> -> memref<80xi32, #tpu.memory_space<vmem>>
      %dma_start3A_842 = arith.constant 0 : i32
      %dma_start3A_843 = arith.constant 0 : i32
      %dma_start3A_844 = tpu.memref_slice %arg12[%dma_start3A_842, %dma_start3A_843] : memref<10240x128xf32, #tpu.memory_space<vmem_shared>> -> memref<10240x128xf32, #tpu.memory_space<vmem_shared>>
      %dma_start3A_845 = tpu.memref_slice %arg15[%dma_start3A_838] : memref<4x!tpu.dma_semaphore, #tpu.memory_space<semaphore_mem>> -> memref<1x!tpu.dma_semaphore, #tpu.memory_space<semaphore_mem>>
      %dma_start3A_846 = tpu.memref_squeeze %dma_start3A_845 : memref<1x!tpu.dma_semaphore, #tpu.memory_space<semaphore_mem>> -> memref<!tpu.dma_semaphore, #tpu.memory_space<semaphore_mem>>
      tpu.enqueue_indirect_dma source(%arg9 : memref<80x128xf32, #tpu.memory_space<vmem>>) target(%dma_start3A_844 : memref<10240x128xf32, #tpu.memory_space<vmem_shared>>) offsets(%dma_start3A_841 : memref<80xi32, #tpu.memory_space<vmem>>) semaphore(%dma_start3A_846 : memref<!tpu.dma_semaphore, #tpu.memory_space<semaphore_mem>>) {add = true}
      %dma_wait3A_847 = arith.constant 0 : i32
      %dma_wait3A_848 = arith.constant 2 : i32
      %dma_wait3A_849 = arith.constant 2 : i32
      %dma_wait3A_850 = arith.constant 0 : i32
      %dma_wait3A_851 = tpu.memref_slice %arg6[%dma_wait3A_847, %dma_wait3A_848, %dma_wait3A_850] : memref<2x4x80xi32, #tpu.memory_space<vmem>> -> memref<1x1x80xi32, #tpu.memory_space<vmem>>
      %dma_wait3A_852 = tpu.memref_squeeze %dma_wait3A_851 : memref<1x1x80xi32, #tpu.memory_space<vmem>> -> memref<80xi32, #tpu.memory_space<vmem>>
      %dma_wait3A_853 = arith.constant 0 : i32
      %dma_wait3A_854 = arith.constant 0 : i32
      %dma_wait3A_855 = tpu.memref_slice %arg2[%dma_wait3A_853, %dma_wait3A_854] : memref<10240x128xf32, #tpu.memory_space<hbm>> -> memref<10240x128xf32, #tpu.memory_space<hbm>>
      %dma_wait3A_856 = tpu.memref_slice %arg14[%dma_wait3A_849] : memref<4x!tpu.dma_semaphore, #tpu.memory_space<semaphore_mem>> -> memref<1x!tpu.dma_semaphore, #tpu.memory_space<semaphore_mem>>
      %dma_wait3A_857 = tpu.memref_squeeze %dma_wait3A_856 : memref<1x!tpu.dma_semaphore, #tpu.memory_space<semaphore_mem>> -> memref<!tpu.dma_semaphore, #tpu.memory_space<semaphore_mem>>
      tpu.wait_indirect_dma semaphore(%dma_wait3A_857 : memref<!tpu.dma_semaphore, #tpu.memory_space<semaphore_mem>>) src(%dma_wait3A_855 : memref<10240x128xf32, #tpu.memory_space<hbm>>) dst(%arg10 : memref<80x128xf32, #tpu.memory_space<vmem>>)
      %dma_start3A_858 = arith.constant 1 : i32
      %dma_start3A_859 = arith.constant 2 : i32
      %dma_start3A_860 = arith.constant 2 : i32
      %dma_start3A_861 = arith.constant 0 : i32
      %dma_start3A_862 = tpu.memref_slice %arg6[%dma_start3A_858, %dma_start3A_859, %dma_start3A_861] : memref<2x4x80xi32, #tpu.memory_space<vmem>> -> memref<1x1x80xi32, #tpu.memory_space<vmem>>
      %dma_start3A_863 = tpu.memref_squeeze %dma_start3A_862 : memref<1x1x80xi32, #tpu.memory_space<vmem>> -> memref<80xi32, #tpu.memory_space<vmem>>
      %dma_start3A_864 = arith.constant 0 : i32
      %dma_start3A_865 = arith.constant 0 : i32
      %dma_start3A_866 = tpu.memref_slice %arg12[%dma_start3A_864, %dma_start3A_865] : memref<10240x128xf32, #tpu.memory_space<vmem_shared>> -> memref<10240x128xf32, #tpu.memory_space<vmem_shared>>
      %dma_start3A_867 = tpu.memref_slice %arg15[%dma_start3A_860] : memref<4x!tpu.dma_semaphore, #tpu.memory_space<semaphore_mem>> -> memref<1x!tpu.dma_semaphore, #tpu.memory_space<semaphore_mem>>
      %dma_start3A_868 = tpu.memref_squeeze %dma_start3A_867 : memref<1x!tpu.dma_semaphore, #tpu.memory_space<semaphore_mem>> -> memref<!tpu.dma_semaphore, #tpu.memory_space<semaphore_mem>>
      tpu.enqueue_indirect_dma source(%arg10 : memref<80x128xf32, #tpu.memory_space<vmem>>) target(%dma_start3A_866 : memref<10240x128xf32, #tpu.memory_space<vmem_shared>>) offsets(%dma_start3A_863 : memref<80xi32, #tpu.memory_space<vmem>>) semaphore(%dma_start3A_868 : memref<!tpu.dma_semaphore, #tpu.memory_space<semaphore_mem>>) {add = true}
      %dma_wait3A_869 = arith.constant 0 : i32
      %dma_wait3A_870 = arith.constant 3 : i32
      %dma_wait3A_871 = arith.constant 3 : i32
      %dma_wait3A_872 = arith.constant 0 : i32
      %dma_wait3A_873 = tpu.memref_slice %arg6[%dma_wait3A_869, %dma_wait3A_870, %dma_wait3A_872] : memref<2x4x80xi32, #tpu.memory_space<vmem>> -> memref<1x1x80xi32, #tpu.memory_space<vmem>>
      %dma_wait3A_874 = tpu.memref_squeeze %dma_wait3A_873 : memref<1x1x80xi32, #tpu.memory_space<vmem>> -> memref<80xi32, #tpu.memory_space<vmem>>
      %dma_wait3A_875 = arith.constant 0 : i32
      %dma_wait3A_876 = arith.constant 0 : i32
      %dma_wait3A_877 = tpu.memref_slice %arg2[%dma_wait3A_875, %dma_wait3A_876] : memref<10240x128xf32, #tpu.memory_space<hbm>> -> memref<10240x128xf32, #tpu.memory_space<hbm>>
      %dma_wait3A_878 = tpu.memref_slice %arg14[%dma_wait3A_871] : memref<4x!tpu.dma_semaphore, #tpu.memory_space<semaphore_mem>> -> memref<1x!tpu.dma_semaphore, #tpu.memory_space<semaphore_mem>>
      %dma_wait3A_879 = tpu.memref_squeeze %dma_wait3A_878 : memref<1x!tpu.dma_semaphore, #tpu.memory_space<semaphore_mem>> -> memref<!tpu.dma_semaphore, #tpu.memory_space<semaphore_mem>>
      tpu.wait_indirect_dma semaphore(%dma_wait3A_879 : memref<!tpu.dma_semaphore, #tpu.memory_space<semaphore_mem>>) src(%dma_wait3A_877 : memref<10240x128xf32, #tpu.memory_space<hbm>>) dst(%arg11 : memref<80x128xf32, #tpu.memory_space<vmem>>)
      %dma_start3A_880 = arith.constant 1 : i32
      %dma_start3A_881 = arith.constant 3 : i32
      %dma_start3A_882 = arith.constant 3 : i32
      %dma_start3A_883 = arith.constant 0 : i32
      %dma_start3A_884 = tpu.memref_slice %arg6[%dma_start3A_880, %dma_start3A_881, %dma_start3A_883] : memref<2x4x80xi32, #tpu.memory_space<vmem>> -> memref<1x1x80xi32, #tpu.memory_space<vmem>>
      %dma_start3A_885 = tpu.memref_squeeze %dma_start3A_884 : memref<1x1x80xi32, #tpu.memory_space<vmem>> -> memref<80xi32, #tpu.memory_space<vmem>>
      %dma_start3A_886 = arith.constant 0 : i32
      %dma_start3A_887 = arith.constant 0 : i32
      %dma_start3A_888 = tpu.memref_slice %arg12[%dma_start3A_886, %dma_start3A_887] : memref<10240x128xf32, #tpu.memory_space<vmem_shared>> -> memref<10240x128xf32, #tpu.memory_space<vmem_shared>>
      %dma_start3A_889 = tpu.memref_slice %arg15[%dma_start3A_882] : memref<4x!tpu.dma_semaphore, #tpu.memory_space<semaphore_mem>> -> memref<1x!tpu.dma_semaphore, #tpu.memory_space<semaphore_mem>>
      %dma_start3A_890 = tpu.memref_squeeze %dma_start3A_889 : memref<1x!tpu.dma_semaphore, #tpu.memory_space<semaphore_mem>> -> memref<!tpu.dma_semaphore, #tpu.memory_space<semaphore_mem>>
      tpu.enqueue_indirect_dma source(%arg11 : memref<80x128xf32, #tpu.memory_space<vmem>>) target(%dma_start3A_888 : memref<10240x128xf32, #tpu.memory_space<vmem_shared>>) offsets(%dma_start3A_885 : memref<80xi32, #tpu.memory_space<vmem>>) semaphore(%dma_start3A_890 : memref<!tpu.dma_semaphore, #tpu.memory_space<semaphore_mem>>) {add = true}
    }
    %while3A_216 = arith.constant 1 : i32
    scf.for %while3A_456 = %while3A_214 to %while3A_210 step %while3A_216  : i32 {
      %mul3A_457 = arith.constant 2 : i32
      %mul3A_458 = arith.muli %mul3A_457, %while3A_456 : i32
      %add3A_459 = arith.constant 1 : i32
      %add3A_460 = arith.addi %mul3A_458, %add3A_459 : i32
      %jit3A_461 = arith.constant 2 : i32
      %eq3A_462 = arith.constant 0 : i32
      %eq3A_463 = arith.cmpi eq, %jit3A_461, %eq3A_462 : i32
      %jit3A_464 = arith.constant 1 : i32
      %select_n3A_465 = arith.select %eq3A_463, %jit3A_464, %jit3A_461 : i32
      %rem3A_466 = arith.remsi %add3A_460, %select_n3A_465 : i32
      %ne3A_467 = arith.constant 0 : i32
      %ne3A_468 = arith.cmpi ne, %rem3A_466, %ne3A_467 : i32
      %lt3A_469 = arith.constant 0 : i32
      %lt3A_470 = arith.cmpi slt, %rem3A_466, %lt3A_469 : i32
      %lt3A_471 = arith.constant 0 : i32
      %lt3A_472 = arith.cmpi slt, %select_n3A_465, %lt3A_471 : i32
      %ne3A_473 = arith.xori %lt3A_470, %lt3A_472 : i1
      %and3A_474 = arith.andi %ne3A_473, %ne3A_468 : i1
      %add3A_475 = arith.addi %rem3A_466, %select_n3A_465 : i32
      %select_n3A_476 = arith.select %and3A_474, %add3A_475, %rem3A_466 : i32
      %dma_wait3A_477 = arith.constant 0 : i32
      %dma_wait3A_478 = arith.constant 0 : i32
      %dma_wait3A_479 = arith.constant 0 : i32
      %dma_wait3A_480 = arith.constant 0 : i32
      %dma_wait3A_481 = tpu.memref_slice %arg3[%dma_wait3A_477, %dma_wait3A_478, %dma_wait3A_479, %dma_wait3A_480] : memref<1024x2x4x80xi32, #tpu.memory_space<hbm>> -> memref<1x2x4x80xi32, #tpu.memory_space<hbm>>
      %dma_wait3A_482 = tpu.memref_squeeze %dma_wait3A_481 : memref<1x2x4x80xi32, #tpu.memory_space<hbm>> -> memref<2x4x80xi32, #tpu.memory_space<hbm>>
      %dma_wait3A_483 = tpu.memref_slice %arg13[%select_n3A_476] : memref<2x!tpu.dma_semaphore, #tpu.memory_space<semaphore_mem>> -> memref<1x!tpu.dma_semaphore, #tpu.memory_space<semaphore_mem>>
      %dma_wait3A_484 = tpu.memref_squeeze %dma_wait3A_483 : memref<1x!tpu.dma_semaphore, #tpu.memory_space<semaphore_mem>> -> memref<!tpu.dma_semaphore, #tpu.memory_space<semaphore_mem>>
      %dma_wait3A_485 = arith.constant 0 : i32
      %dma_wait3A_486 = arith.constant 0 : i32
      %dma_wait3A_487 = arith.constant 0 : i32
      %dma_wait3A_488 = tpu.memref_slice %arg3[%dma_wait3A_477, %dma_wait3A_485, %dma_wait3A_486, %dma_wait3A_487] : memref<1024x2x4x80xi32, #tpu.memory_space<hbm>> -> memref<1x2x4x80xi32, #tpu.memory_space<hbm>>
      %dma_wait3A_489 = tpu.memref_squeeze %dma_wait3A_488 : memref<1x2x4x80xi32, #tpu.memory_space<hbm>> -> memref<2x4x80xi32, #tpu.memory_space<hbm>>
      tpu.wait_dma2 semaphore(%dma_wait3A_484 : memref<!tpu.dma_semaphore, #tpu.memory_space<semaphore_mem>>) src(%dma_wait3A_489 : memref<2x4x80xi32, #tpu.memory_space<hbm>>) dst(%arg7 : memref<2x4x80xi32, #tpu.memory_space<vmem>>)
      %dma_wait3A_490 = arith.constant 0 : i32
      %dma_wait3A_491 = arith.constant 0 : i32
      %dma_wait3A_492 = arith.constant 0 : i32
      %dma_wait3A_493 = tpu.memref_slice %arg12[%dma_wait3A_491, %dma_wait3A_492] : memref<10240x128xf32, #tpu.memory_space<vmem_shared>> -> memref<80x128xf32, #tpu.memory_space<vmem_shared>>
      %dma_wait3A_494 = tpu.memref_slice %arg15[%dma_wait3A_490] : memref<4x!tpu.dma_semaphore, #tpu.memory_space<semaphore_mem>> -> memref<1x!tpu.dma_semaphore, #tpu.memory_space<semaphore_mem>>
      %dma_wait3A_495 = tpu.memref_squeeze %dma_wait3A_494 : memref<1x!tpu.dma_semaphore, #tpu.memory_space<semaphore_mem>> -> memref<!tpu.dma_semaphore, #tpu.memory_space<semaphore_mem>>
      %dma_wait3A_496 = arith.constant 0 : i32
      %dma_wait3A_497 = arith.constant 0 : i32
      %dma_wait3A_498 = tpu.memref_slice %arg12[%dma_wait3A_496, %dma_wait3A_497] : memref<10240x128xf32, #tpu.memory_space<vmem_shared>> -> memref<80x128xf32, #tpu.memory_space<vmem_shared>>
      tpu.wait_dma2 semaphore(%dma_wait3A_495 : memref<!tpu.dma_semaphore, #tpu.memory_space<semaphore_mem>>) src(%arg8 : memref<80x128xf32, #tpu.memory_space<vmem>>) dst(%dma_wait3A_498 : memref<80x128xf32, #tpu.memory_space<vmem_shared>>)
      %dma_start3A_499 = arith.constant 0 : i32
      %dma_start3A_500 = arith.constant 0 : i32
      %dma_start3A_501 = arith.constant 0 : i32
      %dma_start3A_502 = arith.constant 0 : i32
      %dma_start3A_503 = tpu.memref_slice %arg7[%dma_start3A_499, %dma_start3A_500, %dma_start3A_502] : memref<2x4x80xi32, #tpu.memory_space<vmem>> -> memref<1x1x80xi32, #tpu.memory_space<vmem>>
      %dma_start3A_504 = tpu.memref_squeeze %dma_start3A_503 : memref<1x1x80xi32, #tpu.memory_space<vmem>> -> memref<80xi32, #tpu.memory_space<vmem>>
      %dma_start3A_505 = arith.constant 0 : i32
      %dma_start3A_506 = arith.constant 0 : i32
      %dma_start3A_507 = tpu.memref_slice %arg2[%dma_start3A_505, %dma_start3A_506] : memref<10240x128xf32, #tpu.memory_space<hbm>> -> memref<10240x128xf32, #tpu.memory_space<hbm>>
      %dma_start3A_508 = tpu.memref_slice %arg14[%dma_start3A_501] : memref<4x!tpu.dma_semaphore, #tpu.memory_space<semaphore_mem>> -> memref<1x!tpu.dma_semaphore, #tpu.memory_space<semaphore_mem>>
      %dma_start3A_509 = tpu.memref_squeeze %dma_start3A_508 : memref<1x!tpu.dma_semaphore, #tpu.memory_space<semaphore_mem>> -> memref<!tpu.dma_semaphore, #tpu.memory_space<semaphore_mem>>
      tpu.enqueue_indirect_dma source(%dma_start3A_507 : memref<10240x128xf32, #tpu.memory_space<hbm>>) target(%arg8 : memref<80x128xf32, #tpu.memory_space<vmem>>) offsets(%dma_start3A_504 : memref<80xi32, #tpu.memory_space<vmem>>) semaphore(%dma_start3A_509 : memref<!tpu.dma_semaphore, #tpu.memory_space<semaphore_mem>>)
      %dma_wait3A_510 = arith.constant 1 : i32
      %dma_wait3A_511 = arith.constant 0 : i32
      %dma_wait3A_512 = arith.constant 0 : i32
      %dma_wait3A_513 = tpu.memref_slice %arg12[%dma_wait3A_511, %dma_wait3A_512] : memref<10240x128xf32, #tpu.memory_space<vmem_shared>> -> memref<80x128xf32, #tpu.memory_space<vmem_shared>>
      %dma_wait3A_514 = tpu.memref_slice %arg15[%dma_wait3A_510] : memref<4x!tpu.dma_semaphore, #tpu.memory_space<semaphore_mem>> -> memref<1x!tpu.dma_semaphore, #tpu.memory_space<semaphore_mem>>
      %dma_wait3A_515 = tpu.memref_squeeze %dma_wait3A_514 : memref<1x!tpu.dma_semaphore, #tpu.memory_space<semaphore_mem>> -> memref<!tpu.dma_semaphore, #tpu.memory_space<semaphore_mem>>
      %dma_wait3A_516 = arith.constant 0 : i32
      %dma_wait3A_517 = arith.constant 0 : i32
      %dma_wait3A_518 = tpu.memref_slice %arg12[%dma_wait3A_516, %dma_wait3A_517] : memref<10240x128xf32, #tpu.memory_space<vmem_shared>> -> memref<80x128xf32, #tpu.memory_space<vmem_shared>>
      tpu.wait_dma2 semaphore(%dma_wait3A_515 : memref<!tpu.dma_semaphore, #tpu.memory_space<semaphore_mem>>) src(%arg9 : memref<80x128xf32, #tpu.memory_space<vmem>>) dst(%dma_wait3A_518 : memref<80x128xf32, #tpu.memory_space<vmem_shared>>)
      %dma_start3A_519 = arith.constant 0 : i32
      %dma_start3A_520 = arith.constant 1 : i32
      %dma_start3A_521 = arith.constant 1 : i32
      %dma_start3A_522 = arith.constant 0 : i32
      %dma_start3A_523 = tpu.memref_slice %arg7[%dma_start3A_519, %dma_start3A_520, %dma_start3A_522] : memref<2x4x80xi32, #tpu.memory_space<vmem>> -> memref<1x1x80xi32, #tpu.memory_space<vmem>>
      %dma_start3A_524 = tpu.memref_squeeze %dma_start3A_523 : memref<1x1x80xi32, #tpu.memory_space<vmem>> -> memref<80xi32, #tpu.memory_space<vmem>>
      %dma_start3A_525 = arith.constant 0 : i32
      %dma_start3A_526 = arith.constant 0 : i32
      %dma_start3A_527 = tpu.memref_slice %arg2[%dma_start3A_525, %dma_start3A_526] : memref<10240x128xf32, #tpu.memory_space<hbm>> -> memref<10240x128xf32, #tpu.memory_space<hbm>>
      %dma_start3A_528 = tpu.memref_slice %arg14[%dma_start3A_521] : memref<4x!tpu.dma_semaphore, #tpu.memory_space<semaphore_mem>> -> memref<1x!tpu.dma_semaphore, #tpu.memory_space<semaphore_mem>>
      %dma_start3A_529 = tpu.memref_squeeze %dma_start3A_528 : memref<1x!tpu.dma_semaphore, #tpu.memory_space<semaphore_mem>> -> memref<!tpu.dma_semaphore, #tpu.memory_space<semaphore_mem>>
      tpu.enqueue_indirect_dma source(%dma_start3A_527 : memref<10240x128xf32, #tpu.memory_space<hbm>>) target(%arg9 : memref<80x128xf32, #tpu.memory_space<vmem>>) offsets(%dma_start3A_524 : memref<80xi32, #tpu.memory_space<vmem>>) semaphore(%dma_start3A_529 : memref<!tpu.dma_semaphore, #tpu.memory_space<semaphore_mem>>)
      %dma_wait3A_530 = arith.constant 2 : i32
      %dma_wait3A_531 = arith.constant 0 : i32
      %dma_wait3A_532 = arith.constant 0 : i32
      %dma_wait3A_533 = tpu.memref_slice %arg12[%dma_wait3A_531, %dma_wait3A_532] : memref<10240x128xf32, #tpu.memory_space<vmem_shared>> -> memref<80x128xf32, #tpu.memory_space<vmem_shared>>
      %dma_wait3A_534 = tpu.memref_slice %arg15[%dma_wait3A_530] : memref<4x!tpu.dma_semaphore, #tpu.memory_space<semaphore_mem>> -> memref<1x!tpu.dma_semaphore, #tpu.memory_space<semaphore_mem>>
      %dma_wait3A_535 = tpu.memref_squeeze %dma_wait3A_534 : memref<1x!tpu.dma_semaphore, #tpu.memory_space<semaphore_mem>> -> memref<!tpu.dma_semaphore, #tpu.memory_space<semaphore_mem>>
      %dma_wait3A_536 = arith.constant 0 : i32
      %dma_wait3A_537 = arith.constant 0 : i32
      %dma_wait3A_538 = tpu.memref_slice %arg12[%dma_wait3A_536, %dma_wait3A_537] : memref<10240x128xf32, #tpu.memory_space<vmem_shared>> -> memref<80x128xf32, #tpu.memory_space<vmem_shared>>
      tpu.wait_dma2 semaphore(%dma_wait3A_535 : memref<!tpu.dma_semaphore, #tpu.memory_space<semaphore_mem>>) src(%arg10 : memref<80x128xf32, #tpu.memory_space<vmem>>) dst(%dma_wait3A_538 : memref<80x128xf32, #tpu.memory_space<vmem_shared>>)
      %dma_start3A_539 = arith.constant 0 : i32
      %dma_start3A_540 = arith.constant 2 : i32
      %dma_start3A_541 = arith.constant 2 : i32
      %dma_start3A_542 = arith.constant 0 : i32
      %dma_start3A_543 = tpu.memref_slice %arg7[%dma_start3A_539, %dma_start3A_540, %dma_start3A_542] : memref<2x4x80xi32, #tpu.memory_space<vmem>> -> memref<1x1x80xi32, #tpu.memory_space<vmem>>
      %dma_start3A_544 = tpu.memref_squeeze %dma_start3A_543 : memref<1x1x80xi32, #tpu.memory_space<vmem>> -> memref<80xi32, #tpu.memory_space<vmem>>
      %dma_start3A_545 = arith.constant 0 : i32
      %dma_start3A_546 = arith.constant 0 : i32
      %dma_start3A_547 = tpu.memref_slice %arg2[%dma_start3A_545, %dma_start3A_546] : memref<10240x128xf32, #tpu.memory_space<hbm>> -> memref<10240x128xf32, #tpu.memory_space<hbm>>
      %dma_start3A_548 = tpu.memref_slice %arg14[%dma_start3A_541] : memref<4x!tpu.dma_semaphore, #tpu.memory_space<semaphore_mem>> -> memref<1x!tpu.dma_semaphore, #tpu.memory_space<semaphore_mem>>
      %dma_start3A_549 = tpu.memref_squeeze %dma_start3A_548 : memref<1x!tpu.dma_semaphore, #tpu.memory_space<semaphore_mem>> -> memref<!tpu.dma_semaphore, #tpu.memory_space<semaphore_mem>>
      tpu.enqueue_indirect_dma source(%dma_start3A_547 : memref<10240x128xf32, #tpu.memory_space<hbm>>) target(%arg10 : memref<80x128xf32, #tpu.memory_space<vmem>>) offsets(%dma_start3A_544 : memref<80xi32, #tpu.memory_space<vmem>>) semaphore(%dma_start3A_549 : memref<!tpu.dma_semaphore, #tpu.memory_space<semaphore_mem>>)
      %dma_wait3A_550 = arith.constant 3 : i32
      %dma_wait3A_551 = arith.constant 0 : i32
      %dma_wait3A_552 = arith.constant 0 : i32
      %dma_wait3A_553 = tpu.memref_slice %arg12[%dma_wait3A_551, %dma_wait3A_552] : memref<10240x128xf32, #tpu.memory_space<vmem_shared>> -> memref<80x128xf32, #tpu.memory_space<vmem_shared>>
      %dma_wait3A_554 = tpu.memref_slice %arg15[%dma_wait3A_550] : memref<4x!tpu.dma_semaphore, #tpu.memory_space<semaphore_mem>> -> memref<1x!tpu.dma_semaphore, #tpu.memory_space<semaphore_mem>>
      %dma_wait3A_555 = tpu.memref_squeeze %dma_wait3A_554 : memref<1x!tpu.dma_semaphore, #tpu.memory_space<semaphore_mem>> -> memref<!tpu.dma_semaphore, #tpu.memory_space<semaphore_mem>>
      %dma_wait3A_556 = arith.constant 0 : i32
      %dma_wait3A_557 = arith.constant 0 : i32
      %dma_wait3A_558 = tpu.memref_slice %arg12[%dma_wait3A_556, %dma_wait3A_557] : memref<10240x128xf32, #tpu.memory_space<vmem_shared>> -> memref<80x128xf32, #tpu.memory_space<vmem_shared>>
      tpu.wait_dma2 semaphore(%dma_wait3A_555 : memref<!tpu.dma_semaphore, #tpu.memory_space<semaphore_mem>>) src(%arg11 : memref<80x128xf32, #tpu.memory_space<vmem>>) dst(%dma_wait3A_558 : memref<80x128xf32, #tpu.memory_space<vmem_shared>>)
      %dma_start3A_559 = arith.constant 0 : i32
      %dma_start3A_560 = arith.constant 3 : i32
      %dma_start3A_561 = arith.constant 3 : i32
      %dma_start3A_562 = arith.constant 0 : i32
      %dma_start3A_563 = tpu.memref_slice %arg7[%dma_start3A_559, %dma_start3A_560, %dma_start3A_562] : memref<2x4x80xi32, #tpu.memory_space<vmem>> -> memref<1x1x80xi32, #tpu.memory_space<vmem>>
      %dma_start3A_564 = tpu.memref_squeeze %dma_start3A_563 : memref<1x1x80xi32, #tpu.memory_space<vmem>> -> memref<80xi32, #tpu.memory_space<vmem>>
      %dma_start3A_565 = arith.constant 0 : i32
      %dma_start3A_566 = arith.constant 0 : i32
      %dma_start3A_567 = tpu.memref_slice %arg2[%dma_start3A_565, %dma_start3A_566] : memref<10240x128xf32, #tpu.memory_space<hbm>> -> memref<10240x128xf32, #tpu.memory_space<hbm>>
      %dma_start3A_568 = tpu.memref_slice %arg14[%dma_start3A_561] : memref<4x!tpu.dma_semaphore, #tpu.memory_space<semaphore_mem>> -> memref<1x!tpu.dma_semaphore, #tpu.memory_space<semaphore_mem>>
      %dma_start3A_569 = tpu.memref_squeeze %dma_start3A_568 : memref<1x!tpu.dma_semaphore, #tpu.memory_space<semaphore_mem>> -> memref<!tpu.dma_semaphore, #tpu.memory_space<semaphore_mem>>
      tpu.enqueue_indirect_dma source(%dma_start3A_567 : memref<10240x128xf32, #tpu.memory_space<hbm>>) target(%arg11 : memref<80x128xf32, #tpu.memory_space<vmem>>) offsets(%dma_start3A_564 : memref<80xi32, #tpu.memory_space<vmem>>) semaphore(%dma_start3A_569 : memref<!tpu.dma_semaphore, #tpu.memory_space<semaphore_mem>>)
      %add3A_570 = arith.addi %select_n3A_11, %add3A_460 : i32
      %add3A_571 = arith.constant 1 : i32
      %add3A_572 = arith.addi %add3A_570, %add3A_571 : i32
      %sub3A_573 = arith.constant 1 : i32
      %sub3A_574 = arith.subi %sub3A_573, %select_n3A_476 : i32
      %dma_start3A_575 = arith.constant 0 : i32
      %dma_start3A_576 = arith.constant 0 : i32
      %dma_start3A_577 = arith.constant 0 : i32
      %dma_start3A_578 = tpu.memref_slice %arg3[%add3A_572, %dma_start3A_575, %dma_start3A_576, %dma_start3A_577] : memref<1024x2x4x80xi32, #tpu.memory_space<hbm>> -> memref<1x2x4x80xi32, #tpu.memory_space<hbm>>
      %dma_start3A_579 = tpu.memref_squeeze %dma_start3A_578 : memref<1x2x4x80xi32, #tpu.memory_space<hbm>> -> memref<2x4x80xi32, #tpu.memory_space<hbm>>
      %dma_start3A_580 = tpu.memref_slice %arg13[%sub3A_574] : memref<2x!tpu.dma_semaphore, #tpu.memory_space<semaphore_mem>> -> memref<1x!tpu.dma_semaphore, #tpu.memory_space<semaphore_mem>>
      %dma_start3A_581 = tpu.memref_squeeze %dma_start3A_580 : memref<1x!tpu.dma_semaphore, #tpu.memory_space<semaphore_mem>> -> memref<!tpu.dma_semaphore, #tpu.memory_space<semaphore_mem>>
      %dma_start3A_582 = arith.constant 0 : i32
      %dma_start3A_583 = arith.constant 0 : i32
      %dma_start3A_584 = arith.constant 0 : i32
      %dma_start3A_585 = tpu.memref_slice %arg3[%add3A_572, %dma_start3A_582, %dma_start3A_583, %dma_start3A_584] : memref<1024x2x4x80xi32, #tpu.memory_space<hbm>> -> memref<1x2x4x80xi32, #tpu.memory_space<hbm>>
      %dma_start3A_586 = tpu.memref_squeeze %dma_start3A_585 : memref<1x2x4x80xi32, #tpu.memory_space<hbm>> -> memref<2x4x80xi32, #tpu.memory_space<hbm>>
      tpu.enqueue_dma source(%dma_start3A_586 : memref<2x4x80xi32, #tpu.memory_space<hbm>>) target(%arg6 : memref<2x4x80xi32, #tpu.memory_space<vmem>>) target_semaphore(%dma_start3A_581 : memref<!tpu.dma_semaphore, #tpu.memory_space<semaphore_mem>>)
      %dma_wait3A_587 = arith.constant 0 : i32
      %dma_wait3A_588 = arith.constant 0 : i32
      %dma_wait3A_589 = arith.constant 0 : i32
      %dma_wait3A_590 = arith.constant 0 : i32
      %dma_wait3A_591 = tpu.memref_slice %arg7[%dma_wait3A_587, %dma_wait3A_588, %dma_wait3A_590] : memref<2x4x80xi32, #tpu.memory_space<vmem>> -> memref<1x1x80xi32, #tpu.memory_space<vmem>>
      %dma_wait3A_592 = tpu.memref_squeeze %dma_wait3A_591 : memref<1x1x80xi32, #tpu.memory_space<vmem>> -> memref<80xi32, #tpu.memory_space<vmem>>
      %dma_wait3A_593 = arith.constant 0 : i32
      %dma_wait3A_594 = arith.constant 0 : i32
      %dma_wait3A_595 = tpu.memref_slice %arg2[%dma_wait3A_593, %dma_wait3A_594] : memref<10240x128xf32, #tpu.memory_space<hbm>> -> memref<10240x128xf32, #tpu.memory_space<hbm>>
      %dma_wait3A_596 = tpu.memref_slice %arg14[%dma_wait3A_589] : memref<4x!tpu.dma_semaphore, #tpu.memory_space<semaphore_mem>> -> memref<1x!tpu.dma_semaphore, #tpu.memory_space<semaphore_mem>>
      %dma_wait3A_597 = tpu.memref_squeeze %dma_wait3A_596 : memref<1x!tpu.dma_semaphore, #tpu.memory_space<semaphore_mem>> -> memref<!tpu.dma_semaphore, #tpu.memory_space<semaphore_mem>>
      tpu.wait_indirect_dma semaphore(%dma_wait3A_597 : memref<!tpu.dma_semaphore, #tpu.memory_space<semaphore_mem>>) src(%dma_wait3A_595 : memref<10240x128xf32, #tpu.memory_space<hbm>>) dst(%arg8 : memref<80x128xf32, #tpu.memory_space<vmem>>)
      %dma_start3A_598 = arith.constant 1 : i32
      %dma_start3A_599 = arith.constant 0 : i32
      %dma_start3A_600 = arith.constant 0 : i32
      %dma_start3A_601 = arith.constant 0 : i32
      %dma_start3A_602 = tpu.memref_slice %arg7[%dma_start3A_598, %dma_start3A_599, %dma_start3A_601] : memref<2x4x80xi32, #tpu.memory_space<vmem>> -> memref<1x1x80xi32, #tpu.memory_space<vmem>>
      %dma_start3A_603 = tpu.memref_squeeze %dma_start3A_602 : memref<1x1x80xi32, #tpu.memory_space<vmem>> -> memref<80xi32, #tpu.memory_space<vmem>>
      %dma_start3A_604 = arith.constant 0 : i32
      %dma_start3A_605 = arith.constant 0 : i32
      %dma_start3A_606 = tpu.memref_slice %arg12[%dma_start3A_604, %dma_start3A_605] : memref<10240x128xf32, #tpu.memory_space<vmem_shared>> -> memref<10240x128xf32, #tpu.memory_space<vmem_shared>>
      %dma_start3A_607 = tpu.memref_slice %arg15[%dma_start3A_600] : memref<4x!tpu.dma_semaphore, #tpu.memory_space<semaphore_mem>> -> memref<1x!tpu.dma_semaphore, #tpu.memory_space<semaphore_mem>>
      %dma_start3A_608 = tpu.memref_squeeze %dma_start3A_607 : memref<1x!tpu.dma_semaphore, #tpu.memory_space<semaphore_mem>> -> memref<!tpu.dma_semaphore, #tpu.memory_space<semaphore_mem>>
      tpu.enqueue_indirect_dma source(%arg8 : memref<80x128xf32, #tpu.memory_space<vmem>>) target(%dma_start3A_606 : memref<10240x128xf32, #tpu.memory_space<vmem_shared>>) offsets(%dma_start3A_603 : memref<80xi32, #tpu.memory_space<vmem>>) semaphore(%dma_start3A_608 : memref<!tpu.dma_semaphore, #tpu.memory_space<semaphore_mem>>) {add = true}
      %dma_wait3A_609 = arith.constant 0 : i32
      %dma_wait3A_610 = arith.constant 1 : i32
      %dma_wait3A_611 = arith.constant 1 : i32
      %dma_wait3A_612 = arith.constant 0 : i32
      %dma_wait3A_613 = tpu.memref_slice %arg7[%dma_wait3A_609, %dma_wait3A_610, %dma_wait3A_612] : memref<2x4x80xi32, #tpu.memory_space<vmem>> -> memref<1x1x80xi32, #tpu.memory_space<vmem>>
      %dma_wait3A_614 = tpu.memref_squeeze %dma_wait3A_613 : memref<1x1x80xi32, #tpu.memory_space<vmem>> -> memref<80xi32, #tpu.memory_space<vmem>>
      %dma_wait3A_615 = arith.constant 0 : i32
      %dma_wait3A_616 = arith.constant 0 : i32
      %dma_wait3A_617 = tpu.memref_slice %arg2[%dma_wait3A_615, %dma_wait3A_616] : memref<10240x128xf32, #tpu.memory_space<hbm>> -> memref<10240x128xf32, #tpu.memory_space<hbm>>
      %dma_wait3A_618 = tpu.memref_slice %arg14[%dma_wait3A_611] : memref<4x!tpu.dma_semaphore, #tpu.memory_space<semaphore_mem>> -> memref<1x!tpu.dma_semaphore, #tpu.memory_space<semaphore_mem>>
      %dma_wait3A_619 = tpu.memref_squeeze %dma_wait3A_618 : memref<1x!tpu.dma_semaphore, #tpu.memory_space<semaphore_mem>> -> memref<!tpu.dma_semaphore, #tpu.memory_space<semaphore_mem>>
      tpu.wait_indirect_dma semaphore(%dma_wait3A_619 : memref<!tpu.dma_semaphore, #tpu.memory_space<semaphore_mem>>) src(%dma_wait3A_617 : memref<10240x128xf32, #tpu.memory_space<hbm>>) dst(%arg9 : memref<80x128xf32, #tpu.memory_space<vmem>>)
      %dma_start3A_620 = arith.constant 1 : i32
      %dma_start3A_621 = arith.constant 1 : i32
      %dma_start3A_622 = arith.constant 1 : i32
      %dma_start3A_623 = arith.constant 0 : i32
      %dma_start3A_624 = tpu.memref_slice %arg7[%dma_start3A_620, %dma_start3A_621, %dma_start3A_623] : memref<2x4x80xi32, #tpu.memory_space<vmem>> -> memref<1x1x80xi32, #tpu.memory_space<vmem>>
      %dma_start3A_625 = tpu.memref_squeeze %dma_start3A_624 : memref<1x1x80xi32, #tpu.memory_space<vmem>> -> memref<80xi32, #tpu.memory_space<vmem>>
      %dma_start3A_626 = arith.constant 0 : i32
      %dma_start3A_627 = arith.constant 0 : i32
      %dma_start3A_628 = tpu.memref_slice %arg12[%dma_start3A_626, %dma_start3A_627] : memref<10240x128xf32, #tpu.memory_space<vmem_shared>> -> memref<10240x128xf32, #tpu.memory_space<vmem_shared>>
      %dma_start3A_629 = tpu.memref_slice %arg15[%dma_start3A_622] : memref<4x!tpu.dma_semaphore, #tpu.memory_space<semaphore_mem>> -> memref<1x!tpu.dma_semaphore, #tpu.memory_space<semaphore_mem>>
      %dma_start3A_630 = tpu.memref_squeeze %dma_start3A_629 : memref<1x!tpu.dma_semaphore, #tpu.memory_space<semaphore_mem>> -> memref<!tpu.dma_semaphore, #tpu.memory_space<semaphore_mem>>
      tpu.enqueue_indirect_dma source(%arg9 : memref<80x128xf32, #tpu.memory_space<vmem>>) target(%dma_start3A_628 : memref<10240x128xf32, #tpu.memory_space<vmem_shared>>) offsets(%dma_start3A_625 : memref<80xi32, #tpu.memory_space<vmem>>) semaphore(%dma_start3A_630 : memref<!tpu.dma_semaphore, #tpu.memory_space<semaphore_mem>>) {add = true}
      %dma_wait3A_631 = arith.constant 0 : i32
      %dma_wait3A_632 = arith.constant 2 : i32
      %dma_wait3A_633 = arith.constant 2 : i32
      %dma_wait3A_634 = arith.constant 0 : i32
      %dma_wait3A_635 = tpu.memref_slice %arg7[%dma_wait3A_631, %dma_wait3A_632, %dma_wait3A_634] : memref<2x4x80xi32, #tpu.memory_space<vmem>> -> memref<1x1x80xi32, #tpu.memory_space<vmem>>
      %dma_wait3A_636 = tpu.memref_squeeze %dma_wait3A_635 : memref<1x1x80xi32, #tpu.memory_space<vmem>> -> memref<80xi32, #tpu.memory_space<vmem>>
      %dma_wait3A_637 = arith.constant 0 : i32
      %dma_wait3A_638 = arith.constant 0 : i32
      %dma_wait3A_639 = tpu.memref_slice %arg2[%dma_wait3A_637, %dma_wait3A_638] : memref<10240x128xf32, #tpu.memory_space<hbm>> -> memref<10240x128xf32, #tpu.memory_space<hbm>>
      %dma_wait3A_640 = tpu.memref_slice %arg14[%dma_wait3A_633] : memref<4x!tpu.dma_semaphore, #tpu.memory_space<semaphore_mem>> -> memref<1x!tpu.dma_semaphore, #tpu.memory_space<semaphore_mem>>
      %dma_wait3A_641 = tpu.memref_squeeze %dma_wait3A_640 : memref<1x!tpu.dma_semaphore, #tpu.memory_space<semaphore_mem>> -> memref<!tpu.dma_semaphore, #tpu.memory_space<semaphore_mem>>
      tpu.wait_indirect_dma semaphore(%dma_wait3A_641 : memref<!tpu.dma_semaphore, #tpu.memory_space<semaphore_mem>>) src(%dma_wait3A_639 : memref<10240x128xf32, #tpu.memory_space<hbm>>) dst(%arg10 : memref<80x128xf32, #tpu.memory_space<vmem>>)
      %dma_start3A_642 = arith.constant 1 : i32
      %dma_start3A_643 = arith.constant 2 : i32
      %dma_start3A_644 = arith.constant 2 : i32
      %dma_start3A_645 = arith.constant 0 : i32
      %dma_start3A_646 = tpu.memref_slice %arg7[%dma_start3A_642, %dma_start3A_643, %dma_start3A_645] : memref<2x4x80xi32, #tpu.memory_space<vmem>> -> memref<1x1x80xi32, #tpu.memory_space<vmem>>
      %dma_start3A_647 = tpu.memref_squeeze %dma_start3A_646 : memref<1x1x80xi32, #tpu.memory_space<vmem>> -> memref<80xi32, #tpu.memory_space<vmem>>
      %dma_start3A_648 = arith.constant 0 : i32
      %dma_start3A_649 = arith.constant 0 : i32
      %dma_start3A_650 = tpu.memref_slice %arg12[%dma_start3A_648, %dma_start3A_649] : memref<10240x128xf32, #tpu.memory_space<vmem_shared>> -> memref<10240x128xf32, #tpu.memory_space<vmem_shared>>
      %dma_start3A_651 = tpu.memref_slice %arg15[%dma_start3A_644] : memref<4x!tpu.dma_semaphore, #tpu.memory_space<semaphore_mem>> -> memref<1x!tpu.dma_semaphore, #tpu.memory_space<semaphore_mem>>
      %dma_start3A_652 = tpu.memref_squeeze %dma_start3A_651 : memref<1x!tpu.dma_semaphore, #tpu.memory_space<semaphore_mem>> -> memref<!tpu.dma_semaphore, #tpu.memory_space<semaphore_mem>>
      tpu.enqueue_indirect_dma source(%arg10 : memref<80x128xf32, #tpu.memory_space<vmem>>) target(%dma_start3A_650 : memref<10240x128xf32, #tpu.memory_space<vmem_shared>>) offsets(%dma_start3A_647 : memref<80xi32, #tpu.memory_space<vmem>>) semaphore(%dma_start3A_652 : memref<!tpu.dma_semaphore, #tpu.memory_space<semaphore_mem>>) {add = true}
      %dma_wait3A_653 = arith.constant 0 : i32
      %dma_wait3A_654 = arith.constant 3 : i32
      %dma_wait3A_655 = arith.constant 3 : i32
      %dma_wait3A_656 = arith.constant 0 : i32
      %dma_wait3A_657 = tpu.memref_slice %arg7[%dma_wait3A_653, %dma_wait3A_654, %dma_wait3A_656] : memref<2x4x80xi32, #tpu.memory_space<vmem>> -> memref<1x1x80xi32, #tpu.memory_space<vmem>>
      %dma_wait3A_658 = tpu.memref_squeeze %dma_wait3A_657 : memref<1x1x80xi32, #tpu.memory_space<vmem>> -> memref<80xi32, #tpu.memory_space<vmem>>
      %dma_wait3A_659 = arith.constant 0 : i32
      %dma_wait3A_660 = arith.constant 0 : i32
      %dma_wait3A_661 = tpu.memref_slice %arg2[%dma_wait3A_659, %dma_wait3A_660] : memref<10240x128xf32, #tpu.memory_space<hbm>> -> memref<10240x128xf32, #tpu.memory_space<hbm>>
      %dma_wait3A_662 = tpu.memref_slice %arg14[%dma_wait3A_655] : memref<4x!tpu.dma_semaphore, #tpu.memory_space<semaphore_mem>> -> memref<1x!tpu.dma_semaphore, #tpu.memory_space<semaphore_mem>>
      %dma_wait3A_663 = tpu.memref_squeeze %dma_wait3A_662 : memref<1x!tpu.dma_semaphore, #tpu.memory_space<semaphore_mem>> -> memref<!tpu.dma_semaphore, #tpu.memory_space<semaphore_mem>>
      tpu.wait_indirect_dma semaphore(%dma_wait3A_663 : memref<!tpu.dma_semaphore, #tpu.memory_space<semaphore_mem>>) src(%dma_wait3A_661 : memref<10240x128xf32, #tpu.memory_space<hbm>>) dst(%arg11 : memref<80x128xf32, #tpu.memory_space<vmem>>)
      %dma_start3A_664 = arith.constant 1 : i32
      %dma_start3A_665 = arith.constant 3 : i32
      %dma_start3A_666 = arith.constant 3 : i32
      %dma_start3A_667 = arith.constant 0 : i32
      %dma_start3A_668 = tpu.memref_slice %arg7[%dma_start3A_664, %dma_start3A_665, %dma_start3A_667] : memref<2x4x80xi32, #tpu.memory_space<vmem>> -> memref<1x1x80xi32, #tpu.memory_space<vmem>>
      %dma_start3A_669 = tpu.memref_squeeze %dma_start3A_668 : memref<1x1x80xi32, #tpu.memory_space<vmem>> -> memref<80xi32, #tpu.memory_space<vmem>>
      %dma_start3A_670 = arith.constant 0 : i32
      %dma_start3A_671 = arith.constant 0 : i32
      %dma_start3A_672 = tpu.memref_slice %arg12[%dma_start3A_670, %dma_start3A_671] : memref<10240x128xf32, #tpu.memory_space<vmem_shared>> -> memref<10240x128xf32, #tpu.memory_space<vmem_shared>>
      %dma_start3A_673 = tpu.memref_slice %arg15[%dma_start3A_666] : memref<4x!tpu.dma_semaphore, #tpu.memory_space<semaphore_mem>> -> memref<1x!tpu.dma_semaphore, #tpu.memory_space<semaphore_mem>>
      %dma_start3A_674 = tpu.memref_squeeze %dma_start3A_673 : memref<1x!tpu.dma_semaphore, #tpu.memory_space<semaphore_mem>> -> memref<!tpu.dma_semaphore, #tpu.memory_space<semaphore_mem>>
      tpu.enqueue_indirect_dma source(%arg11 : memref<80x128xf32, #tpu.memory_space<vmem>>) target(%dma_start3A_672 : memref<10240x128xf32, #tpu.memory_space<vmem_shared>>) offsets(%dma_start3A_669 : memref<80xi32, #tpu.memory_space<vmem>>) semaphore(%dma_start3A_674 : memref<!tpu.dma_semaphore, #tpu.memory_space<semaphore_mem>>) {add = true}
      %add3A_675 = arith.constant 1 : i32
      %add3A_676 = arith.addi %add3A_460, %add3A_675 : i32
      %jit3A_677 = arith.constant 2 : i32
      %eq3A_678 = arith.constant 0 : i32
      %eq3A_679 = arith.cmpi eq, %jit3A_677, %eq3A_678 : i32
      %jit3A_680 = arith.constant 1 : i32
      %select_n3A_681 = arith.select %eq3A_679, %jit3A_680, %jit3A_677 : i32
      %rem3A_682 = arith.remsi %add3A_676, %select_n3A_681 : i32
      %ne3A_683 = arith.constant 0 : i32
      %ne3A_684 = arith.cmpi ne, %rem3A_682, %ne3A_683 : i32
      %lt3A_685 = arith.constant 0 : i32
      %lt3A_686 = arith.cmpi slt, %rem3A_682, %lt3A_685 : i32
      %lt3A_687 = arith.constant 0 : i32
      %lt3A_688 = arith.cmpi slt, %select_n3A_681, %lt3A_687 : i32
      %ne3A_689 = arith.xori %lt3A_686, %lt3A_688 : i1
      %and3A_690 = arith.andi %ne3A_689, %ne3A_684 : i1
      %add3A_691 = arith.addi %rem3A_682, %select_n3A_681 : i32
      %select_n3A_692 = arith.select %and3A_690, %add3A_691, %rem3A_682 : i32
      %dma_wait3A_693 = arith.constant 0 : i32
      %dma_wait3A_694 = arith.constant 0 : i32
      %dma_wait3A_695 = arith.constant 0 : i32
      %dma_wait3A_696 = arith.constant 0 : i32
      %dma_wait3A_697 = tpu.memref_slice %arg3[%dma_wait3A_693, %dma_wait3A_694, %dma_wait3A_695, %dma_wait3A_696] : memref<1024x2x4x80xi32, #tpu.memory_space<hbm>> -> memref<1x2x4x80xi32, #tpu.memory_space<hbm>>
      %dma_wait3A_698 = tpu.memref_squeeze %dma_wait3A_697 : memref<1x2x4x80xi32, #tpu.memory_space<hbm>> -> memref<2x4x80xi32, #tpu.memory_space<hbm>>
      %dma_wait3A_699 = tpu.memref_slice %arg13[%select_n3A_692] : memref<2x!tpu.dma_semaphore, #tpu.memory_space<semaphore_mem>> -> memref<1x!tpu.dma_semaphore, #tpu.memory_space<semaphore_mem>>
      %dma_wait3A_700 = tpu.memref_squeeze %dma_wait3A_699 : memref<1x!tpu.dma_semaphore, #tpu.memory_space<semaphore_mem>> -> memref<!tpu.dma_semaphore, #tpu.memory_space<semaphore_mem>>
      %dma_wait3A_701 = arith.constant 0 : i32
      %dma_wait3A_702 = arith.constant 0 : i32
      %dma_wait3A_703 = arith.constant 0 : i32
      %dma_wait3A_704 = tpu.memref_slice %arg3[%dma_wait3A_693, %dma_wait3A_701, %dma_wait3A_702, %dma_wait3A_703] : memref<1024x2x4x80xi32, #tpu.memory_space<hbm>> -> memref<1x2x4x80xi32, #tpu.memory_space<hbm>>
      %dma_wait3A_705 = tpu.memref_squeeze %dma_wait3A_704 : memref<1x2x4x80xi32, #tpu.memory_space<hbm>> -> memref<2x4x80xi32, #tpu.memory_space<hbm>>
      tpu.wait_dma2 semaphore(%dma_wait3A_700 : memref<!tpu.dma_semaphore, #tpu.memory_space<semaphore_mem>>) src(%dma_wait3A_705 : memref<2x4x80xi32, #tpu.memory_space<hbm>>) dst(%arg6 : memref<2x4x80xi32, #tpu.memory_space<vmem>>)
      %dma_wait3A_706 = arith.constant 0 : i32
      %dma_wait3A_707 = arith.constant 0 : i32
      %dma_wait3A_708 = arith.constant 0 : i32
      %dma_wait3A_709 = tpu.memref_slice %arg12[%dma_wait3A_707, %dma_wait3A_708] : memref<10240x128xf32, #tpu.memory_space<vmem_shared>> -> memref<80x128xf32, #tpu.memory_space<vmem_shared>>
      %dma_wait3A_710 = tpu.memref_slice %arg15[%dma_wait3A_706] : memref<4x!tpu.dma_semaphore, #tpu.memory_space<semaphore_mem>> -> memref<1x!tpu.dma_semaphore, #tpu.memory_space<semaphore_mem>>
      %dma_wait3A_711 = tpu.memref_squeeze %dma_wait3A_710 : memref<1x!tpu.dma_semaphore, #tpu.memory_space<semaphore_mem>> -> memref<!tpu.dma_semaphore, #tpu.memory_space<semaphore_mem>>
      %dma_wait3A_712 = arith.constant 0 : i32
      %dma_wait3A_713 = arith.constant 0 : i32
      %dma_wait3A_714 = tpu.memref_slice %arg12[%dma_wait3A_712, %dma_wait3A_713] : memref<10240x128xf32, #tpu.memory_space<vmem_shared>> -> memref<80x128xf32, #tpu.memory_space<vmem_shared>>
      tpu.wait_dma2 semaphore(%dma_wait3A_711 : memref<!tpu.dma_semaphore, #tpu.memory_space<semaphore_mem>>) src(%arg8 : memref<80x128xf32, #tpu.memory_space<vmem>>) dst(%dma_wait3A_714 : memref<80x128xf32, #tpu.memory_space<vmem_shared>>)
      %dma_start3A_715 = arith.constant 0 : i32
      %dma_start3A_716 = arith.constant 0 : i32
      %dma_start3A_717 = arith.constant 0 : i32
      %dma_start3A_718 = arith.constant 0 : i32
      %dma_start3A_719 = tpu.memref_slice %arg6[%dma_start3A_715, %dma_start3A_716, %dma_start3A_718] : memref<2x4x80xi32, #tpu.memory_space<vmem>> -> memref<1x1x80xi32, #tpu.memory_space<vmem>>
      %dma_start3A_720 = tpu.memref_squeeze %dma_start3A_719 : memref<1x1x80xi32, #tpu.memory_space<vmem>> -> memref<80xi32, #tpu.memory_space<vmem>>
      %dma_start3A_721 = arith.constant 0 : i32
      %dma_start3A_722 = arith.constant 0 : i32
      %dma_start3A_723 = tpu.memref_slice %arg2[%dma_start3A_721, %dma_start3A_722] : memref<10240x128xf32, #tpu.memory_space<hbm>> -> memref<10240x128xf32, #tpu.memory_space<hbm>>
      %dma_start3A_724 = tpu.memref_slice %arg14[%dma_start3A_717] : memref<4x!tpu.dma_semaphore, #tpu.memory_space<semaphore_mem>> -> memref<1x!tpu.dma_semaphore, #tpu.memory_space<semaphore_mem>>
      %dma_start3A_725 = tpu.memref_squeeze %dma_start3A_724 : memref<1x!tpu.dma_semaphore, #tpu.memory_space<semaphore_mem>> -> memref<!tpu.dma_semaphore, #tpu.memory_space<semaphore_mem>>
      tpu.enqueue_indirect_dma source(%dma_start3A_723 : memref<10240x128xf32, #tpu.memory_space<hbm>>) target(%arg8 : memref<80x128xf32, #tpu.memory_space<vmem>>) offsets(%dma_start3A_720 : memref<80xi32, #tpu.memory_space<vmem>>) semaphore(%dma_start3A_725 : memref<!tpu.dma_semaphore, #tpu.memory_space<semaphore_mem>>)
      %dma_wait3A_726 = arith.constant 1 : i32
      %dma_wait3A_727 = arith.constant 0 : i32
      %dma_wait3A_728 = arith.constant 0 : i32
      %dma_wait3A_729 = tpu.memref_slice %arg12[%dma_wait3A_727, %dma_wait3A_728] : memref<10240x128xf32, #tpu.memory_space<vmem_shared>> -> memref<80x128xf32, #tpu.memory_space<vmem_shared>>
      %dma_wait3A_730 = tpu.memref_slice %arg15[%dma_wait3A_726] : memref<4x!tpu.dma_semaphore, #tpu.memory_space<semaphore_mem>> -> memref<1x!tpu.dma_semaphore, #tpu.memory_space<semaphore_mem>>
      %dma_wait3A_731 = tpu.memref_squeeze %dma_wait3A_730 : memref<1x!tpu.dma_semaphore, #tpu.memory_space<semaphore_mem>> -> memref<!tpu.dma_semaphore, #tpu.memory_space<semaphore_mem>>
      %dma_wait3A_732 = arith.constant 0 : i32
      %dma_wait3A_733 = arith.constant 0 : i32
      %dma_wait3A_734 = tpu.memref_slice %arg12[%dma_wait3A_732, %dma_wait3A_733] : memref<10240x128xf32, #tpu.memory_space<vmem_shared>> -> memref<80x128xf32, #tpu.memory_space<vmem_shared>>
      tpu.wait_dma2 semaphore(%dma_wait3A_731 : memref<!tpu.dma_semaphore, #tpu.memory_space<semaphore_mem>>) src(%arg9 : memref<80x128xf32, #tpu.memory_space<vmem>>) dst(%dma_wait3A_734 : memref<80x128xf32, #tpu.memory_space<vmem_shared>>)
      %dma_start3A_735 = arith.constant 0 : i32
      %dma_start3A_736 = arith.constant 1 : i32
      %dma_start3A_737 = arith.constant 1 : i32
      %dma_start3A_738 = arith.constant 0 : i32
      %dma_start3A_739 = tpu.memref_slice %arg6[%dma_start3A_735, %dma_start3A_736, %dma_start3A_738] : memref<2x4x80xi32, #tpu.memory_space<vmem>> -> memref<1x1x80xi32, #tpu.memory_space<vmem>>
      %dma_start3A_740 = tpu.memref_squeeze %dma_start3A_739 : memref<1x1x80xi32, #tpu.memory_space<vmem>> -> memref<80xi32, #tpu.memory_space<vmem>>
      %dma_start3A_741 = arith.constant 0 : i32
      %dma_start3A_742 = arith.constant 0 : i32
      %dma_start3A_743 = tpu.memref_slice %arg2[%dma_start3A_741, %dma_start3A_742] : memref<10240x128xf32, #tpu.memory_space<hbm>> -> memref<10240x128xf32, #tpu.memory_space<hbm>>
      %dma_start3A_744 = tpu.memref_slice %arg14[%dma_start3A_737] : memref<4x!tpu.dma_semaphore, #tpu.memory_space<semaphore_mem>> -> memref<1x!tpu.dma_semaphore, #tpu.memory_space<semaphore_mem>>
      %dma_start3A_745 = tpu.memref_squeeze %dma_start3A_744 : memref<1x!tpu.dma_semaphore, #tpu.memory_space<semaphore_mem>> -> memref<!tpu.dma_semaphore, #tpu.memory_space<semaphore_mem>>
      tpu.enqueue_indirect_dma source(%dma_start3A_743 : memref<10240x128xf32, #tpu.memory_space<hbm>>) target(%arg9 : memref<80x128xf32, #tpu.memory_space<vmem>>) offsets(%dma_start3A_740 : memref<80xi32, #tpu.memory_space<vmem>>) semaphore(%dma_start3A_745 : memref<!tpu.dma_semaphore, #tpu.memory_space<semaphore_mem>>)
      %dma_wait3A_746 = arith.constant 2 : i32
      %dma_wait3A_747 = arith.constant 0 : i32
      %dma_wait3A_748 = arith.constant 0 : i32
      %dma_wait3A_749 = tpu.memref_slice %arg12[%dma_wait3A_747, %dma_wait3A_748] : memref<10240x128xf32, #tpu.memory_space<vmem_shared>> -> memref<80x128xf32, #tpu.memory_space<vmem_shared>>
      %dma_wait3A_750 = tpu.memref_slice %arg15[%dma_wait3A_746] : memref<4x!tpu.dma_semaphore, #tpu.memory_space<semaphore_mem>> -> memref<1x!tpu.dma_semaphore, #tpu.memory_space<semaphore_mem>>
      %dma_wait3A_751 = tpu.memref_squeeze %dma_wait3A_750 : memref<1x!tpu.dma_semaphore, #tpu.memory_space<semaphore_mem>> -> memref<!tpu.dma_semaphore, #tpu.memory_space<semaphore_mem>>
      %dma_wait3A_752 = arith.constant 0 : i32
      %dma_wait3A_753 = arith.constant 0 : i32
      %dma_wait3A_754 = tpu.memref_slice %arg12[%dma_wait3A_752, %dma_wait3A_753] : memref<10240x128xf32, #tpu.memory_space<vmem_shared>> -> memref<80x128xf32, #tpu.memory_space<vmem_shared>>
      tpu.wait_dma2 semaphore(%dma_wait3A_751 : memref<!tpu.dma_semaphore, #tpu.memory_space<semaphore_mem>>) src(%arg10 : memref<80x128xf32, #tpu.memory_space<vmem>>) dst(%dma_wait3A_754 : memref<80x128xf32, #tpu.memory_space<vmem_shared>>)
      %dma_start3A_755 = arith.constant 0 : i32
      %dma_start3A_756 = arith.constant 2 : i32
      %dma_start3A_757 = arith.constant 2 : i32
      %dma_start3A_758 = arith.constant 0 : i32
      %dma_start3A_759 = tpu.memref_slice %arg6[%dma_start3A_755, %dma_start3A_756, %dma_start3A_758] : memref<2x4x80xi32, #tpu.memory_space<vmem>> -> memref<1x1x80xi32, #tpu.memory_space<vmem>>
      %dma_start3A_760 = tpu.memref_squeeze %dma_start3A_759 : memref<1x1x80xi32, #tpu.memory_space<vmem>> -> memref<80xi32, #tpu.memory_space<vmem>>
      %dma_start3A_761 = arith.constant 0 : i32
      %dma_start3A_762 = arith.constant 0 : i32
      %dma_start3A_763 = tpu.memref_slice %arg2[%dma_start3A_761, %dma_start3A_762] : memref<10240x128xf32, #tpu.memory_space<hbm>> -> memref<10240x128xf32, #tpu.memory_space<hbm>>
      %dma_start3A_764 = tpu.memref_slice %arg14[%dma_start3A_757] : memref<4x!tpu.dma_semaphore, #tpu.memory_space<semaphore_mem>> -> memref<1x!tpu.dma_semaphore, #tpu.memory_space<semaphore_mem>>
      %dma_start3A_765 = tpu.memref_squeeze %dma_start3A_764 : memref<1x!tpu.dma_semaphore, #tpu.memory_space<semaphore_mem>> -> memref<!tpu.dma_semaphore, #tpu.memory_space<semaphore_mem>>
      tpu.enqueue_indirect_dma source(%dma_start3A_763 : memref<10240x128xf32, #tpu.memory_space<hbm>>) target(%arg10 : memref<80x128xf32, #tpu.memory_space<vmem>>) offsets(%dma_start3A_760 : memref<80xi32, #tpu.memory_space<vmem>>) semaphore(%dma_start3A_765 : memref<!tpu.dma_semaphore, #tpu.memory_space<semaphore_mem>>)
      %dma_wait3A_766 = arith.constant 3 : i32
      %dma_wait3A_767 = arith.constant 0 : i32
      %dma_wait3A_768 = arith.constant 0 : i32
      %dma_wait3A_769 = tpu.memref_slice %arg12[%dma_wait3A_767, %dma_wait3A_768] : memref<10240x128xf32, #tpu.memory_space<vmem_shared>> -> memref<80x128xf32, #tpu.memory_space<vmem_shared>>
      %dma_wait3A_770 = tpu.memref_slice %arg15[%dma_wait3A_766] : memref<4x!tpu.dma_semaphore, #tpu.memory_space<semaphore_mem>> -> memref<1x!tpu.dma_semaphore, #tpu.memory_space<semaphore_mem>>
      %dma_wait3A_771 = tpu.memref_squeeze %dma_wait3A_770 : memref<1x!tpu.dma_semaphore, #tpu.memory_space<semaphore_mem>> -> memref<!tpu.dma_semaphore, #tpu.memory_space<semaphore_mem>>
      %dma_wait3A_772 = arith.constant 0 : i32
      %dma_wait3A_773 = arith.constant 0 : i32
      %dma_wait3A_774 = tpu.memref_slice %arg12[%dma_wait3A_772, %dma_wait3A_773] : memref<10240x128xf32, #tpu.memory_space<vmem_shared>> -> memref<80x128xf32, #tpu.memory_space<vmem_shared>>
      tpu.wait_dma2 semaphore(%dma_wait3A_771 : memref<!tpu.dma_semaphore, #tpu.memory_space<semaphore_mem>>) src(%arg11 : memref<80x128xf32, #tpu.memory_space<vmem>>) dst(%dma_wait3A_774 : memref<80x128xf32, #tpu.memory_space<vmem_shared>>)
      %dma_start3A_775 = arith.constant 0 : i32
      %dma_start3A_776 = arith.constant 3 : i32
      %dma_start3A_777 = arith.constant 3 : i32
      %dma_start3A_778 = arith.constant 0 : i32
      %dma_start3A_779 = tpu.memref_slice %arg6[%dma_start3A_775, %dma_start3A_776, %dma_start3A_778] : memref<2x4x80xi32, #tpu.memory_space<vmem>> -> memref<1x1x80xi32, #tpu.memory_space<vmem>>
      %dma_start3A_780 = tpu.memref_squeeze %dma_start3A_779 : memref<1x1x80xi32, #tpu.memory_space<vmem>> -> memref<80xi32, #tpu.memory_space<vmem>>
      %dma_start3A_781 = arith.constant 0 : i32
      %dma_start3A_782 = arith.constant 0 : i32
      %dma_start3A_783 = tpu.memref_slice %arg2[%dma_start3A_781, %dma_start3A_782] : memref<10240x128xf32, #tpu.memory_space<hbm>> -> memref<10240x128xf32, #tpu.memory_space<hbm>>
      %dma_start3A_784 = tpu.memref_slice %arg14[%dma_start3A_777] : memref<4x!tpu.dma_semaphore, #tpu.memory_space<semaphore_mem>> -> memref<1x!tpu.dma_semaphore, #tpu.memory_space<semaphore_mem>>
      %dma_start3A_785 = tpu.memref_squeeze %dma_start3A_784 : memref<1x!tpu.dma_semaphore, #tpu.memory_space<semaphore_mem>> -> memref<!tpu.dma_semaphore, #tpu.memory_space<semaphore_mem>>
      tpu.enqueue_indirect_dma source(%dma_start3A_783 : memref<10240x128xf32, #tpu.memory_space<hbm>>) target(%arg11 : memref<80x128xf32, #tpu.memory_space<vmem>>) offsets(%dma_start3A_780 : memref<80xi32, #tpu.memory_space<vmem>>) semaphore(%dma_start3A_785 : memref<!tpu.dma_semaphore, #tpu.memory_space<semaphore_mem>>)
      %add3A_786 = arith.addi %select_n3A_11, %add3A_676 : i32
      %add3A_787 = arith.constant 1 : i32
      %add3A_788 = arith.addi %add3A_786, %add3A_787 : i32
      %sub3A_789 = arith.constant 1 : i32
      %sub3A_790 = arith.subi %sub3A_789, %select_n3A_692 : i32
      %dma_start3A_791 = arith.constant 0 : i32
      %dma_start3A_792 = arith.constant 0 : i32
      %dma_start3A_793 = arith.constant 0 : i32
      %dma_start3A_794 = tpu.memref_slice %arg3[%add3A_788, %dma_start3A_791, %dma_start3A_792, %dma_start3A_793] : memref<1024x2x4x80xi32, #tpu.memory_space<hbm>> -> memref<1x2x4x80xi32, #tpu.memory_space<hbm>>
      %dma_start3A_795 = tpu.memref_squeeze %dma_start3A_794 : memref<1x2x4x80xi32, #tpu.memory_space<hbm>> -> memref<2x4x80xi32, #tpu.memory_space<hbm>>
      %dma_start3A_796 = tpu.memref_slice %arg13[%sub3A_790] : memref<2x!tpu.dma_semaphore, #tpu.memory_space<semaphore_mem>> -> memref<1x!tpu.dma_semaphore, #tpu.memory_space<semaphore_mem>>
      %dma_start3A_797 = tpu.memref_squeeze %dma_start3A_796 : memref<1x!tpu.dma_semaphore, #tpu.memory_space<semaphore_mem>> -> memref<!tpu.dma_semaphore, #tpu.memory_space<semaphore_mem>>
      %dma_start3A_798 = arith.constant 0 : i32
      %dma_start3A_799 = arith.constant 0 : i32
      %dma_start3A_800 = arith.constant 0 : i32
      %dma_start3A_801 = tpu.memref_slice %arg3[%add3A_788, %dma_start3A_798, %dma_start3A_799, %dma_start3A_800] : memref<1024x2x4x80xi32, #tpu.memory_space<hbm>> -> memref<1x2x4x80xi32, #tpu.memory_space<hbm>>
      %dma_start3A_802 = tpu.memref_squeeze %dma_start3A_801 : memref<1x2x4x80xi32, #tpu.memory_space<hbm>> -> memref<2x4x80xi32, #tpu.memory_space<hbm>>
      tpu.enqueue_dma source(%dma_start3A_802 : memref<2x4x80xi32, #tpu.memory_space<hbm>>) target(%arg7 : memref<2x4x80xi32, #tpu.memory_space<vmem>>) target_semaphore(%dma_start3A_797 : memref<!tpu.dma_semaphore, #tpu.memory_space<semaphore_mem>>)
      %dma_wait3A_803 = arith.constant 0 : i32
      %dma_wait3A_804 = arith.constant 0 : i32
      %dma_wait3A_805 = arith.constant 0 : i32
      %dma_wait3A_806 = arith.constant 0 : i32
      %dma_wait3A_807 = tpu.memref_slice %arg6[%dma_wait3A_803, %dma_wait3A_804, %dma_wait3A_806] : memref<2x4x80xi32, #tpu.memory_space<vmem>> -> memref<1x1x80xi32, #tpu.memory_space<vmem>>
      %dma_wait3A_808 = tpu.memref_squeeze %dma_wait3A_807 : memref<1x1x80xi32, #tpu.memory_space<vmem>> -> memref<80xi32, #tpu.memory_space<vmem>>
      %dma_wait3A_809 = arith.constant 0 : i32
      %dma_wait3A_810 = arith.constant 0 : i32
      %dma_wait3A_811 = tpu.memref_slice %arg2[%dma_wait3A_809, %dma_wait3A_810] : memref<10240x128xf32, #tpu.memory_space<hbm>> -> memref<10240x128xf32, #tpu.memory_space<hbm>>
      %dma_wait3A_812 = tpu.memref_slice %arg14[%dma_wait3A_805] : memref<4x!tpu.dma_semaphore, #tpu.memory_space<semaphore_mem>> -> memref<1x!tpu.dma_semaphore, #tpu.memory_space<semaphore_mem>>
      %dma_wait3A_813 = tpu.memref_squeeze %dma_wait3A_812 : memref<1x!tpu.dma_semaphore, #tpu.memory_space<semaphore_mem>> -> memref<!tpu.dma_semaphore, #tpu.memory_space<semaphore_mem>>
      tpu.wait_indirect_dma semaphore(%dma_wait3A_813 : memref<!tpu.dma_semaphore, #tpu.memory_space<semaphore_mem>>) src(%dma_wait3A_811 : memref<10240x128xf32, #tpu.memory_space<hbm>>) dst(%arg8 : memref<80x128xf32, #tpu.memory_space<vmem>>)
      %dma_start3A_814 = arith.constant 1 : i32
      %dma_start3A_815 = arith.constant 0 : i32
      %dma_start3A_816 = arith.constant 0 : i32
      %dma_start3A_817 = arith.constant 0 : i32
      %dma_start3A_818 = tpu.memref_slice %arg6[%dma_start3A_814, %dma_start3A_815, %dma_start3A_817] : memref<2x4x80xi32, #tpu.memory_space<vmem>> -> memref<1x1x80xi32, #tpu.memory_space<vmem>>
      %dma_start3A_819 = tpu.memref_squeeze %dma_start3A_818 : memref<1x1x80xi32, #tpu.memory_space<vmem>> -> memref<80xi32, #tpu.memory_space<vmem>>
      %dma_start3A_820 = arith.constant 0 : i32
      %dma_start3A_821 = arith.constant 0 : i32
      %dma_start3A_822 = tpu.memref_slice %arg12[%dma_start3A_820, %dma_start3A_821] : memref<10240x128xf32, #tpu.memory_space<vmem_shared>> -> memref<10240x128xf32, #tpu.memory_space<vmem_shared>>
      %dma_start3A_823 = tpu.memref_slice %arg15[%dma_start3A_816] : memref<4x!tpu.dma_semaphore, #tpu.memory_space<semaphore_mem>> -> memref<1x!tpu.dma_semaphore, #tpu.memory_space<semaphore_mem>>
      %dma_start3A_824 = tpu.memref_squeeze %dma_start3A_823 : memref<1x!tpu.dma_semaphore, #tpu.memory_space<semaphore_mem>> -> memref<!tpu.dma_semaphore, #tpu.memory_space<semaphore_mem>>
      tpu.enqueue_indirect_dma source(%arg8 : memref<80x128xf32, #tpu.memory_space<vmem>>) target(%dma_start3A_822 : memref<10240x128xf32, #tpu.memory_space<vmem_shared>>) offsets(%dma_start3A_819 : memref<80xi32, #tpu.memory_space<vmem>>) semaphore(%dma_start3A_824 : memref<!tpu.dma_semaphore, #tpu.memory_space<semaphore_mem>>) {add = true}
      %dma_wait3A_825 = arith.constant 0 : i32
      %dma_wait3A_826 = arith.constant 1 : i32
      %dma_wait3A_827 = arith.constant 1 : i32
      %dma_wait3A_828 = arith.constant 0 : i32
      %dma_wait3A_829 = tpu.memref_slice %arg6[%dma_wait3A_825, %dma_wait3A_826, %dma_wait3A_828] : memref<2x4x80xi32, #tpu.memory_space<vmem>> -> memref<1x1x80xi32, #tpu.memory_space<vmem>>
      %dma_wait3A_830 = tpu.memref_squeeze %dma_wait3A_829 : memref<1x1x80xi32, #tpu.memory_space<vmem>> -> memref<80xi32, #tpu.memory_space<vmem>>
      %dma_wait3A_831 = arith.constant 0 : i32
      %dma_wait3A_832 = arith.constant 0 : i32
      %dma_wait3A_833 = tpu.memref_slice %arg2[%dma_wait3A_831, %dma_wait3A_832] : memref<10240x128xf32, #tpu.memory_space<hbm>> -> memref<10240x128xf32, #tpu.memory_space<hbm>>
      %dma_wait3A_834 = tpu.memref_slice %arg14[%dma_wait3A_827] : memref<4x!tpu.dma_semaphore, #tpu.memory_space<semaphore_mem>> -> memref<1x!tpu.dma_semaphore, #tpu.memory_space<semaphore_mem>>
      %dma_wait3A_835 = tpu.memref_squeeze %dma_wait3A_834 : memref<1x!tpu.dma_semaphore, #tpu.memory_space<semaphore_mem>> -> memref<!tpu.dma_semaphore, #tpu.memory_space<semaphore_mem>>
      tpu.wait_indirect_dma semaphore(%dma_wait3A_835 : memref<!tpu.dma_semaphore, #tpu.memory_space<semaphore_mem>>) src(%dma_wait3A_833 : memref<10240x128xf32, #tpu.memory_space<hbm>>) dst(%arg9 : memref<80x128xf32, #tpu.memory_space<vmem>>)
      %dma_start3A_836 = arith.constant 1 : i32
      %dma_start3A_837 = arith.constant 1 : i32
      %dma_start3A_838 = arith.constant 1 : i32
      %dma_start3A_839 = arith.constant 0 : i32
      %dma_start3A_840 = tpu.memref_slice %arg6[%dma_start3A_836, %dma_start3A_837, %dma_start3A_839] : memref<2x4x80xi32, #tpu.memory_space<vmem>> -> memref<1x1x80xi32, #tpu.memory_space<vmem>>
      %dma_start3A_841 = tpu.memref_squeeze %dma_start3A_840 : memref<1x1x80xi32, #tpu.memory_space<vmem>> -> memref<80xi32, #tpu.memory_space<vmem>>
      %dma_start3A_842 = arith.constant 0 : i32
      %dma_start3A_843 = arith.constant 0 : i32
      %dma_start3A_844 = tpu.memref_slice %arg12[%dma_start3A_842, %dma_start3A_843] : memref<10240x128xf32, #tpu.memory_space<vmem_shared>> -> memref<10240x128xf32, #tpu.memory_space<vmem_shared>>
      %dma_start3A_845 = tpu.memref_slice %arg15[%dma_start3A_838] : memref<4x!tpu.dma_semaphore, #tpu.memory_space<semaphore_mem>> -> memref<1x!tpu.dma_semaphore, #tpu.memory_space<semaphore_mem>>
      %dma_start3A_846 = tpu.memref_squeeze %dma_start3A_845 : memref<1x!tpu.dma_semaphore, #tpu.memory_space<semaphore_mem>> -> memref<!tpu.dma_semaphore, #tpu.memory_space<semaphore_mem>>
      tpu.enqueue_indirect_dma source(%arg9 : memref<80x128xf32, #tpu.memory_space<vmem>>) target(%dma_start3A_844 : memref<10240x128xf32, #tpu.memory_space<vmem_shared>>) offsets(%dma_start3A_841 : memref<80xi32, #tpu.memory_space<vmem>>) semaphore(%dma_start3A_846 : memref<!tpu.dma_semaphore, #tpu.memory_space<semaphore_mem>>) {add = true}
      %dma_wait3A_847 = arith.constant 0 : i32
      %dma_wait3A_848 = arith.constant 2 : i32
      %dma_wait3A_849 = arith.constant 2 : i32
      %dma_wait3A_850 = arith.constant 0 : i32
      %dma_wait3A_851 = tpu.memref_slice %arg6[%dma_wait3A_847, %dma_wait3A_848, %dma_wait3A_850] : memref<2x4x80xi32, #tpu.memory_space<vmem>> -> memref<1x1x80xi32, #tpu.memory_space<vmem>>
      %dma_wait3A_852 = tpu.memref_squeeze %dma_wait3A_851 : memref<1x1x80xi32, #tpu.memory_space<vmem>> -> memref<80xi32, #tpu.memory_space<vmem>>
      %dma_wait3A_853 = arith.constant 0 : i32
      %dma_wait3A_854 = arith.constant 0 : i32
      %dma_wait3A_855 = tpu.memref_slice %arg2[%dma_wait3A_853, %dma_wait3A_854] : memref<10240x128xf32, #tpu.memory_space<hbm>> -> memref<10240x128xf32, #tpu.memory_space<hbm>>
      %dma_wait3A_856 = tpu.memref_slice %arg14[%dma_wait3A_849] : memref<4x!tpu.dma_semaphore, #tpu.memory_space<semaphore_mem>> -> memref<1x!tpu.dma_semaphore, #tpu.memory_space<semaphore_mem>>
      %dma_wait3A_857 = tpu.memref_squeeze %dma_wait3A_856 : memref<1x!tpu.dma_semaphore, #tpu.memory_space<semaphore_mem>> -> memref<!tpu.dma_semaphore, #tpu.memory_space<semaphore_mem>>
      tpu.wait_indirect_dma semaphore(%dma_wait3A_857 : memref<!tpu.dma_semaphore, #tpu.memory_space<semaphore_mem>>) src(%dma_wait3A_855 : memref<10240x128xf32, #tpu.memory_space<hbm>>) dst(%arg10 : memref<80x128xf32, #tpu.memory_space<vmem>>)
      %dma_start3A_858 = arith.constant 1 : i32
      %dma_start3A_859 = arith.constant 2 : i32
      %dma_start3A_860 = arith.constant 2 : i32
      %dma_start3A_861 = arith.constant 0 : i32
      %dma_start3A_862 = tpu.memref_slice %arg6[%dma_start3A_858, %dma_start3A_859, %dma_start3A_861] : memref<2x4x80xi32, #tpu.memory_space<vmem>> -> memref<1x1x80xi32, #tpu.memory_space<vmem>>
      %dma_start3A_863 = tpu.memref_squeeze %dma_start3A_862 : memref<1x1x80xi32, #tpu.memory_space<vmem>> -> memref<80xi32, #tpu.memory_space<vmem>>
      %dma_start3A_864 = arith.constant 0 : i32
      %dma_start3A_865 = arith.constant 0 : i32
      %dma_start3A_866 = tpu.memref_slice %arg12[%dma_start3A_864, %dma_start3A_865] : memref<10240x128xf32, #tpu.memory_space<vmem_shared>> -> memref<10240x128xf32, #tpu.memory_space<vmem_shared>>
      %dma_start3A_867 = tpu.memref_slice %arg15[%dma_start3A_860] : memref<4x!tpu.dma_semaphore, #tpu.memory_space<semaphore_mem>> -> memref<1x!tpu.dma_semaphore, #tpu.memory_space<semaphore_mem>>
      %dma_start3A_868 = tpu.memref_squeeze %dma_start3A_867 : memref<1x!tpu.dma_semaphore, #tpu.memory_space<semaphore_mem>> -> memref<!tpu.dma_semaphore, #tpu.memory_space<semaphore_mem>>
      tpu.enqueue_indirect_dma source(%arg10 : memref<80x128xf32, #tpu.memory_space<vmem>>) target(%dma_start3A_866 : memref<10240x128xf32, #tpu.memory_space<vmem_shared>>) offsets(%dma_start3A_863 : memref<80xi32, #tpu.memory_space<vmem>>) semaphore(%dma_start3A_868 : memref<!tpu.dma_semaphore, #tpu.memory_space<semaphore_mem>>) {add = true}
      %dma_wait3A_869 = arith.constant 0 : i32
      %dma_wait3A_870 = arith.constant 3 : i32
      %dma_wait3A_871 = arith.constant 3 : i32
      %dma_wait3A_872 = arith.constant 0 : i32
      %dma_wait3A_873 = tpu.memref_slice %arg6[%dma_wait3A_869, %dma_wait3A_870, %dma_wait3A_872] : memref<2x4x80xi32, #tpu.memory_space<vmem>> -> memref<1x1x80xi32, #tpu.memory_space<vmem>>
      %dma_wait3A_874 = tpu.memref_squeeze %dma_wait3A_873 : memref<1x1x80xi32, #tpu.memory_space<vmem>> -> memref<80xi32, #tpu.memory_space<vmem>>
      %dma_wait3A_875 = arith.constant 0 : i32
      %dma_wait3A_876 = arith.constant 0 : i32
      %dma_wait3A_877 = tpu.memref_slice %arg2[%dma_wait3A_875, %dma_wait3A_876] : memref<10240x128xf32, #tpu.memory_space<hbm>> -> memref<10240x128xf32, #tpu.memory_space<hbm>>
      %dma_wait3A_878 = tpu.memref_slice %arg14[%dma_wait3A_871] : memref<4x!tpu.dma_semaphore, #tpu.memory_space<semaphore_mem>> -> memref<1x!tpu.dma_semaphore, #tpu.memory_space<semaphore_mem>>
      %dma_wait3A_879 = tpu.memref_squeeze %dma_wait3A_878 : memref<1x!tpu.dma_semaphore, #tpu.memory_space<semaphore_mem>> -> memref<!tpu.dma_semaphore, #tpu.memory_space<semaphore_mem>>
      tpu.wait_indirect_dma semaphore(%dma_wait3A_879 : memref<!tpu.dma_semaphore, #tpu.memory_space<semaphore_mem>>) src(%dma_wait3A_877 : memref<10240x128xf32, #tpu.memory_space<hbm>>) dst(%arg11 : memref<80x128xf32, #tpu.memory_space<vmem>>)
      %dma_start3A_880 = arith.constant 1 : i32
      %dma_start3A_881 = arith.constant 3 : i32
      %dma_start3A_882 = arith.constant 3 : i32
      %dma_start3A_883 = arith.constant 0 : i32
      %dma_start3A_884 = tpu.memref_slice %arg6[%dma_start3A_880, %dma_start3A_881, %dma_start3A_883] : memref<2x4x80xi32, #tpu.memory_space<vmem>> -> memref<1x1x80xi32, #tpu.memory_space<vmem>>
      %dma_start3A_885 = tpu.memref_squeeze %dma_start3A_884 : memref<1x1x80xi32, #tpu.memory_space<vmem>> -> memref<80xi32, #tpu.memory_space<vmem>>
      %dma_start3A_886 = arith.constant 0 : i32
      %dma_start3A_887 = arith.constant 0 : i32
      %dma_start3A_888 = tpu.memref_slice %arg12[%dma_start3A_886, %dma_start3A_887] : memref<10240x128xf32, #tpu.memory_space<vmem_shared>> -> memref<10240x128xf32, #tpu.memory_space<vmem_shared>>
      %dma_start3A_889 = tpu.memref_slice %arg15[%dma_start3A_882] : memref<4x!tpu.dma_semaphore, #tpu.memory_space<semaphore_mem>> -> memref<1x!tpu.dma_semaphore, #tpu.memory_space<semaphore_mem>>
      %dma_start3A_890 = tpu.memref_squeeze %dma_start3A_889 : memref<1x!tpu.dma_semaphore, #tpu.memory_space<semaphore_mem>> -> memref<!tpu.dma_semaphore, #tpu.memory_space<semaphore_mem>>
      tpu.enqueue_indirect_dma source(%arg11 : memref<80x128xf32, #tpu.memory_space<vmem>>) target(%dma_start3A_888 : memref<10240x128xf32, #tpu.memory_space<vmem_shared>>) offsets(%dma_start3A_885 : memref<80xi32, #tpu.memory_space<vmem>>) semaphore(%dma_start3A_890 : memref<!tpu.dma_semaphore, #tpu.memory_space<semaphore_mem>>) {add = true}
    }
    %sub3A_217 = arith.constant 1 : i32
    %sub3A_218 = arith.subi %select_n3A, %sub3A_217 : i32
    %jit3A_219 = arith.constant 2 : i32
    %eq3A_220 = arith.constant 0 : i32
    %eq3A_221 = arith.cmpi eq, %jit3A_219, %eq3A_220 : i32
    %jit3A_222 = arith.constant 1 : i32
    %select_n3A_223 = arith.select %eq3A_221, %jit3A_222, %jit3A_219 : i32
    %rem3A_224 = arith.remsi %sub3A_218, %select_n3A_223 : i32
    %ne3A_225 = arith.constant 0 : i32
    %ne3A_226 = arith.cmpi ne, %rem3A_224, %ne3A_225 : i32
    %lt3A = arith.constant 0 : i32
    %lt3A_227 = arith.cmpi slt, %rem3A_224, %lt3A : i32
    %lt3A_228 = arith.constant 0 : i32
    %lt3A_229 = arith.cmpi slt, %select_n3A_223, %lt3A_228 : i32
    %ne3A_230 = arith.xori %lt3A_227, %lt3A_229 : i1
    %and3A_231 = arith.andi %ne3A_230, %ne3A_226 : i1
    %add3A_232 = arith.addi %rem3A_224, %select_n3A_223 : i32
    %select_n3A_233 = arith.select %and3A_231, %add3A_232, %rem3A_224 : i32
    %dma_wait3A_234 = arith.constant 0 : i32
    %dma_wait3A_235 = arith.constant 0 : i32
    %dma_wait3A_236 = arith.constant 0 : i32
    %dma_wait3A_237 = arith.constant 0 : i32
    %dma_wait3A_238 = tpu.memref_slice %arg3[%dma_wait3A_234, %dma_wait3A_235, %dma_wait3A_236, %dma_wait3A_237] : memref<1024x2x4x80xi32, #tpu.memory_space<hbm>> -> memref<1x2x4x80xi32, #tpu.memory_space<hbm>>
    %dma_wait3A_239 = tpu.memref_squeeze %dma_wait3A_238 : memref<1x2x4x80xi32, #tpu.memory_space<hbm>> -> memref<2x4x80xi32, #tpu.memory_space<hbm>>
    %dma_wait3A_240 = tpu.memref_slice %arg13[%select_n3A_233] : memref<2x!tpu.dma_semaphore, #tpu.memory_space<semaphore_mem>> -> memref<1x!tpu.dma_semaphore, #tpu.memory_space<semaphore_mem>>
    %dma_wait3A_241 = tpu.memref_squeeze %dma_wait3A_240 : memref<1x!tpu.dma_semaphore, #tpu.memory_space<semaphore_mem>> -> memref<!tpu.dma_semaphore, #tpu.memory_space<semaphore_mem>>
    %dma_wait3A_242 = arith.constant 0 : i32
    %dma_wait3A_243 = arith.constant 0 : i32
    %dma_wait3A_244 = arith.constant 0 : i32
    %dma_wait3A_245 = tpu.memref_slice %arg3[%dma_wait3A_234, %dma_wait3A_242, %dma_wait3A_243, %dma_wait3A_244] : memref<1024x2x4x80xi32, #tpu.memory_space<hbm>> -> memref<1x2x4x80xi32, #tpu.memory_space<hbm>>
    %dma_wait3A_246 = tpu.memref_squeeze %dma_wait3A_245 : memref<1x2x4x80xi32, #tpu.memory_space<hbm>> -> memref<2x4x80xi32, #tpu.memory_space<hbm>>
    tpu.wait_dma2 semaphore(%dma_wait3A_241 : memref<!tpu.dma_semaphore, #tpu.memory_space<semaphore_mem>>) src(%dma_wait3A_246 : memref<2x4x80xi32, #tpu.memory_space<hbm>>) dst(%arg7 : memref<2x4x80xi32, #tpu.memory_space<vmem>>)
    %dma_wait3A_247 = arith.constant 0 : i32
    %dma_wait3A_248 = arith.constant 0 : i32
    %dma_wait3A_249 = arith.constant 0 : i32
    %dma_wait3A_250 = tpu.memref_slice %arg12[%dma_wait3A_248, %dma_wait3A_249] : memref<10240x128xf32, #tpu.memory_space<vmem_shared>> -> memref<80x128xf32, #tpu.memory_space<vmem_shared>>
    %dma_wait3A_251 = tpu.memref_slice %arg15[%dma_wait3A_247] : memref<4x!tpu.dma_semaphore, #tpu.memory_space<semaphore_mem>> -> memref<1x!tpu.dma_semaphore, #tpu.memory_space<semaphore_mem>>
    %dma_wait3A_252 = tpu.memref_squeeze %dma_wait3A_251 : memref<1x!tpu.dma_semaphore, #tpu.memory_space<semaphore_mem>> -> memref<!tpu.dma_semaphore, #tpu.memory_space<semaphore_mem>>
    %dma_wait3A_253 = arith.constant 0 : i32
    %dma_wait3A_254 = arith.constant 0 : i32
    %dma_wait3A_255 = tpu.memref_slice %arg12[%dma_wait3A_253, %dma_wait3A_254] : memref<10240x128xf32, #tpu.memory_space<vmem_shared>> -> memref<80x128xf32, #tpu.memory_space<vmem_shared>>
    tpu.wait_dma2 semaphore(%dma_wait3A_252 : memref<!tpu.dma_semaphore, #tpu.memory_space<semaphore_mem>>) src(%arg8 : memref<80x128xf32, #tpu.memory_space<vmem>>) dst(%dma_wait3A_255 : memref<80x128xf32, #tpu.memory_space<vmem_shared>>)
    %dma_start3A_256 = arith.constant 0 : i32
    %dma_start3A_257 = arith.constant 0 : i32
    %dma_start3A_258 = arith.constant 0 : i32
    %dma_start3A_259 = arith.constant 0 : i32
    %dma_start3A_260 = tpu.memref_slice %arg7[%dma_start3A_256, %dma_start3A_257, %dma_start3A_259] : memref<2x4x80xi32, #tpu.memory_space<vmem>> -> memref<1x1x80xi32, #tpu.memory_space<vmem>>
    %dma_start3A_261 = tpu.memref_squeeze %dma_start3A_260 : memref<1x1x80xi32, #tpu.memory_space<vmem>> -> memref<80xi32, #tpu.memory_space<vmem>>
    %dma_start3A_262 = arith.constant 0 : i32
    %dma_start3A_263 = arith.constant 0 : i32
    %dma_start3A_264 = tpu.memref_slice %arg2[%dma_start3A_262, %dma_start3A_263] : memref<10240x128xf32, #tpu.memory_space<hbm>> -> memref<10240x128xf32, #tpu.memory_space<hbm>>
    %dma_start3A_265 = tpu.memref_slice %arg14[%dma_start3A_258] : memref<4x!tpu.dma_semaphore, #tpu.memory_space<semaphore_mem>> -> memref<1x!tpu.dma_semaphore, #tpu.memory_space<semaphore_mem>>
    %dma_start3A_266 = tpu.memref_squeeze %dma_start3A_265 : memref<1x!tpu.dma_semaphore, #tpu.memory_space<semaphore_mem>> -> memref<!tpu.dma_semaphore, #tpu.memory_space<semaphore_mem>>
    tpu.enqueue_indirect_dma source(%dma_start3A_264 : memref<10240x128xf32, #tpu.memory_space<hbm>>) target(%arg8 : memref<80x128xf32, #tpu.memory_space<vmem>>) offsets(%dma_start3A_261 : memref<80xi32, #tpu.memory_space<vmem>>) semaphore(%dma_start3A_266 : memref<!tpu.dma_semaphore, #tpu.memory_space<semaphore_mem>>)
    %dma_wait3A_267 = arith.constant 1 : i32
    %dma_wait3A_268 = arith.constant 0 : i32
    %dma_wait3A_269 = arith.constant 0 : i32
    %dma_wait3A_270 = tpu.memref_slice %arg12[%dma_wait3A_268, %dma_wait3A_269] : memref<10240x128xf32, #tpu.memory_space<vmem_shared>> -> memref<80x128xf32, #tpu.memory_space<vmem_shared>>
    %dma_wait3A_271 = tpu.memref_slice %arg15[%dma_wait3A_267] : memref<4x!tpu.dma_semaphore, #tpu.memory_space<semaphore_mem>> -> memref<1x!tpu.dma_semaphore, #tpu.memory_space<semaphore_mem>>
    %dma_wait3A_272 = tpu.memref_squeeze %dma_wait3A_271 : memref<1x!tpu.dma_semaphore, #tpu.memory_space<semaphore_mem>> -> memref<!tpu.dma_semaphore, #tpu.memory_space<semaphore_mem>>
    %dma_wait3A_273 = arith.constant 0 : i32
    %dma_wait3A_274 = arith.constant 0 : i32
    %dma_wait3A_275 = tpu.memref_slice %arg12[%dma_wait3A_273, %dma_wait3A_274] : memref<10240x128xf32, #tpu.memory_space<vmem_shared>> -> memref<80x128xf32, #tpu.memory_space<vmem_shared>>
    tpu.wait_dma2 semaphore(%dma_wait3A_272 : memref<!tpu.dma_semaphore, #tpu.memory_space<semaphore_mem>>) src(%arg9 : memref<80x128xf32, #tpu.memory_space<vmem>>) dst(%dma_wait3A_275 : memref<80x128xf32, #tpu.memory_space<vmem_shared>>)
    %dma_start3A_276 = arith.constant 0 : i32
    %dma_start3A_277 = arith.constant 1 : i32
    %dma_start3A_278 = arith.constant 1 : i32
    %dma_start3A_279 = arith.constant 0 : i32
    %dma_start3A_280 = tpu.memref_slice %arg7[%dma_start3A_276, %dma_start3A_277, %dma_start3A_279] : memref<2x4x80xi32, #tpu.memory_space<vmem>> -> memref<1x1x80xi32, #tpu.memory_space<vmem>>
    %dma_start3A_281 = tpu.memref_squeeze %dma_start3A_280 : memref<1x1x80xi32, #tpu.memory_space<vmem>> -> memref<80xi32, #tpu.memory_space<vmem>>
    %dma_start3A_282 = arith.constant 0 : i32
    %dma_start3A_283 = arith.constant 0 : i32
    %dma_start3A_284 = tpu.memref_slice %arg2[%dma_start3A_282, %dma_start3A_283] : memref<10240x128xf32, #tpu.memory_space<hbm>> -> memref<10240x128xf32, #tpu.memory_space<hbm>>
    %dma_start3A_285 = tpu.memref_slice %arg14[%dma_start3A_278] : memref<4x!tpu.dma_semaphore, #tpu.memory_space<semaphore_mem>> -> memref<1x!tpu.dma_semaphore, #tpu.memory_space<semaphore_mem>>
    %dma_start3A_286 = tpu.memref_squeeze %dma_start3A_285 : memref<1x!tpu.dma_semaphore, #tpu.memory_space<semaphore_mem>> -> memref<!tpu.dma_semaphore, #tpu.memory_space<semaphore_mem>>
    tpu.enqueue_indirect_dma source(%dma_start3A_284 : memref<10240x128xf32, #tpu.memory_space<hbm>>) target(%arg9 : memref<80x128xf32, #tpu.memory_space<vmem>>) offsets(%dma_start3A_281 : memref<80xi32, #tpu.memory_space<vmem>>) semaphore(%dma_start3A_286 : memref<!tpu.dma_semaphore, #tpu.memory_space<semaphore_mem>>)
    %dma_wait3A_287 = arith.constant 2 : i32
    %dma_wait3A_288 = arith.constant 0 : i32
    %dma_wait3A_289 = arith.constant 0 : i32
    %dma_wait3A_290 = tpu.memref_slice %arg12[%dma_wait3A_288, %dma_wait3A_289] : memref<10240x128xf32, #tpu.memory_space<vmem_shared>> -> memref<80x128xf32, #tpu.memory_space<vmem_shared>>
    %dma_wait3A_291 = tpu.memref_slice %arg15[%dma_wait3A_287] : memref<4x!tpu.dma_semaphore, #tpu.memory_space<semaphore_mem>> -> memref<1x!tpu.dma_semaphore, #tpu.memory_space<semaphore_mem>>
    %dma_wait3A_292 = tpu.memref_squeeze %dma_wait3A_291 : memref<1x!tpu.dma_semaphore, #tpu.memory_space<semaphore_mem>> -> memref<!tpu.dma_semaphore, #tpu.memory_space<semaphore_mem>>
    %dma_wait3A_293 = arith.constant 0 : i32
    %dma_wait3A_294 = arith.constant 0 : i32
    %dma_wait3A_295 = tpu.memref_slice %arg12[%dma_wait3A_293, %dma_wait3A_294] : memref<10240x128xf32, #tpu.memory_space<vmem_shared>> -> memref<80x128xf32, #tpu.memory_space<vmem_shared>>
    tpu.wait_dma2 semaphore(%dma_wait3A_292 : memref<!tpu.dma_semaphore, #tpu.memory_space<semaphore_mem>>) src(%arg10 : memref<80x128xf32, #tpu.memory_space<vmem>>) dst(%dma_wait3A_295 : memref<80x128xf32, #tpu.memory_space<vmem_shared>>)
    %dma_start3A_296 = arith.constant 0 : i32
    %dma_start3A_297 = arith.constant 2 : i32
    %dma_start3A_298 = arith.constant 2 : i32
    %dma_start3A_299 = arith.constant 0 : i32
    %dma_start3A_300 = tpu.memref_slice %arg7[%dma_start3A_296, %dma_start3A_297, %dma_start3A_299] : memref<2x4x80xi32, #tpu.memory_space<vmem>> -> memref<1x1x80xi32, #tpu.memory_space<vmem>>
    %dma_start3A_301 = tpu.memref_squeeze %dma_start3A_300 : memref<1x1x80xi32, #tpu.memory_space<vmem>> -> memref<80xi32, #tpu.memory_space<vmem>>
    %dma_start3A_302 = arith.constant 0 : i32
    %dma_start3A_303 = arith.constant 0 : i32
    %dma_start3A_304 = tpu.memref_slice %arg2[%dma_start3A_302, %dma_start3A_303] : memref<10240x128xf32, #tpu.memory_space<hbm>> -> memref<10240x128xf32, #tpu.memory_space<hbm>>
    %dma_start3A_305 = tpu.memref_slice %arg14[%dma_start3A_298] : memref<4x!tpu.dma_semaphore, #tpu.memory_space<semaphore_mem>> -> memref<1x!tpu.dma_semaphore, #tpu.memory_space<semaphore_mem>>
    %dma_start3A_306 = tpu.memref_squeeze %dma_start3A_305 : memref<1x!tpu.dma_semaphore, #tpu.memory_space<semaphore_mem>> -> memref<!tpu.dma_semaphore, #tpu.memory_space<semaphore_mem>>
    tpu.enqueue_indirect_dma source(%dma_start3A_304 : memref<10240x128xf32, #tpu.memory_space<hbm>>) target(%arg10 : memref<80x128xf32, #tpu.memory_space<vmem>>) offsets(%dma_start3A_301 : memref<80xi32, #tpu.memory_space<vmem>>) semaphore(%dma_start3A_306 : memref<!tpu.dma_semaphore, #tpu.memory_space<semaphore_mem>>)
    %dma_wait3A_307 = arith.constant 3 : i32
    %dma_wait3A_308 = arith.constant 0 : i32
    %dma_wait3A_309 = arith.constant 0 : i32
    %dma_wait3A_310 = tpu.memref_slice %arg12[%dma_wait3A_308, %dma_wait3A_309] : memref<10240x128xf32, #tpu.memory_space<vmem_shared>> -> memref<80x128xf32, #tpu.memory_space<vmem_shared>>
    %dma_wait3A_311 = tpu.memref_slice %arg15[%dma_wait3A_307] : memref<4x!tpu.dma_semaphore, #tpu.memory_space<semaphore_mem>> -> memref<1x!tpu.dma_semaphore, #tpu.memory_space<semaphore_mem>>
    %dma_wait3A_312 = tpu.memref_squeeze %dma_wait3A_311 : memref<1x!tpu.dma_semaphore, #tpu.memory_space<semaphore_mem>> -> memref<!tpu.dma_semaphore, #tpu.memory_space<semaphore_mem>>
    %dma_wait3A_313 = arith.constant 0 : i32
    %dma_wait3A_314 = arith.constant 0 : i32
    %dma_wait3A_315 = tpu.memref_slice %arg12[%dma_wait3A_313, %dma_wait3A_314] : memref<10240x128xf32, #tpu.memory_space<vmem_shared>> -> memref<80x128xf32, #tpu.memory_space<vmem_shared>>
    tpu.wait_dma2 semaphore(%dma_wait3A_312 : memref<!tpu.dma_semaphore, #tpu.memory_space<semaphore_mem>>) src(%arg11 : memref<80x128xf32, #tpu.memory_space<vmem>>) dst(%dma_wait3A_315 : memref<80x128xf32, #tpu.memory_space<vmem_shared>>)
    %dma_start3A_316 = arith.constant 0 : i32
    %dma_start3A_317 = arith.constant 3 : i32
    %dma_start3A_318 = arith.constant 3 : i32
    %dma_start3A_319 = arith.constant 0 : i32
    %dma_start3A_320 = tpu.memref_slice %arg7[%dma_start3A_316, %dma_start3A_317, %dma_start3A_319] : memref<2x4x80xi32, #tpu.memory_space<vmem>> -> memref<1x1x80xi32, #tpu.memory_space<vmem>>
    %dma_start3A_321 = tpu.memref_squeeze %dma_start3A_320 : memref<1x1x80xi32, #tpu.memory_space<vmem>> -> memref<80xi32, #tpu.memory_space<vmem>>
    %dma_start3A_322 = arith.constant 0 : i32
    %dma_start3A_323 = arith.constant 0 : i32
    %dma_start3A_324 = tpu.memref_slice %arg2[%dma_start3A_322, %dma_start3A_323] : memref<10240x128xf32, #tpu.memory_space<hbm>> -> memref<10240x128xf32, #tpu.memory_space<hbm>>
    %dma_start3A_325 = tpu.memref_slice %arg14[%dma_start3A_318] : memref<4x!tpu.dma_semaphore, #tpu.memory_space<semaphore_mem>> -> memref<1x!tpu.dma_semaphore, #tpu.memory_space<semaphore_mem>>
    %dma_start3A_326 = tpu.memref_squeeze %dma_start3A_325 : memref<1x!tpu.dma_semaphore, #tpu.memory_space<semaphore_mem>> -> memref<!tpu.dma_semaphore, #tpu.memory_space<semaphore_mem>>
    tpu.enqueue_indirect_dma source(%dma_start3A_324 : memref<10240x128xf32, #tpu.memory_space<hbm>>) target(%arg11 : memref<80x128xf32, #tpu.memory_space<vmem>>) offsets(%dma_start3A_321 : memref<80xi32, #tpu.memory_space<vmem>>) semaphore(%dma_start3A_326 : memref<!tpu.dma_semaphore, #tpu.memory_space<semaphore_mem>>)
    %dma_wait3A_327 = arith.constant 0 : i32
    %dma_wait3A_328 = arith.constant 0 : i32
    %dma_wait3A_329 = arith.constant 0 : i32
    %dma_wait3A_330 = arith.constant 0 : i32
    %dma_wait3A_331 = tpu.memref_slice %arg7[%dma_wait3A_327, %dma_wait3A_328, %dma_wait3A_330] : memref<2x4x80xi32, #tpu.memory_space<vmem>> -> memref<1x1x80xi32, #tpu.memory_space<vmem>>
    %dma_wait3A_332 = tpu.memref_squeeze %dma_wait3A_331 : memref<1x1x80xi32, #tpu.memory_space<vmem>> -> memref<80xi32, #tpu.memory_space<vmem>>
    %dma_wait3A_333 = arith.constant 0 : i32
    %dma_wait3A_334 = arith.constant 0 : i32
    %dma_wait3A_335 = tpu.memref_slice %arg2[%dma_wait3A_333, %dma_wait3A_334] : memref<10240x128xf32, #tpu.memory_space<hbm>> -> memref<10240x128xf32, #tpu.memory_space<hbm>>
    %dma_wait3A_336 = tpu.memref_slice %arg14[%dma_wait3A_329] : memref<4x!tpu.dma_semaphore, #tpu.memory_space<semaphore_mem>> -> memref<1x!tpu.dma_semaphore, #tpu.memory_space<semaphore_mem>>
    %dma_wait3A_337 = tpu.memref_squeeze %dma_wait3A_336 : memref<1x!tpu.dma_semaphore, #tpu.memory_space<semaphore_mem>> -> memref<!tpu.dma_semaphore, #tpu.memory_space<semaphore_mem>>
    tpu.wait_indirect_dma semaphore(%dma_wait3A_337 : memref<!tpu.dma_semaphore, #tpu.memory_space<semaphore_mem>>) src(%dma_wait3A_335 : memref<10240x128xf32, #tpu.memory_space<hbm>>) dst(%arg8 : memref<80x128xf32, #tpu.memory_space<vmem>>)
    %dma_start3A_338 = arith.constant 1 : i32
    %dma_start3A_339 = arith.constant 0 : i32
    %dma_start3A_340 = arith.constant 0 : i32
    %dma_start3A_341 = arith.constant 0 : i32
    %dma_start3A_342 = tpu.memref_slice %arg7[%dma_start3A_338, %dma_start3A_339, %dma_start3A_341] : memref<2x4x80xi32, #tpu.memory_space<vmem>> -> memref<1x1x80xi32, #tpu.memory_space<vmem>>
    %dma_start3A_343 = tpu.memref_squeeze %dma_start3A_342 : memref<1x1x80xi32, #tpu.memory_space<vmem>> -> memref<80xi32, #tpu.memory_space<vmem>>
    %dma_start3A_344 = arith.constant 0 : i32
    %dma_start3A_345 = arith.constant 0 : i32
    %dma_start3A_346 = tpu.memref_slice %arg12[%dma_start3A_344, %dma_start3A_345] : memref<10240x128xf32, #tpu.memory_space<vmem_shared>> -> memref<10240x128xf32, #tpu.memory_space<vmem_shared>>
    %dma_start3A_347 = tpu.memref_slice %arg15[%dma_start3A_340] : memref<4x!tpu.dma_semaphore, #tpu.memory_space<semaphore_mem>> -> memref<1x!tpu.dma_semaphore, #tpu.memory_space<semaphore_mem>>
    %dma_start3A_348 = tpu.memref_squeeze %dma_start3A_347 : memref<1x!tpu.dma_semaphore, #tpu.memory_space<semaphore_mem>> -> memref<!tpu.dma_semaphore, #tpu.memory_space<semaphore_mem>>
    tpu.enqueue_indirect_dma source(%arg8 : memref<80x128xf32, #tpu.memory_space<vmem>>) target(%dma_start3A_346 : memref<10240x128xf32, #tpu.memory_space<vmem_shared>>) offsets(%dma_start3A_343 : memref<80xi32, #tpu.memory_space<vmem>>) semaphore(%dma_start3A_348 : memref<!tpu.dma_semaphore, #tpu.memory_space<semaphore_mem>>) {add = true}
    %dma_wait3A_349 = arith.constant 0 : i32
    %dma_wait3A_350 = arith.constant 1 : i32
    %dma_wait3A_351 = arith.constant 1 : i32
    %dma_wait3A_352 = arith.constant 0 : i32
    %dma_wait3A_353 = tpu.memref_slice %arg7[%dma_wait3A_349, %dma_wait3A_350, %dma_wait3A_352] : memref<2x4x80xi32, #tpu.memory_space<vmem>> -> memref<1x1x80xi32, #tpu.memory_space<vmem>>
    %dma_wait3A_354 = tpu.memref_squeeze %dma_wait3A_353 : memref<1x1x80xi32, #tpu.memory_space<vmem>> -> memref<80xi32, #tpu.memory_space<vmem>>
    %dma_wait3A_355 = arith.constant 0 : i32
    %dma_wait3A_356 = arith.constant 0 : i32
    %dma_wait3A_357 = tpu.memref_slice %arg2[%dma_wait3A_355, %dma_wait3A_356] : memref<10240x128xf32, #tpu.memory_space<hbm>> -> memref<10240x128xf32, #tpu.memory_space<hbm>>
    %dma_wait3A_358 = tpu.memref_slice %arg14[%dma_wait3A_351] : memref<4x!tpu.dma_semaphore, #tpu.memory_space<semaphore_mem>> -> memref<1x!tpu.dma_semaphore, #tpu.memory_space<semaphore_mem>>
    %dma_wait3A_359 = tpu.memref_squeeze %dma_wait3A_358 : memref<1x!tpu.dma_semaphore, #tpu.memory_space<semaphore_mem>> -> memref<!tpu.dma_semaphore, #tpu.memory_space<semaphore_mem>>
    tpu.wait_indirect_dma semaphore(%dma_wait3A_359 : memref<!tpu.dma_semaphore, #tpu.memory_space<semaphore_mem>>) src(%dma_wait3A_357 : memref<10240x128xf32, #tpu.memory_space<hbm>>) dst(%arg9 : memref<80x128xf32, #tpu.memory_space<vmem>>)
    %dma_start3A_360 = arith.constant 1 : i32
    %dma_start3A_361 = arith.constant 1 : i32
    %dma_start3A_362 = arith.constant 1 : i32
    %dma_start3A_363 = arith.constant 0 : i32
    %dma_start3A_364 = tpu.memref_slice %arg7[%dma_start3A_360, %dma_start3A_361, %dma_start3A_363] : memref<2x4x80xi32, #tpu.memory_space<vmem>> -> memref<1x1x80xi32, #tpu.memory_space<vmem>>
    %dma_start3A_365 = tpu.memref_squeeze %dma_start3A_364 : memref<1x1x80xi32, #tpu.memory_space<vmem>> -> memref<80xi32, #tpu.memory_space<vmem>>
    %dma_start3A_366 = arith.constant 0 : i32
    %dma_start3A_367 = arith.constant 0 : i32
    %dma_start3A_368 = tpu.memref_slice %arg12[%dma_start3A_366, %dma_start3A_367] : memref<10240x128xf32, #tpu.memory_space<vmem_shared>> -> memref<10240x128xf32, #tpu.memory_space<vmem_shared>>
    %dma_start3A_369 = tpu.memref_slice %arg15[%dma_start3A_362] : memref<4x!tpu.dma_semaphore, #tpu.memory_space<semaphore_mem>> -> memref<1x!tpu.dma_semaphore, #tpu.memory_space<semaphore_mem>>
    %dma_start3A_370 = tpu.memref_squeeze %dma_start3A_369 : memref<1x!tpu.dma_semaphore, #tpu.memory_space<semaphore_mem>> -> memref<!tpu.dma_semaphore, #tpu.memory_space<semaphore_mem>>
    tpu.enqueue_indirect_dma source(%arg9 : memref<80x128xf32, #tpu.memory_space<vmem>>) target(%dma_start3A_368 : memref<10240x128xf32, #tpu.memory_space<vmem_shared>>) offsets(%dma_start3A_365 : memref<80xi32, #tpu.memory_space<vmem>>) semaphore(%dma_start3A_370 : memref<!tpu.dma_semaphore, #tpu.memory_space<semaphore_mem>>) {add = true}
    %dma_wait3A_371 = arith.constant 0 : i32
    %dma_wait3A_372 = arith.constant 2 : i32
    %dma_wait3A_373 = arith.constant 2 : i32
    %dma_wait3A_374 = arith.constant 0 : i32
    %dma_wait3A_375 = tpu.memref_slice %arg7[%dma_wait3A_371, %dma_wait3A_372, %dma_wait3A_374] : memref<2x4x80xi32, #tpu.memory_space<vmem>> -> memref<1x1x80xi32, #tpu.memory_space<vmem>>
    %dma_wait3A_376 = tpu.memref_squeeze %dma_wait3A_375 : memref<1x1x80xi32, #tpu.memory_space<vmem>> -> memref<80xi32, #tpu.memory_space<vmem>>
    %dma_wait3A_377 = arith.constant 0 : i32
    %dma_wait3A_378 = arith.constant 0 : i32
    %dma_wait3A_379 = tpu.memref_slice %arg2[%dma_wait3A_377, %dma_wait3A_378] : memref<10240x128xf32, #tpu.memory_space<hbm>> -> memref<10240x128xf32, #tpu.memory_space<hbm>>
    %dma_wait3A_380 = tpu.memref_slice %arg14[%dma_wait3A_373] : memref<4x!tpu.dma_semaphore, #tpu.memory_space<semaphore_mem>> -> memref<1x!tpu.dma_semaphore, #tpu.memory_space<semaphore_mem>>
    %dma_wait3A_381 = tpu.memref_squeeze %dma_wait3A_380 : memref<1x!tpu.dma_semaphore, #tpu.memory_space<semaphore_mem>> -> memref<!tpu.dma_semaphore, #tpu.memory_space<semaphore_mem>>
    tpu.wait_indirect_dma semaphore(%dma_wait3A_381 : memref<!tpu.dma_semaphore, #tpu.memory_space<semaphore_mem>>) src(%dma_wait3A_379 : memref<10240x128xf32, #tpu.memory_space<hbm>>) dst(%arg10 : memref<80x128xf32, #tpu.memory_space<vmem>>)
    %dma_start3A_382 = arith.constant 1 : i32
    %dma_start3A_383 = arith.constant 2 : i32
    %dma_start3A_384 = arith.constant 2 : i32
    %dma_start3A_385 = arith.constant 0 : i32
    %dma_start3A_386 = tpu.memref_slice %arg7[%dma_start3A_382, %dma_start3A_383, %dma_start3A_385] : memref<2x4x80xi32, #tpu.memory_space<vmem>> -> memref<1x1x80xi32, #tpu.memory_space<vmem>>
    %dma_start3A_387 = tpu.memref_squeeze %dma_start3A_386 : memref<1x1x80xi32, #tpu.memory_space<vmem>> -> memref<80xi32, #tpu.memory_space<vmem>>
    %dma_start3A_388 = arith.constant 0 : i32
    %dma_start3A_389 = arith.constant 0 : i32
    %dma_start3A_390 = tpu.memref_slice %arg12[%dma_start3A_388, %dma_start3A_389] : memref<10240x128xf32, #tpu.memory_space<vmem_shared>> -> memref<10240x128xf32, #tpu.memory_space<vmem_shared>>
    %dma_start3A_391 = tpu.memref_slice %arg15[%dma_start3A_384] : memref<4x!tpu.dma_semaphore, #tpu.memory_space<semaphore_mem>> -> memref<1x!tpu.dma_semaphore, #tpu.memory_space<semaphore_mem>>
    %dma_start3A_392 = tpu.memref_squeeze %dma_start3A_391 : memref<1x!tpu.dma_semaphore, #tpu.memory_space<semaphore_mem>> -> memref<!tpu.dma_semaphore, #tpu.memory_space<semaphore_mem>>
    tpu.enqueue_indirect_dma source(%arg10 : memref<80x128xf32, #tpu.memory_space<vmem>>) target(%dma_start3A_390 : memref<10240x128xf32, #tpu.memory_space<vmem_shared>>) offsets(%dma_start3A_387 : memref<80xi32, #tpu.memory_space<vmem>>) semaphore(%dma_start3A_392 : memref<!tpu.dma_semaphore, #tpu.memory_space<semaphore_mem>>) {add = true}
    %dma_wait3A_393 = arith.constant 0 : i32
    %dma_wait3A_394 = arith.constant 3 : i32
    %dma_wait3A_395 = arith.constant 3 : i32
    %dma_wait3A_396 = arith.constant 0 : i32
    %dma_wait3A_397 = tpu.memref_slice %arg7[%dma_wait3A_393, %dma_wait3A_394, %dma_wait3A_396] : memref<2x4x80xi32, #tpu.memory_space<vmem>> -> memref<1x1x80xi32, #tpu.memory_space<vmem>>
    %dma_wait3A_398 = tpu.memref_squeeze %dma_wait3A_397 : memref<1x1x80xi32, #tpu.memory_space<vmem>> -> memref<80xi32, #tpu.memory_space<vmem>>
    %dma_wait3A_399 = arith.constant 0 : i32
    %dma_wait3A_400 = arith.constant 0 : i32
    %dma_wait3A_401 = tpu.memref_slice %arg2[%dma_wait3A_399, %dma_wait3A_400] : memref<10240x128xf32, #tpu.memory_space<hbm>> -> memref<10240x128xf32, #tpu.memory_space<hbm>>
    %dma_wait3A_402 = tpu.memref_slice %arg14[%dma_wait3A_395] : memref<4x!tpu.dma_semaphore, #tpu.memory_space<semaphore_mem>> -> memref<1x!tpu.dma_semaphore, #tpu.memory_space<semaphore_mem>>
    %dma_wait3A_403 = tpu.memref_squeeze %dma_wait3A_402 : memref<1x!tpu.dma_semaphore, #tpu.memory_space<semaphore_mem>> -> memref<!tpu.dma_semaphore, #tpu.memory_space<semaphore_mem>>
    tpu.wait_indirect_dma semaphore(%dma_wait3A_403 : memref<!tpu.dma_semaphore, #tpu.memory_space<semaphore_mem>>) src(%dma_wait3A_401 : memref<10240x128xf32, #tpu.memory_space<hbm>>) dst(%arg11 : memref<80x128xf32, #tpu.memory_space<vmem>>)
    %dma_start3A_404 = arith.constant 1 : i32
    %dma_start3A_405 = arith.constant 3 : i32
    %dma_start3A_406 = arith.constant 3 : i32
    %dma_start3A_407 = arith.constant 0 : i32
    %dma_start3A_408 = tpu.memref_slice %arg7[%dma_start3A_404, %dma_start3A_405, %dma_start3A_407] : memref<2x4x80xi32, #tpu.memory_space<vmem>> -> memref<1x1x80xi32, #tpu.memory_space<vmem>>
    %dma_start3A_409 = tpu.memref_squeeze %dma_start3A_408 : memref<1x1x80xi32, #tpu.memory_space<vmem>> -> memref<80xi32, #tpu.memory_space<vmem>>
    %dma_start3A_410 = arith.constant 0 : i32
    %dma_start3A_411 = arith.constant 0 : i32
    %dma_start3A_412 = tpu.memref_slice %arg12[%dma_start3A_410, %dma_start3A_411] : memref<10240x128xf32, #tpu.memory_space<vmem_shared>> -> memref<10240x128xf32, #tpu.memory_space<vmem_shared>>
    %dma_start3A_413 = tpu.memref_slice %arg15[%dma_start3A_406] : memref<4x!tpu.dma_semaphore, #tpu.memory_space<semaphore_mem>> -> memref<1x!tpu.dma_semaphore, #tpu.memory_space<semaphore_mem>>
    %dma_start3A_414 = tpu.memref_squeeze %dma_start3A_413 : memref<1x!tpu.dma_semaphore, #tpu.memory_space<semaphore_mem>> -> memref<!tpu.dma_semaphore, #tpu.memory_space<semaphore_mem>>
    tpu.enqueue_indirect_dma source(%arg11 : memref<80x128xf32, #tpu.memory_space<vmem>>) target(%dma_start3A_412 : memref<10240x128xf32, #tpu.memory_space<vmem_shared>>) offsets(%dma_start3A_409 : memref<80xi32, #tpu.memory_space<vmem>>) semaphore(%dma_start3A_414 : memref<!tpu.dma_semaphore, #tpu.memory_space<semaphore_mem>>) {add = true}
    %dma_wait3A_415 = arith.constant 0 : i32
    %dma_wait3A_416 = arith.constant 0 : i32
    %dma_wait3A_417 = arith.constant 0 : i32
    %dma_wait3A_418 = tpu.memref_slice %arg12[%dma_wait3A_416, %dma_wait3A_417] : memref<10240x128xf32, #tpu.memory_space<vmem_shared>> -> memref<80x128xf32, #tpu.memory_space<vmem_shared>>
    %dma_wait3A_419 = tpu.memref_slice %arg15[%dma_wait3A_415] : memref<4x!tpu.dma_semaphore, #tpu.memory_space<semaphore_mem>> -> memref<1x!tpu.dma_semaphore, #tpu.memory_space<semaphore_mem>>
    %dma_wait3A_420 = tpu.memref_squeeze %dma_wait3A_419 : memref<1x!tpu.dma_semaphore, #tpu.memory_space<semaphore_mem>> -> memref<!tpu.dma_semaphore, #tpu.memory_space<semaphore_mem>>
    %dma_wait3A_421 = arith.constant 0 : i32
    %dma_wait3A_422 = arith.constant 0 : i32
    %dma_wait3A_423 = tpu.memref_slice %arg12[%dma_wait3A_421, %dma_wait3A_422] : memref<10240x128xf32, #tpu.memory_space<vmem_shared>> -> memref<80x128xf32, #tpu.memory_space<vmem_shared>>
    tpu.wait_dma2 semaphore(%dma_wait3A_420 : memref<!tpu.dma_semaphore, #tpu.memory_space<semaphore_mem>>) src(%arg8 : memref<80x128xf32, #tpu.memory_space<vmem>>) dst(%dma_wait3A_423 : memref<80x128xf32, #tpu.memory_space<vmem_shared>>)
    %dma_wait3A_424 = arith.constant 1 : i32
    %dma_wait3A_425 = arith.constant 0 : i32
    %dma_wait3A_426 = arith.constant 0 : i32
    %dma_wait3A_427 = tpu.memref_slice %arg12[%dma_wait3A_425, %dma_wait3A_426] : memref<10240x128xf32, #tpu.memory_space<vmem_shared>> -> memref<80x128xf32, #tpu.memory_space<vmem_shared>>
    %dma_wait3A_428 = tpu.memref_slice %arg15[%dma_wait3A_424] : memref<4x!tpu.dma_semaphore, #tpu.memory_space<semaphore_mem>> -> memref<1x!tpu.dma_semaphore, #tpu.memory_space<semaphore_mem>>
    %dma_wait3A_429 = tpu.memref_squeeze %dma_wait3A_428 : memref<1x!tpu.dma_semaphore, #tpu.memory_space<semaphore_mem>> -> memref<!tpu.dma_semaphore, #tpu.memory_space<semaphore_mem>>
    %dma_wait3A_430 = arith.constant 0 : i32
    %dma_wait3A_431 = arith.constant 0 : i32
    %dma_wait3A_432 = tpu.memref_slice %arg12[%dma_wait3A_430, %dma_wait3A_431] : memref<10240x128xf32, #tpu.memory_space<vmem_shared>> -> memref<80x128xf32, #tpu.memory_space<vmem_shared>>
    tpu.wait_dma2 semaphore(%dma_wait3A_429 : memref<!tpu.dma_semaphore, #tpu.memory_space<semaphore_mem>>) src(%arg9 : memref<80x128xf32, #tpu.memory_space<vmem>>) dst(%dma_wait3A_432 : memref<80x128xf32, #tpu.memory_space<vmem_shared>>)
    %dma_wait3A_433 = arith.constant 2 : i32
    %dma_wait3A_434 = arith.constant 0 : i32
    %dma_wait3A_435 = arith.constant 0 : i32
    %dma_wait3A_436 = tpu.memref_slice %arg12[%dma_wait3A_434, %dma_wait3A_435] : memref<10240x128xf32, #tpu.memory_space<vmem_shared>> -> memref<80x128xf32, #tpu.memory_space<vmem_shared>>
    %dma_wait3A_437 = tpu.memref_slice %arg15[%dma_wait3A_433] : memref<4x!tpu.dma_semaphore, #tpu.memory_space<semaphore_mem>> -> memref<1x!tpu.dma_semaphore, #tpu.memory_space<semaphore_mem>>
    %dma_wait3A_438 = tpu.memref_squeeze %dma_wait3A_437 : memref<1x!tpu.dma_semaphore, #tpu.memory_space<semaphore_mem>> -> memref<!tpu.dma_semaphore, #tpu.memory_space<semaphore_mem>>
    %dma_wait3A_439 = arith.constant 0 : i32
    %dma_wait3A_440 = arith.constant 0 : i32
    %dma_wait3A_441 = tpu.memref_slice %arg12[%dma_wait3A_439, %dma_wait3A_440] : memref<10240x128xf32, #tpu.memory_space<vmem_shared>> -> memref<80x128xf32, #tpu.memory_space<vmem_shared>>
    tpu.wait_dma2 semaphore(%dma_wait3A_438 : memref<!tpu.dma_semaphore, #tpu.memory_space<semaphore_mem>>) src(%arg10 : memref<80x128xf32, #tpu.memory_space<vmem>>) dst(%dma_wait3A_441 : memref<80x128xf32, #tpu.memory_space<vmem_shared>>)
    %dma_wait3A_442 = arith.constant 3 : i32
    %dma_wait3A_443 = arith.constant 0 : i32
    %dma_wait3A_444 = arith.constant 0 : i32
    %dma_wait3A_445 = tpu.memref_slice %arg12[%dma_wait3A_443, %dma_wait3A_444] : memref<10240x128xf32, #tpu.memory_space<vmem_shared>> -> memref<80x128xf32, #tpu.memory_space<vmem_shared>>
    %dma_wait3A_446 = tpu.memref_slice %arg15[%dma_wait3A_442] : memref<4x!tpu.dma_semaphore, #tpu.memory_space<semaphore_mem>> -> memref<1x!tpu.dma_semaphore, #tpu.memory_space<semaphore_mem>>
    %dma_wait3A_447 = tpu.memref_squeeze %dma_wait3A_446 : memref<1x!tpu.dma_semaphore, #tpu.memory_space<semaphore_mem>> -> memref<!tpu.dma_semaphore, #tpu.memory_space<semaphore_mem>>
    %dma_wait3A_448 = arith.constant 0 : i32
    %dma_wait3A_449 = arith.constant 0 : i32
    %dma_wait3A_450 = tpu.memref_slice %arg12[%dma_wait3A_448, %dma_wait3A_449] : memref<10240x128xf32, #tpu.memory_space<vmem_shared>> -> memref<80x128xf32, #tpu.memory_space<vmem_shared>>
    tpu.wait_dma2 semaphore(%dma_wait3A_447 : memref<!tpu.dma_semaphore, #tpu.memory_space<semaphore_mem>>) src(%arg11 : memref<80x128xf32, #tpu.memory_space<vmem>>) dst(%dma_wait3A_450 : memref<80x128xf32, #tpu.memory_space<vmem_shared>>)
    %barrier3A_451 = arith.constant 0 : index
    tpu.barrier barrier_id(%barrier3A_451)
    %mul3A_452 = arith.constant 640 : i32
    %mul3A_453 = arith.muli %arg1, %mul3A_452 : i32
    %mul3A_454 = arith.constant 640 : i32
    %mul3A_455 = arith.muli %arg1, %mul3A_454 : i32
    "tpu.region"() ({
      %run_scoped3A = tpu.sem_alloc : memref<!tpu.dma_semaphore, #tpu.memory_space<semaphore_mem>>
      %dma_start3A_456 = arith.constant 0 : i32
      %dma_start3A_457 = tpu.memref_slice %arg5[%arg0, %mul3A_455, %dma_start3A_456] : memref<2x10240x128xf32, #tpu.memory_space<hbm>> -> memref<1x640x128xf32, #tpu.memory_space<hbm>>
      %dma_start3A_458 = tpu.memref_squeeze %dma_start3A_457 : memref<1x640x128xf32, #tpu.memory_space<hbm>> -> memref<640x128xf32, #tpu.memory_space<hbm>>
      %dma_start3A_459 = arith.constant 0 : i32
      %dma_start3A_460 = tpu.memref_slice %arg12[%mul3A_453, %dma_start3A_459] : memref<10240x128xf32, #tpu.memory_space<vmem_shared>> -> memref<640x128xf32, #tpu.memory_space<vmem_shared>>
      tpu.enqueue_dma source(%dma_start3A_460 : memref<640x128xf32, #tpu.memory_space<vmem_shared>>) target(%dma_start3A_458 : memref<640x128xf32, #tpu.memory_space<hbm>>) target_semaphore(%run_scoped3A : memref<!tpu.dma_semaphore, #tpu.memory_space<semaphore_mem>>)
      %dma_wait3A_461 = arith.constant 0 : i32
      %dma_wait3A_462 = tpu.memref_slice %arg5[%arg0, %mul3A_455, %dma_wait3A_461] : memref<2x10240x128xf32, #tpu.memory_space<hbm>> -> memref<1x640x128xf32, #tpu.memory_space<hbm>>
      %dma_wait3A_463 = tpu.memref_squeeze %dma_wait3A_462 : memref<1x640x128xf32, #tpu.memory_space<hbm>> -> memref<640x128xf32, #tpu.memory_space<hbm>>
      %dma_wait3A_464 = arith.constant 0 : i32
      %dma_wait3A_465 = tpu.memref_slice %arg12[%mul3A_453, %dma_wait3A_464] : memref<10240x128xf32, #tpu.memory_space<vmem_shared>> -> memref<640x128xf32, #tpu.memory_space<vmem_shared>>
      tpu.wait_dma2 semaphore(%run_scoped3A : memref<!tpu.dma_semaphore, #tpu.memory_space<semaphore_mem>>) src(%dma_wait3A_465 : memref<640x128xf32, #tpu.memory_space<vmem_shared>>) dst(%dma_wait3A_463 : memref<640x128xf32, #tpu.memory_space<hbm>>)
      tpu.yield
    }) : () -> ()
    return
  }
}

#map = affine_map<(d0, d1) -> (0, 0, 0, 0)>
#map1 = affine_map<(d0, d1) -> (0, 0)>
#map2 = affine_map<(d0, d1) -> (0, 0, 0)>
module attributes {stable_mosaic.version = 14 : i64} {
  func.func @_sc_hist(%arg0: i32, %arg1: i32, %arg2: memref<1024x2x4x80xi32, #tpu.memory_space<hbm>>, %arg3: memref<640x128xf32, #tpu.memory_space<hbm>>, %arg4: memref<80x128xf32, #tpu.memory_space<hbm>>, %arg5: memref<2x10240x128xf32, #tpu.memory_space<hbm>>, %arg6: memref<2x4x80xi32, #tpu.memory_space<vmem>>, %arg7: memref<2x4x80xi32, #tpu.memory_space<vmem>>, %arg8: memref<80x128xf32, #tpu.memory_space<vmem>>, %arg9: memref<10240x128xf32, #tpu.memory_space<vmem_shared>>, %arg10: memref<2x!tpu.dma_semaphore, #tpu.memory_space<semaphore_mem>>, %arg11: memref<4x!tpu.dma_semaphore, #tpu.memory_space<semaphore_mem>>) attributes {dimension_semantics = [#tpu.dimension_semantics<core_parallel>, #tpu.dimension_semantics<subcore_parallel>], iteration_bounds = array<i64: 2, 16>, scalar_prefetch = 0 : i64, scratch_operands = 6 : i64, tpu.core_type = #tpu.core_type<sc_vector_subcore>, window_params = [{transform_indices = #map}, {transform_indices = #map1}, {transform_indices = #map1}, {transform_indices = #map2}]} {
    %mul3A = arith.constant 16 : i32
    %mul3A_0 = arith.muli %arg0, %mul3A : i32
    %add3A = arith.addi %mul3A_0, %arg1 : i32
    %mul3A_1 = arith.constant 32 : i32
    %mul3A_2 = arith.muli %add3A, %mul3A_1 : i32
    "tpu.region"() ({
      %run_scoped3A = tpu.sem_alloc : memref<!tpu.dma_semaphore, #tpu.memory_space<semaphore_mem>>
      tpu.enqueue_dma source(%arg4 : memref<80x128xf32, #tpu.memory_space<hbm>>) target(%arg8 : memref<80x128xf32, #tpu.memory_space<vmem>>) target_semaphore(%run_scoped3A : memref<!tpu.dma_semaphore, #tpu.memory_space<semaphore_mem>>)
      tpu.wait_dma2 semaphore(%run_scoped3A : memref<!tpu.dma_semaphore, #tpu.memory_space<semaphore_mem>>) src(%arg4 : memref<80x128xf32, #tpu.memory_space<hbm>>) dst(%arg8 : memref<80x128xf32, #tpu.memory_space<vmem>>)
      tpu.yield
    }) : () -> ()
    %mul3A_3 = arith.constant 640 : i32
    %mul3A_4 = arith.muli %arg1, %mul3A_3 : i32
    "tpu.region"() ({
      %run_scoped3A = tpu.sem_alloc : memref<!tpu.dma_semaphore, #tpu.memory_space<semaphore_mem>>
      %dma_start3A_231 = arith.constant 0 : i32
      %dma_start3A_232 = tpu.memref_slice %arg9[%mul3A_4, %dma_start3A_231] : memref<10240x128xf32, #tpu.memory_space<vmem_shared>> -> memref<640x128xf32, #tpu.memory_space<vmem_shared>>
      tpu.enqueue_dma source(%arg3 : memref<640x128xf32, #tpu.memory_space<hbm>>) target(%dma_start3A_232 : memref<640x128xf32, #tpu.memory_space<vmem_shared>>) target_semaphore(%run_scoped3A : memref<!tpu.dma_semaphore, #tpu.memory_space<semaphore_mem>>)
      %dma_wait3A_233 = arith.constant 0 : i32
      %dma_wait3A_234 = tpu.memref_slice %arg9[%mul3A_4, %dma_wait3A_233] : memref<10240x128xf32, #tpu.memory_space<vmem_shared>> -> memref<640x128xf32, #tpu.memory_space<vmem_shared>>
      tpu.wait_dma2 semaphore(%run_scoped3A : memref<!tpu.dma_semaphore, #tpu.memory_space<semaphore_mem>>) src(%arg3 : memref<640x128xf32, #tpu.memory_space<hbm>>) dst(%dma_wait3A_234 : memref<640x128xf32, #tpu.memory_space<vmem_shared>>)
      tpu.yield
    }) : () -> ()
    %dma_start3A = arith.constant 0 : i32
    %dma_start3A_5 = arith.constant 0 : i32
    %dma_start3A_6 = arith.constant 0 : i32
    %dma_start3A_7 = arith.constant 0 : i32
    %dma_start3A_8 = tpu.memref_slice %arg2[%mul3A_2, %dma_start3A_5, %dma_start3A_6, %dma_start3A_7] : memref<1024x2x4x80xi32, #tpu.memory_space<hbm>> -> memref<1x2x4x80xi32, #tpu.memory_space<hbm>>
    %dma_start3A_9 = tpu.memref_squeeze %dma_start3A_8 : memref<1x2x4x80xi32, #tpu.memory_space<hbm>> -> memref<2x4x80xi32, #tpu.memory_space<hbm>>
    %dma_start3A_10 = tpu.memref_slice %arg10[%dma_start3A] : memref<2x!tpu.dma_semaphore, #tpu.memory_space<semaphore_mem>> -> memref<1x!tpu.dma_semaphore, #tpu.memory_space<semaphore_mem>>
    %dma_start3A_11 = tpu.memref_squeeze %dma_start3A_10 : memref<1x!tpu.dma_semaphore, #tpu.memory_space<semaphore_mem>> -> memref<!tpu.dma_semaphore, #tpu.memory_space<semaphore_mem>>
    %dma_start3A_12 = arith.constant 0 : i32
    %dma_start3A_13 = arith.constant 0 : i32
    %dma_start3A_14 = arith.constant 0 : i32
    %dma_start3A_15 = tpu.memref_slice %arg2[%mul3A_2, %dma_start3A_12, %dma_start3A_13, %dma_start3A_14] : memref<1024x2x4x80xi32, #tpu.memory_space<hbm>> -> memref<1x2x4x80xi32, #tpu.memory_space<hbm>>
    %dma_start3A_16 = tpu.memref_squeeze %dma_start3A_15 : memref<1x2x4x80xi32, #tpu.memory_space<hbm>> -> memref<2x4x80xi32, #tpu.memory_space<hbm>>
    tpu.enqueue_dma source(%dma_start3A_16 : memref<2x4x80xi32, #tpu.memory_space<hbm>>) target(%arg6 : memref<2x4x80xi32, #tpu.memory_space<vmem>>) target_semaphore(%dma_start3A_11 : memref<!tpu.dma_semaphore, #tpu.memory_space<semaphore_mem>>)
    %barrier3A = arith.constant 0 : index
    tpu.barrier barrier_id(%barrier3A)
    %dma_wait3A = arith.constant 0 : i32
    %dma_wait3A_17 = arith.constant 0 : i32
    %dma_wait3A_18 = arith.constant 0 : i32
    %dma_wait3A_19 = arith.constant 0 : i32
    %dma_wait3A_20 = arith.constant 0 : i32
    %dma_wait3A_21 = tpu.memref_slice %arg2[%dma_wait3A, %dma_wait3A_18, %dma_wait3A_19, %dma_wait3A_20] : memref<1024x2x4x80xi32, #tpu.memory_space<hbm>> -> memref<1x2x4x80xi32, #tpu.memory_space<hbm>>
    %dma_wait3A_22 = tpu.memref_squeeze %dma_wait3A_21 : memref<1x2x4x80xi32, #tpu.memory_space<hbm>> -> memref<2x4x80xi32, #tpu.memory_space<hbm>>
    %dma_wait3A_23 = tpu.memref_slice %arg10[%dma_wait3A_17] : memref<2x!tpu.dma_semaphore, #tpu.memory_space<semaphore_mem>> -> memref<1x!tpu.dma_semaphore, #tpu.memory_space<semaphore_mem>>
    %dma_wait3A_24 = tpu.memref_squeeze %dma_wait3A_23 : memref<1x!tpu.dma_semaphore, #tpu.memory_space<semaphore_mem>> -> memref<!tpu.dma_semaphore, #tpu.memory_space<semaphore_mem>>
    %dma_wait3A_25 = arith.constant 0 : i32
    %dma_wait3A_26 = arith.constant 0 : i32
    %dma_wait3A_27 = arith.constant 0 : i32
    %dma_wait3A_28 = tpu.memref_slice %arg2[%dma_wait3A, %dma_wait3A_25, %dma_wait3A_26, %dma_wait3A_27] : memref<1024x2x4x80xi32, #tpu.memory_space<hbm>> -> memref<1x2x4x80xi32, #tpu.memory_space<hbm>>
    %dma_wait3A_29 = tpu.memref_squeeze %dma_wait3A_28 : memref<1x2x4x80xi32, #tpu.memory_space<hbm>> -> memref<2x4x80xi32, #tpu.memory_space<hbm>>
    tpu.wait_dma2 semaphore(%dma_wait3A_24 : memref<!tpu.dma_semaphore, #tpu.memory_space<semaphore_mem>>) src(%dma_wait3A_29 : memref<2x4x80xi32, #tpu.memory_space<hbm>>) dst(%arg6 : memref<2x4x80xi32, #tpu.memory_space<vmem>>)
    %add3A_30 = arith.constant 0 : i32
    %add3A_31 = arith.addi %mul3A_2, %add3A_30 : i32
    %add3A_32 = arith.constant 1 : i32
    %add3A_33 = arith.addi %add3A_31, %add3A_32 : i32
    %dma_start3A_34 = arith.constant 1 : i32
    %dma_start3A_35 = arith.constant 0 : i32
    %dma_start3A_36 = arith.constant 0 : i32
    %dma_start3A_37 = arith.constant 0 : i32
    %dma_start3A_38 = tpu.memref_slice %arg2[%add3A_33, %dma_start3A_35, %dma_start3A_36, %dma_start3A_37] : memref<1024x2x4x80xi32, #tpu.memory_space<hbm>> -> memref<1x2x4x80xi32, #tpu.memory_space<hbm>>
    %dma_start3A_39 = tpu.memref_squeeze %dma_start3A_38 : memref<1x2x4x80xi32, #tpu.memory_space<hbm>> -> memref<2x4x80xi32, #tpu.memory_space<hbm>>
    %dma_start3A_40 = tpu.memref_slice %arg10[%dma_start3A_34] : memref<2x!tpu.dma_semaphore, #tpu.memory_space<semaphore_mem>> -> memref<1x!tpu.dma_semaphore, #tpu.memory_space<semaphore_mem>>
    %dma_start3A_41 = tpu.memref_squeeze %dma_start3A_40 : memref<1x!tpu.dma_semaphore, #tpu.memory_space<semaphore_mem>> -> memref<!tpu.dma_semaphore, #tpu.memory_space<semaphore_mem>>
    %dma_start3A_42 = arith.constant 0 : i32
    %dma_start3A_43 = arith.constant 0 : i32
    %dma_start3A_44 = arith.constant 0 : i32
    %dma_start3A_45 = tpu.memref_slice %arg2[%add3A_33, %dma_start3A_42, %dma_start3A_43, %dma_start3A_44] : memref<1024x2x4x80xi32, #tpu.memory_space<hbm>> -> memref<1x2x4x80xi32, #tpu.memory_space<hbm>>
    %dma_start3A_46 = tpu.memref_squeeze %dma_start3A_45 : memref<1x2x4x80xi32, #tpu.memory_space<hbm>> -> memref<2x4x80xi32, #tpu.memory_space<hbm>>
    tpu.enqueue_dma source(%dma_start3A_46 : memref<2x4x80xi32, #tpu.memory_space<hbm>>) target(%arg7 : memref<2x4x80xi32, #tpu.memory_space<vmem>>) target_semaphore(%dma_start3A_41 : memref<!tpu.dma_semaphore, #tpu.memory_space<semaphore_mem>>)
    %dma_start3A_47 = arith.constant 1 : i32
    %dma_start3A_48 = arith.constant 0 : i32
    %dma_start3A_49 = arith.constant 0 : i32
    %dma_start3A_50 = arith.constant 0 : i32
    %dma_start3A_51 = tpu.memref_slice %arg6[%dma_start3A_47, %dma_start3A_48, %dma_start3A_50] : memref<2x4x80xi32, #tpu.memory_space<vmem>> -> memref<1x1x80xi32, #tpu.memory_space<vmem>>
    %dma_start3A_52 = tpu.memref_squeeze %dma_start3A_51 : memref<1x1x80xi32, #tpu.memory_space<vmem>> -> memref<80xi32, #tpu.memory_space<vmem>>
    %dma_start3A_53 = arith.constant 0 : i32
    %dma_start3A_54 = arith.constant 0 : i32
    %dma_start3A_55 = tpu.memref_slice %arg9[%dma_start3A_53, %dma_start3A_54] : memref<10240x128xf32, #tpu.memory_space<vmem_shared>> -> memref<10240x128xf32, #tpu.memory_space<vmem_shared>>
    %dma_start3A_56 = tpu.memref_slice %arg11[%dma_start3A_49] : memref<4x!tpu.dma_semaphore, #tpu.memory_space<semaphore_mem>> -> memref<1x!tpu.dma_semaphore, #tpu.memory_space<semaphore_mem>>
    %dma_start3A_57 = tpu.memref_squeeze %dma_start3A_56 : memref<1x!tpu.dma_semaphore, #tpu.memory_space<semaphore_mem>> -> memref<!tpu.dma_semaphore, #tpu.memory_space<semaphore_mem>>
    tpu.enqueue_indirect_dma source(%arg8 : memref<80x128xf32, #tpu.memory_space<vmem>>) target(%dma_start3A_55 : memref<10240x128xf32, #tpu.memory_space<vmem_shared>>) offsets(%dma_start3A_52 : memref<80xi32, #tpu.memory_space<vmem>>) semaphore(%dma_start3A_57 : memref<!tpu.dma_semaphore, #tpu.memory_space<semaphore_mem>>) {add = true}
    %dma_start3A_58 = arith.constant 1 : i32
    %dma_start3A_59 = arith.constant 1 : i32
    %dma_start3A_60 = arith.constant 1 : i32
    %dma_start3A_61 = arith.constant 0 : i32
    %dma_start3A_62 = tpu.memref_slice %arg6[%dma_start3A_58, %dma_start3A_59, %dma_start3A_61] : memref<2x4x80xi32, #tpu.memory_space<vmem>> -> memref<1x1x80xi32, #tpu.memory_space<vmem>>
    %dma_start3A_63 = tpu.memref_squeeze %dma_start3A_62 : memref<1x1x80xi32, #tpu.memory_space<vmem>> -> memref<80xi32, #tpu.memory_space<vmem>>
    %dma_start3A_64 = arith.constant 0 : i32
    %dma_start3A_65 = arith.constant 0 : i32
    %dma_start3A_66 = tpu.memref_slice %arg9[%dma_start3A_64, %dma_start3A_65] : memref<10240x128xf32, #tpu.memory_space<vmem_shared>> -> memref<10240x128xf32, #tpu.memory_space<vmem_shared>>
    %dma_start3A_67 = tpu.memref_slice %arg11[%dma_start3A_60] : memref<4x!tpu.dma_semaphore, #tpu.memory_space<semaphore_mem>> -> memref<1x!tpu.dma_semaphore, #tpu.memory_space<semaphore_mem>>
    %dma_start3A_68 = tpu.memref_squeeze %dma_start3A_67 : memref<1x!tpu.dma_semaphore, #tpu.memory_space<semaphore_mem>> -> memref<!tpu.dma_semaphore, #tpu.memory_space<semaphore_mem>>
    tpu.enqueue_indirect_dma source(%arg8 : memref<80x128xf32, #tpu.memory_space<vmem>>) target(%dma_start3A_66 : memref<10240x128xf32, #tpu.memory_space<vmem_shared>>) offsets(%dma_start3A_63 : memref<80xi32, #tpu.memory_space<vmem>>) semaphore(%dma_start3A_68 : memref<!tpu.dma_semaphore, #tpu.memory_space<semaphore_mem>>) {add = true}
    %dma_start3A_69 = arith.constant 1 : i32
    %dma_start3A_70 = arith.constant 2 : i32
    %dma_start3A_71 = arith.constant 2 : i32
    %dma_start3A_72 = arith.constant 0 : i32
    %dma_start3A_73 = tpu.memref_slice %arg6[%dma_start3A_69, %dma_start3A_70, %dma_start3A_72] : memref<2x4x80xi32, #tpu.memory_space<vmem>> -> memref<1x1x80xi32, #tpu.memory_space<vmem>>
    %dma_start3A_74 = tpu.memref_squeeze %dma_start3A_73 : memref<1x1x80xi32, #tpu.memory_space<vmem>> -> memref<80xi32, #tpu.memory_space<vmem>>
    %dma_start3A_75 = arith.constant 0 : i32
    %dma_start3A_76 = arith.constant 0 : i32
    %dma_start3A_77 = tpu.memref_slice %arg9[%dma_start3A_75, %dma_start3A_76] : memref<10240x128xf32, #tpu.memory_space<vmem_shared>> -> memref<10240x128xf32, #tpu.memory_space<vmem_shared>>
    %dma_start3A_78 = tpu.memref_slice %arg11[%dma_start3A_71] : memref<4x!tpu.dma_semaphore, #tpu.memory_space<semaphore_mem>> -> memref<1x!tpu.dma_semaphore, #tpu.memory_space<semaphore_mem>>
    %dma_start3A_79 = tpu.memref_squeeze %dma_start3A_78 : memref<1x!tpu.dma_semaphore, #tpu.memory_space<semaphore_mem>> -> memref<!tpu.dma_semaphore, #tpu.memory_space<semaphore_mem>>
    tpu.enqueue_indirect_dma source(%arg8 : memref<80x128xf32, #tpu.memory_space<vmem>>) target(%dma_start3A_77 : memref<10240x128xf32, #tpu.memory_space<vmem_shared>>) offsets(%dma_start3A_74 : memref<80xi32, #tpu.memory_space<vmem>>) semaphore(%dma_start3A_79 : memref<!tpu.dma_semaphore, #tpu.memory_space<semaphore_mem>>) {add = true}
    %dma_start3A_80 = arith.constant 1 : i32
    %dma_start3A_81 = arith.constant 3 : i32
    %dma_start3A_82 = arith.constant 3 : i32
    %dma_start3A_83 = arith.constant 0 : i32
    %dma_start3A_84 = tpu.memref_slice %arg6[%dma_start3A_80, %dma_start3A_81, %dma_start3A_83] : memref<2x4x80xi32, #tpu.memory_space<vmem>> -> memref<1x1x80xi32, #tpu.memory_space<vmem>>
    %dma_start3A_85 = tpu.memref_squeeze %dma_start3A_84 : memref<1x1x80xi32, #tpu.memory_space<vmem>> -> memref<80xi32, #tpu.memory_space<vmem>>
    %dma_start3A_86 = arith.constant 0 : i32
    %dma_start3A_87 = arith.constant 0 : i32
    %dma_start3A_88 = tpu.memref_slice %arg9[%dma_start3A_86, %dma_start3A_87] : memref<10240x128xf32, #tpu.memory_space<vmem_shared>> -> memref<10240x128xf32, #tpu.memory_space<vmem_shared>>
    %dma_start3A_89 = tpu.memref_slice %arg11[%dma_start3A_82] : memref<4x!tpu.dma_semaphore, #tpu.memory_space<semaphore_mem>> -> memref<1x!tpu.dma_semaphore, #tpu.memory_space<semaphore_mem>>
    %dma_start3A_90 = tpu.memref_squeeze %dma_start3A_89 : memref<1x!tpu.dma_semaphore, #tpu.memory_space<semaphore_mem>> -> memref<!tpu.dma_semaphore, #tpu.memory_space<semaphore_mem>>
    tpu.enqueue_indirect_dma source(%arg8 : memref<80x128xf32, #tpu.memory_space<vmem>>) target(%dma_start3A_88 : memref<10240x128xf32, #tpu.memory_space<vmem_shared>>) offsets(%dma_start3A_85 : memref<80xi32, #tpu.memory_space<vmem>>) semaphore(%dma_start3A_90 : memref<!tpu.dma_semaphore, #tpu.memory_space<semaphore_mem>>) {add = true}
    %scan3A = arith.constant 0 : i32
    %scan3A_91 = arith.constant 0 : i32
    %scan3A_92 = arith.constant 15 : i32
    %scan3A_93 = arith.addi %scan3A_91, %scan3A_92 : i32
    %scan3A_94 = arith.constant 1 : i32
    scf.for %scan3A_231 = %scan3A_91 to %scan3A_93 step %scan3A_94  : i32 {
      %mul3A_232 = arith.constant 2 : i32
      %mul3A_233 = arith.muli %mul3A_232, %scan3A_231 : i32
      %add3A_234 = arith.constant 1 : i32
      %add3A_235 = arith.addi %mul3A_233, %add3A_234 : i32
      %jit3A = arith.constant 2 : i32
      %eq3A = arith.constant 0 : i32
      %eq3A_236 = arith.cmpi eq, %jit3A, %eq3A : i32
      %jit3A_237 = arith.constant 1 : i32
      %select_n3A = arith.select %eq3A_236, %jit3A_237, %jit3A : i32
      %rem3A = arith.remsi %add3A_235, %select_n3A : i32
      %ne3A = arith.constant 0 : i32
      %ne3A_238 = arith.cmpi ne, %rem3A, %ne3A : i32
      %lt3A = arith.constant 0 : i32
      %lt3A_239 = arith.cmpi slt, %rem3A, %lt3A : i32
      %lt3A_240 = arith.constant 0 : i32
      %lt3A_241 = arith.cmpi slt, %select_n3A, %lt3A_240 : i32
      %ne3A_242 = arith.xori %lt3A_239, %lt3A_241 : i1
      %and3A = arith.andi %ne3A_242, %ne3A_238 : i1
      %add3A_243 = arith.addi %rem3A, %select_n3A : i32
      %select_n3A_244 = arith.select %and3A, %add3A_243, %rem3A : i32
      %dma_wait3A_245 = arith.constant 0 : i32
      %dma_wait3A_246 = arith.constant 0 : i32
      %dma_wait3A_247 = arith.constant 0 : i32
      %dma_wait3A_248 = arith.constant 0 : i32
      %dma_wait3A_249 = tpu.memref_slice %arg2[%dma_wait3A_245, %dma_wait3A_246, %dma_wait3A_247, %dma_wait3A_248] : memref<1024x2x4x80xi32, #tpu.memory_space<hbm>> -> memref<1x2x4x80xi32, #tpu.memory_space<hbm>>
      %dma_wait3A_250 = tpu.memref_squeeze %dma_wait3A_249 : memref<1x2x4x80xi32, #tpu.memory_space<hbm>> -> memref<2x4x80xi32, #tpu.memory_space<hbm>>
      %dma_wait3A_251 = tpu.memref_slice %arg10[%select_n3A_244] : memref<2x!tpu.dma_semaphore, #tpu.memory_space<semaphore_mem>> -> memref<1x!tpu.dma_semaphore, #tpu.memory_space<semaphore_mem>>
      %dma_wait3A_252 = tpu.memref_squeeze %dma_wait3A_251 : memref<1x!tpu.dma_semaphore, #tpu.memory_space<semaphore_mem>> -> memref<!tpu.dma_semaphore, #tpu.memory_space<semaphore_mem>>
      %dma_wait3A_253 = arith.constant 0 : i32
      %dma_wait3A_254 = arith.constant 0 : i32
      %dma_wait3A_255 = arith.constant 0 : i32
      %dma_wait3A_256 = tpu.memref_slice %arg2[%dma_wait3A_245, %dma_wait3A_253, %dma_wait3A_254, %dma_wait3A_255] : memref<1024x2x4x80xi32, #tpu.memory_space<hbm>> -> memref<1x2x4x80xi32, #tpu.memory_space<hbm>>
      %dma_wait3A_257 = tpu.memref_squeeze %dma_wait3A_256 : memref<1x2x4x80xi32, #tpu.memory_space<hbm>> -> memref<2x4x80xi32, #tpu.memory_space<hbm>>
      tpu.wait_dma2 semaphore(%dma_wait3A_252 : memref<!tpu.dma_semaphore, #tpu.memory_space<semaphore_mem>>) src(%dma_wait3A_257 : memref<2x4x80xi32, #tpu.memory_space<hbm>>) dst(%arg7 : memref<2x4x80xi32, #tpu.memory_space<vmem>>)
      %dma_wait3A_258 = arith.constant 0 : i32
      %dma_wait3A_259 = arith.constant 0 : i32
      %dma_wait3A_260 = arith.constant 0 : i32
      %dma_wait3A_261 = tpu.memref_slice %arg9[%dma_wait3A_259, %dma_wait3A_260] : memref<10240x128xf32, #tpu.memory_space<vmem_shared>> -> memref<80x128xf32, #tpu.memory_space<vmem_shared>>
      %dma_wait3A_262 = tpu.memref_slice %arg11[%dma_wait3A_258] : memref<4x!tpu.dma_semaphore, #tpu.memory_space<semaphore_mem>> -> memref<1x!tpu.dma_semaphore, #tpu.memory_space<semaphore_mem>>
      %dma_wait3A_263 = tpu.memref_squeeze %dma_wait3A_262 : memref<1x!tpu.dma_semaphore, #tpu.memory_space<semaphore_mem>> -> memref<!tpu.dma_semaphore, #tpu.memory_space<semaphore_mem>>
      %dma_wait3A_264 = arith.constant 0 : i32
      %dma_wait3A_265 = arith.constant 0 : i32
      %dma_wait3A_266 = tpu.memref_slice %arg9[%dma_wait3A_264, %dma_wait3A_265] : memref<10240x128xf32, #tpu.memory_space<vmem_shared>> -> memref<80x128xf32, #tpu.memory_space<vmem_shared>>
      tpu.wait_dma2 semaphore(%dma_wait3A_263 : memref<!tpu.dma_semaphore, #tpu.memory_space<semaphore_mem>>) src(%arg8 : memref<80x128xf32, #tpu.memory_space<vmem>>) dst(%dma_wait3A_266 : memref<80x128xf32, #tpu.memory_space<vmem_shared>>)
      %dma_wait3A_267 = arith.constant 1 : i32
      %dma_wait3A_268 = arith.constant 0 : i32
      %dma_wait3A_269 = arith.constant 0 : i32
      %dma_wait3A_270 = tpu.memref_slice %arg9[%dma_wait3A_268, %dma_wait3A_269] : memref<10240x128xf32, #tpu.memory_space<vmem_shared>> -> memref<80x128xf32, #tpu.memory_space<vmem_shared>>
      %dma_wait3A_271 = tpu.memref_slice %arg11[%dma_wait3A_267] : memref<4x!tpu.dma_semaphore, #tpu.memory_space<semaphore_mem>> -> memref<1x!tpu.dma_semaphore, #tpu.memory_space<semaphore_mem>>
      %dma_wait3A_272 = tpu.memref_squeeze %dma_wait3A_271 : memref<1x!tpu.dma_semaphore, #tpu.memory_space<semaphore_mem>> -> memref<!tpu.dma_semaphore, #tpu.memory_space<semaphore_mem>>
      %dma_wait3A_273 = arith.constant 0 : i32
      %dma_wait3A_274 = arith.constant 0 : i32
      %dma_wait3A_275 = tpu.memref_slice %arg9[%dma_wait3A_273, %dma_wait3A_274] : memref<10240x128xf32, #tpu.memory_space<vmem_shared>> -> memref<80x128xf32, #tpu.memory_space<vmem_shared>>
      tpu.wait_dma2 semaphore(%dma_wait3A_272 : memref<!tpu.dma_semaphore, #tpu.memory_space<semaphore_mem>>) src(%arg8 : memref<80x128xf32, #tpu.memory_space<vmem>>) dst(%dma_wait3A_275 : memref<80x128xf32, #tpu.memory_space<vmem_shared>>)
      %dma_wait3A_276 = arith.constant 2 : i32
      %dma_wait3A_277 = arith.constant 0 : i32
      %dma_wait3A_278 = arith.constant 0 : i32
      %dma_wait3A_279 = tpu.memref_slice %arg9[%dma_wait3A_277, %dma_wait3A_278] : memref<10240x128xf32, #tpu.memory_space<vmem_shared>> -> memref<80x128xf32, #tpu.memory_space<vmem_shared>>
      %dma_wait3A_280 = tpu.memref_slice %arg11[%dma_wait3A_276] : memref<4x!tpu.dma_semaphore, #tpu.memory_space<semaphore_mem>> -> memref<1x!tpu.dma_semaphore, #tpu.memory_space<semaphore_mem>>
      %dma_wait3A_281 = tpu.memref_squeeze %dma_wait3A_280 : memref<1x!tpu.dma_semaphore, #tpu.memory_space<semaphore_mem>> -> memref<!tpu.dma_semaphore, #tpu.memory_space<semaphore_mem>>
      %dma_wait3A_282 = arith.constant 0 : i32
      %dma_wait3A_283 = arith.constant 0 : i32
      %dma_wait3A_284 = tpu.memref_slice %arg9[%dma_wait3A_282, %dma_wait3A_283] : memref<10240x128xf32, #tpu.memory_space<vmem_shared>> -> memref<80x128xf32, #tpu.memory_space<vmem_shared>>
      tpu.wait_dma2 semaphore(%dma_wait3A_281 : memref<!tpu.dma_semaphore, #tpu.memory_space<semaphore_mem>>) src(%arg8 : memref<80x128xf32, #tpu.memory_space<vmem>>) dst(%dma_wait3A_284 : memref<80x128xf32, #tpu.memory_space<vmem_shared>>)
      %dma_wait3A_285 = arith.constant 3 : i32
      %dma_wait3A_286 = arith.constant 0 : i32
      %dma_wait3A_287 = arith.constant 0 : i32
      %dma_wait3A_288 = tpu.memref_slice %arg9[%dma_wait3A_286, %dma_wait3A_287] : memref<10240x128xf32, #tpu.memory_space<vmem_shared>> -> memref<80x128xf32, #tpu.memory_space<vmem_shared>>
      %dma_wait3A_289 = tpu.memref_slice %arg11[%dma_wait3A_285] : memref<4x!tpu.dma_semaphore, #tpu.memory_space<semaphore_mem>> -> memref<1x!tpu.dma_semaphore, #tpu.memory_space<semaphore_mem>>
      %dma_wait3A_290 = tpu.memref_squeeze %dma_wait3A_289 : memref<1x!tpu.dma_semaphore, #tpu.memory_space<semaphore_mem>> -> memref<!tpu.dma_semaphore, #tpu.memory_space<semaphore_mem>>
      %dma_wait3A_291 = arith.constant 0 : i32
      %dma_wait3A_292 = arith.constant 0 : i32
      %dma_wait3A_293 = tpu.memref_slice %arg9[%dma_wait3A_291, %dma_wait3A_292] : memref<10240x128xf32, #tpu.memory_space<vmem_shared>> -> memref<80x128xf32, #tpu.memory_space<vmem_shared>>
      tpu.wait_dma2 semaphore(%dma_wait3A_290 : memref<!tpu.dma_semaphore, #tpu.memory_space<semaphore_mem>>) src(%arg8 : memref<80x128xf32, #tpu.memory_space<vmem>>) dst(%dma_wait3A_293 : memref<80x128xf32, #tpu.memory_space<vmem_shared>>)
      %add3A_294 = arith.addi %mul3A_2, %add3A_235 : i32
      %add3A_295 = arith.constant 1 : i32
      %add3A_296 = arith.addi %add3A_294, %add3A_295 : i32
      %sub3A = arith.constant 1 : i32
      %sub3A_297 = arith.subi %sub3A, %select_n3A_244 : i32
      %dma_start3A_298 = arith.constant 0 : i32
      %dma_start3A_299 = arith.constant 0 : i32
      %dma_start3A_300 = arith.constant 0 : i32
      %dma_start3A_301 = tpu.memref_slice %arg2[%add3A_296, %dma_start3A_298, %dma_start3A_299, %dma_start3A_300] : memref<1024x2x4x80xi32, #tpu.memory_space<hbm>> -> memref<1x2x4x80xi32, #tpu.memory_space<hbm>>
      %dma_start3A_302 = tpu.memref_squeeze %dma_start3A_301 : memref<1x2x4x80xi32, #tpu.memory_space<hbm>> -> memref<2x4x80xi32, #tpu.memory_space<hbm>>
      %dma_start3A_303 = tpu.memref_slice %arg10[%sub3A_297] : memref<2x!tpu.dma_semaphore, #tpu.memory_space<semaphore_mem>> -> memref<1x!tpu.dma_semaphore, #tpu.memory_space<semaphore_mem>>
      %dma_start3A_304 = tpu.memref_squeeze %dma_start3A_303 : memref<1x!tpu.dma_semaphore, #tpu.memory_space<semaphore_mem>> -> memref<!tpu.dma_semaphore, #tpu.memory_space<semaphore_mem>>
      %dma_start3A_305 = arith.constant 0 : i32
      %dma_start3A_306 = arith.constant 0 : i32
      %dma_start3A_307 = arith.constant 0 : i32
      %dma_start3A_308 = tpu.memref_slice %arg2[%add3A_296, %dma_start3A_305, %dma_start3A_306, %dma_start3A_307] : memref<1024x2x4x80xi32, #tpu.memory_space<hbm>> -> memref<1x2x4x80xi32, #tpu.memory_space<hbm>>
      %dma_start3A_309 = tpu.memref_squeeze %dma_start3A_308 : memref<1x2x4x80xi32, #tpu.memory_space<hbm>> -> memref<2x4x80xi32, #tpu.memory_space<hbm>>
      tpu.enqueue_dma source(%dma_start3A_309 : memref<2x4x80xi32, #tpu.memory_space<hbm>>) target(%arg6 : memref<2x4x80xi32, #tpu.memory_space<vmem>>) target_semaphore(%dma_start3A_304 : memref<!tpu.dma_semaphore, #tpu.memory_space<semaphore_mem>>)
      %dma_start3A_310 = arith.constant 1 : i32
      %dma_start3A_311 = arith.constant 0 : i32
      %dma_start3A_312 = arith.constant 0 : i32
      %dma_start3A_313 = arith.constant 0 : i32
      %dma_start3A_314 = tpu.memref_slice %arg7[%dma_start3A_310, %dma_start3A_311, %dma_start3A_313] : memref<2x4x80xi32, #tpu.memory_space<vmem>> -> memref<1x1x80xi32, #tpu.memory_space<vmem>>
      %dma_start3A_315 = tpu.memref_squeeze %dma_start3A_314 : memref<1x1x80xi32, #tpu.memory_space<vmem>> -> memref<80xi32, #tpu.memory_space<vmem>>
      %dma_start3A_316 = arith.constant 0 : i32
      %dma_start3A_317 = arith.constant 0 : i32
      %dma_start3A_318 = tpu.memref_slice %arg9[%dma_start3A_316, %dma_start3A_317] : memref<10240x128xf32, #tpu.memory_space<vmem_shared>> -> memref<10240x128xf32, #tpu.memory_space<vmem_shared>>
      %dma_start3A_319 = tpu.memref_slice %arg11[%dma_start3A_312] : memref<4x!tpu.dma_semaphore, #tpu.memory_space<semaphore_mem>> -> memref<1x!tpu.dma_semaphore, #tpu.memory_space<semaphore_mem>>
      %dma_start3A_320 = tpu.memref_squeeze %dma_start3A_319 : memref<1x!tpu.dma_semaphore, #tpu.memory_space<semaphore_mem>> -> memref<!tpu.dma_semaphore, #tpu.memory_space<semaphore_mem>>
      tpu.enqueue_indirect_dma source(%arg8 : memref<80x128xf32, #tpu.memory_space<vmem>>) target(%dma_start3A_318 : memref<10240x128xf32, #tpu.memory_space<vmem_shared>>) offsets(%dma_start3A_315 : memref<80xi32, #tpu.memory_space<vmem>>) semaphore(%dma_start3A_320 : memref<!tpu.dma_semaphore, #tpu.memory_space<semaphore_mem>>) {add = true}
      %dma_start3A_321 = arith.constant 1 : i32
      %dma_start3A_322 = arith.constant 1 : i32
      %dma_start3A_323 = arith.constant 1 : i32
      %dma_start3A_324 = arith.constant 0 : i32
      %dma_start3A_325 = tpu.memref_slice %arg7[%dma_start3A_321, %dma_start3A_322, %dma_start3A_324] : memref<2x4x80xi32, #tpu.memory_space<vmem>> -> memref<1x1x80xi32, #tpu.memory_space<vmem>>
      %dma_start3A_326 = tpu.memref_squeeze %dma_start3A_325 : memref<1x1x80xi32, #tpu.memory_space<vmem>> -> memref<80xi32, #tpu.memory_space<vmem>>
      %dma_start3A_327 = arith.constant 0 : i32
      %dma_start3A_328 = arith.constant 0 : i32
      %dma_start3A_329 = tpu.memref_slice %arg9[%dma_start3A_327, %dma_start3A_328] : memref<10240x128xf32, #tpu.memory_space<vmem_shared>> -> memref<10240x128xf32, #tpu.memory_space<vmem_shared>>
      %dma_start3A_330 = tpu.memref_slice %arg11[%dma_start3A_323] : memref<4x!tpu.dma_semaphore, #tpu.memory_space<semaphore_mem>> -> memref<1x!tpu.dma_semaphore, #tpu.memory_space<semaphore_mem>>
      %dma_start3A_331 = tpu.memref_squeeze %dma_start3A_330 : memref<1x!tpu.dma_semaphore, #tpu.memory_space<semaphore_mem>> -> memref<!tpu.dma_semaphore, #tpu.memory_space<semaphore_mem>>
      tpu.enqueue_indirect_dma source(%arg8 : memref<80x128xf32, #tpu.memory_space<vmem>>) target(%dma_start3A_329 : memref<10240x128xf32, #tpu.memory_space<vmem_shared>>) offsets(%dma_start3A_326 : memref<80xi32, #tpu.memory_space<vmem>>) semaphore(%dma_start3A_331 : memref<!tpu.dma_semaphore, #tpu.memory_space<semaphore_mem>>) {add = true}
      %dma_start3A_332 = arith.constant 1 : i32
      %dma_start3A_333 = arith.constant 2 : i32
      %dma_start3A_334 = arith.constant 2 : i32
      %dma_start3A_335 = arith.constant 0 : i32
      %dma_start3A_336 = tpu.memref_slice %arg7[%dma_start3A_332, %dma_start3A_333, %dma_start3A_335] : memref<2x4x80xi32, #tpu.memory_space<vmem>> -> memref<1x1x80xi32, #tpu.memory_space<vmem>>
      %dma_start3A_337 = tpu.memref_squeeze %dma_start3A_336 : memref<1x1x80xi32, #tpu.memory_space<vmem>> -> memref<80xi32, #tpu.memory_space<vmem>>
      %dma_start3A_338 = arith.constant 0 : i32
      %dma_start3A_339 = arith.constant 0 : i32
      %dma_start3A_340 = tpu.memref_slice %arg9[%dma_start3A_338, %dma_start3A_339] : memref<10240x128xf32, #tpu.memory_space<vmem_shared>> -> memref<10240x128xf32, #tpu.memory_space<vmem_shared>>
      %dma_start3A_341 = tpu.memref_slice %arg11[%dma_start3A_334] : memref<4x!tpu.dma_semaphore, #tpu.memory_space<semaphore_mem>> -> memref<1x!tpu.dma_semaphore, #tpu.memory_space<semaphore_mem>>
      %dma_start3A_342 = tpu.memref_squeeze %dma_start3A_341 : memref<1x!tpu.dma_semaphore, #tpu.memory_space<semaphore_mem>> -> memref<!tpu.dma_semaphore, #tpu.memory_space<semaphore_mem>>
      tpu.enqueue_indirect_dma source(%arg8 : memref<80x128xf32, #tpu.memory_space<vmem>>) target(%dma_start3A_340 : memref<10240x128xf32, #tpu.memory_space<vmem_shared>>) offsets(%dma_start3A_337 : memref<80xi32, #tpu.memory_space<vmem>>) semaphore(%dma_start3A_342 : memref<!tpu.dma_semaphore, #tpu.memory_space<semaphore_mem>>) {add = true}
      %dma_start3A_343 = arith.constant 1 : i32
      %dma_start3A_344 = arith.constant 3 : i32
      %dma_start3A_345 = arith.constant 3 : i32
      %dma_start3A_346 = arith.constant 0 : i32
      %dma_start3A_347 = tpu.memref_slice %arg7[%dma_start3A_343, %dma_start3A_344, %dma_start3A_346] : memref<2x4x80xi32, #tpu.memory_space<vmem>> -> memref<1x1x80xi32, #tpu.memory_space<vmem>>
      %dma_start3A_348 = tpu.memref_squeeze %dma_start3A_347 : memref<1x1x80xi32, #tpu.memory_space<vmem>> -> memref<80xi32, #tpu.memory_space<vmem>>
      %dma_start3A_349 = arith.constant 0 : i32
      %dma_start3A_350 = arith.constant 0 : i32
      %dma_start3A_351 = tpu.memref_slice %arg9[%dma_start3A_349, %dma_start3A_350] : memref<10240x128xf32, #tpu.memory_space<vmem_shared>> -> memref<10240x128xf32, #tpu.memory_space<vmem_shared>>
      %dma_start3A_352 = tpu.memref_slice %arg11[%dma_start3A_345] : memref<4x!tpu.dma_semaphore, #tpu.memory_space<semaphore_mem>> -> memref<1x!tpu.dma_semaphore, #tpu.memory_space<semaphore_mem>>
      %dma_start3A_353 = tpu.memref_squeeze %dma_start3A_352 : memref<1x!tpu.dma_semaphore, #tpu.memory_space<semaphore_mem>> -> memref<!tpu.dma_semaphore, #tpu.memory_space<semaphore_mem>>
      tpu.enqueue_indirect_dma source(%arg8 : memref<80x128xf32, #tpu.memory_space<vmem>>) target(%dma_start3A_351 : memref<10240x128xf32, #tpu.memory_space<vmem_shared>>) offsets(%dma_start3A_348 : memref<80xi32, #tpu.memory_space<vmem>>) semaphore(%dma_start3A_353 : memref<!tpu.dma_semaphore, #tpu.memory_space<semaphore_mem>>) {add = true}
      %add3A_354 = arith.constant 1 : i32
      %add3A_355 = arith.addi %add3A_235, %add3A_354 : i32
      %jit3A_356 = arith.constant 2 : i32
      %eq3A_357 = arith.constant 0 : i32
      %eq3A_358 = arith.cmpi eq, %jit3A_356, %eq3A_357 : i32
      %jit3A_359 = arith.constant 1 : i32
      %select_n3A_360 = arith.select %eq3A_358, %jit3A_359, %jit3A_356 : i32
      %rem3A_361 = arith.remsi %add3A_355, %select_n3A_360 : i32
      %ne3A_362 = arith.constant 0 : i32
      %ne3A_363 = arith.cmpi ne, %rem3A_361, %ne3A_362 : i32
      %lt3A_364 = arith.constant 0 : i32
      %lt3A_365 = arith.cmpi slt, %rem3A_361, %lt3A_364 : i32
      %lt3A_366 = arith.constant 0 : i32
      %lt3A_367 = arith.cmpi slt, %select_n3A_360, %lt3A_366 : i32
      %ne3A_368 = arith.xori %lt3A_365, %lt3A_367 : i1
      %and3A_369 = arith.andi %ne3A_368, %ne3A_363 : i1
      %add3A_370 = arith.addi %rem3A_361, %select_n3A_360 : i32
      %select_n3A_371 = arith.select %and3A_369, %add3A_370, %rem3A_361 : i32
      %dma_wait3A_372 = arith.constant 0 : i32
      %dma_wait3A_373 = arith.constant 0 : i32
      %dma_wait3A_374 = arith.constant 0 : i32
      %dma_wait3A_375 = arith.constant 0 : i32
      %dma_wait3A_376 = tpu.memref_slice %arg2[%dma_wait3A_372, %dma_wait3A_373, %dma_wait3A_374, %dma_wait3A_375] : memref<1024x2x4x80xi32, #tpu.memory_space<hbm>> -> memref<1x2x4x80xi32, #tpu.memory_space<hbm>>
      %dma_wait3A_377 = tpu.memref_squeeze %dma_wait3A_376 : memref<1x2x4x80xi32, #tpu.memory_space<hbm>> -> memref<2x4x80xi32, #tpu.memory_space<hbm>>
      %dma_wait3A_378 = tpu.memref_slice %arg10[%select_n3A_371] : memref<2x!tpu.dma_semaphore, #tpu.memory_space<semaphore_mem>> -> memref<1x!tpu.dma_semaphore, #tpu.memory_space<semaphore_mem>>
      %dma_wait3A_379 = tpu.memref_squeeze %dma_wait3A_378 : memref<1x!tpu.dma_semaphore, #tpu.memory_space<semaphore_mem>> -> memref<!tpu.dma_semaphore, #tpu.memory_space<semaphore_mem>>
      %dma_wait3A_380 = arith.constant 0 : i32
      %dma_wait3A_381 = arith.constant 0 : i32
      %dma_wait3A_382 = arith.constant 0 : i32
      %dma_wait3A_383 = tpu.memref_slice %arg2[%dma_wait3A_372, %dma_wait3A_380, %dma_wait3A_381, %dma_wait3A_382] : memref<1024x2x4x80xi32, #tpu.memory_space<hbm>> -> memref<1x2x4x80xi32, #tpu.memory_space<hbm>>
      %dma_wait3A_384 = tpu.memref_squeeze %dma_wait3A_383 : memref<1x2x4x80xi32, #tpu.memory_space<hbm>> -> memref<2x4x80xi32, #tpu.memory_space<hbm>>
      tpu.wait_dma2 semaphore(%dma_wait3A_379 : memref<!tpu.dma_semaphore, #tpu.memory_space<semaphore_mem>>) src(%dma_wait3A_384 : memref<2x4x80xi32, #tpu.memory_space<hbm>>) dst(%arg6 : memref<2x4x80xi32, #tpu.memory_space<vmem>>)
      %dma_wait3A_385 = arith.constant 0 : i32
      %dma_wait3A_386 = arith.constant 0 : i32
      %dma_wait3A_387 = arith.constant 0 : i32
      %dma_wait3A_388 = tpu.memref_slice %arg9[%dma_wait3A_386, %dma_wait3A_387] : memref<10240x128xf32, #tpu.memory_space<vmem_shared>> -> memref<80x128xf32, #tpu.memory_space<vmem_shared>>
      %dma_wait3A_389 = tpu.memref_slice %arg11[%dma_wait3A_385] : memref<4x!tpu.dma_semaphore, #tpu.memory_space<semaphore_mem>> -> memref<1x!tpu.dma_semaphore, #tpu.memory_space<semaphore_mem>>
      %dma_wait3A_390 = tpu.memref_squeeze %dma_wait3A_389 : memref<1x!tpu.dma_semaphore, #tpu.memory_space<semaphore_mem>> -> memref<!tpu.dma_semaphore, #tpu.memory_space<semaphore_mem>>
      %dma_wait3A_391 = arith.constant 0 : i32
      %dma_wait3A_392 = arith.constant 0 : i32
      %dma_wait3A_393 = tpu.memref_slice %arg9[%dma_wait3A_391, %dma_wait3A_392] : memref<10240x128xf32, #tpu.memory_space<vmem_shared>> -> memref<80x128xf32, #tpu.memory_space<vmem_shared>>
      tpu.wait_dma2 semaphore(%dma_wait3A_390 : memref<!tpu.dma_semaphore, #tpu.memory_space<semaphore_mem>>) src(%arg8 : memref<80x128xf32, #tpu.memory_space<vmem>>) dst(%dma_wait3A_393 : memref<80x128xf32, #tpu.memory_space<vmem_shared>>)
      %dma_wait3A_394 = arith.constant 1 : i32
      %dma_wait3A_395 = arith.constant 0 : i32
      %dma_wait3A_396 = arith.constant 0 : i32
      %dma_wait3A_397 = tpu.memref_slice %arg9[%dma_wait3A_395, %dma_wait3A_396] : memref<10240x128xf32, #tpu.memory_space<vmem_shared>> -> memref<80x128xf32, #tpu.memory_space<vmem_shared>>
      %dma_wait3A_398 = tpu.memref_slice %arg11[%dma_wait3A_394] : memref<4x!tpu.dma_semaphore, #tpu.memory_space<semaphore_mem>> -> memref<1x!tpu.dma_semaphore, #tpu.memory_space<semaphore_mem>>
      %dma_wait3A_399 = tpu.memref_squeeze %dma_wait3A_398 : memref<1x!tpu.dma_semaphore, #tpu.memory_space<semaphore_mem>> -> memref<!tpu.dma_semaphore, #tpu.memory_space<semaphore_mem>>
      %dma_wait3A_400 = arith.constant 0 : i32
      %dma_wait3A_401 = arith.constant 0 : i32
      %dma_wait3A_402 = tpu.memref_slice %arg9[%dma_wait3A_400, %dma_wait3A_401] : memref<10240x128xf32, #tpu.memory_space<vmem_shared>> -> memref<80x128xf32, #tpu.memory_space<vmem_shared>>
      tpu.wait_dma2 semaphore(%dma_wait3A_399 : memref<!tpu.dma_semaphore, #tpu.memory_space<semaphore_mem>>) src(%arg8 : memref<80x128xf32, #tpu.memory_space<vmem>>) dst(%dma_wait3A_402 : memref<80x128xf32, #tpu.memory_space<vmem_shared>>)
      %dma_wait3A_403 = arith.constant 2 : i32
      %dma_wait3A_404 = arith.constant 0 : i32
      %dma_wait3A_405 = arith.constant 0 : i32
      %dma_wait3A_406 = tpu.memref_slice %arg9[%dma_wait3A_404, %dma_wait3A_405] : memref<10240x128xf32, #tpu.memory_space<vmem_shared>> -> memref<80x128xf32, #tpu.memory_space<vmem_shared>>
      %dma_wait3A_407 = tpu.memref_slice %arg11[%dma_wait3A_403] : memref<4x!tpu.dma_semaphore, #tpu.memory_space<semaphore_mem>> -> memref<1x!tpu.dma_semaphore, #tpu.memory_space<semaphore_mem>>
      %dma_wait3A_408 = tpu.memref_squeeze %dma_wait3A_407 : memref<1x!tpu.dma_semaphore, #tpu.memory_space<semaphore_mem>> -> memref<!tpu.dma_semaphore, #tpu.memory_space<semaphore_mem>>
      %dma_wait3A_409 = arith.constant 0 : i32
      %dma_wait3A_410 = arith.constant 0 : i32
      %dma_wait3A_411 = tpu.memref_slice %arg9[%dma_wait3A_409, %dma_wait3A_410] : memref<10240x128xf32, #tpu.memory_space<vmem_shared>> -> memref<80x128xf32, #tpu.memory_space<vmem_shared>>
      tpu.wait_dma2 semaphore(%dma_wait3A_408 : memref<!tpu.dma_semaphore, #tpu.memory_space<semaphore_mem>>) src(%arg8 : memref<80x128xf32, #tpu.memory_space<vmem>>) dst(%dma_wait3A_411 : memref<80x128xf32, #tpu.memory_space<vmem_shared>>)
      %dma_wait3A_412 = arith.constant 3 : i32
      %dma_wait3A_413 = arith.constant 0 : i32
      %dma_wait3A_414 = arith.constant 0 : i32
      %dma_wait3A_415 = tpu.memref_slice %arg9[%dma_wait3A_413, %dma_wait3A_414] : memref<10240x128xf32, #tpu.memory_space<vmem_shared>> -> memref<80x128xf32, #tpu.memory_space<vmem_shared>>
      %dma_wait3A_416 = tpu.memref_slice %arg11[%dma_wait3A_412] : memref<4x!tpu.dma_semaphore, #tpu.memory_space<semaphore_mem>> -> memref<1x!tpu.dma_semaphore, #tpu.memory_space<semaphore_mem>>
      %dma_wait3A_417 = tpu.memref_squeeze %dma_wait3A_416 : memref<1x!tpu.dma_semaphore, #tpu.memory_space<semaphore_mem>> -> memref<!tpu.dma_semaphore, #tpu.memory_space<semaphore_mem>>
      %dma_wait3A_418 = arith.constant 0 : i32
      %dma_wait3A_419 = arith.constant 0 : i32
      %dma_wait3A_420 = tpu.memref_slice %arg9[%dma_wait3A_418, %dma_wait3A_419] : memref<10240x128xf32, #tpu.memory_space<vmem_shared>> -> memref<80x128xf32, #tpu.memory_space<vmem_shared>>
      tpu.wait_dma2 semaphore(%dma_wait3A_417 : memref<!tpu.dma_semaphore, #tpu.memory_space<semaphore_mem>>) src(%arg8 : memref<80x128xf32, #tpu.memory_space<vmem>>) dst(%dma_wait3A_420 : memref<80x128xf32, #tpu.memory_space<vmem_shared>>)
      %add3A_421 = arith.addi %mul3A_2, %add3A_355 : i32
      %add3A_422 = arith.constant 1 : i32
      %add3A_423 = arith.addi %add3A_421, %add3A_422 : i32
      %sub3A_424 = arith.constant 1 : i32
      %sub3A_425 = arith.subi %sub3A_424, %select_n3A_371 : i32
      %dma_start3A_426 = arith.constant 0 : i32
      %dma_start3A_427 = arith.constant 0 : i32
      %dma_start3A_428 = arith.constant 0 : i32
      %dma_start3A_429 = tpu.memref_slice %arg2[%add3A_423, %dma_start3A_426, %dma_start3A_427, %dma_start3A_428] : memref<1024x2x4x80xi32, #tpu.memory_space<hbm>> -> memref<1x2x4x80xi32, #tpu.memory_space<hbm>>
      %dma_start3A_430 = tpu.memref_squeeze %dma_start3A_429 : memref<1x2x4x80xi32, #tpu.memory_space<hbm>> -> memref<2x4x80xi32, #tpu.memory_space<hbm>>
      %dma_start3A_431 = tpu.memref_slice %arg10[%sub3A_425] : memref<2x!tpu.dma_semaphore, #tpu.memory_space<semaphore_mem>> -> memref<1x!tpu.dma_semaphore, #tpu.memory_space<semaphore_mem>>
      %dma_start3A_432 = tpu.memref_squeeze %dma_start3A_431 : memref<1x!tpu.dma_semaphore, #tpu.memory_space<semaphore_mem>> -> memref<!tpu.dma_semaphore, #tpu.memory_space<semaphore_mem>>
      %dma_start3A_433 = arith.constant 0 : i32
      %dma_start3A_434 = arith.constant 0 : i32
      %dma_start3A_435 = arith.constant 0 : i32
      %dma_start3A_436 = tpu.memref_slice %arg2[%add3A_423, %dma_start3A_433, %dma_start3A_434, %dma_start3A_435] : memref<1024x2x4x80xi32, #tpu.memory_space<hbm>> -> memref<1x2x4x80xi32, #tpu.memory_space<hbm>>
      %dma_start3A_437 = tpu.memref_squeeze %dma_start3A_436 : memref<1x2x4x80xi32, #tpu.memory_space<hbm>> -> memref<2x4x80xi32, #tpu.memory_space<hbm>>
      tpu.enqueue_dma source(%dma_start3A_437 : memref<2x4x80xi32, #tpu.memory_space<hbm>>) target(%arg7 : memref<2x4x80xi32, #tpu.memory_space<vmem>>) target_semaphore(%dma_start3A_432 : memref<!tpu.dma_semaphore, #tpu.memory_space<semaphore_mem>>)
      %dma_start3A_438 = arith.constant 1 : i32
      %dma_start3A_439 = arith.constant 0 : i32
      %dma_start3A_440 = arith.constant 0 : i32
      %dma_start3A_441 = arith.constant 0 : i32
      %dma_start3A_442 = tpu.memref_slice %arg6[%dma_start3A_438, %dma_start3A_439, %dma_start3A_441] : memref<2x4x80xi32, #tpu.memory_space<vmem>> -> memref<1x1x80xi32, #tpu.memory_space<vmem>>
      %dma_start3A_443 = tpu.memref_squeeze %dma_start3A_442 : memref<1x1x80xi32, #tpu.memory_space<vmem>> -> memref<80xi32, #tpu.memory_space<vmem>>
      %dma_start3A_444 = arith.constant 0 : i32
      %dma_start3A_445 = arith.constant 0 : i32
      %dma_start3A_446 = tpu.memref_slice %arg9[%dma_start3A_444, %dma_start3A_445] : memref<10240x128xf32, #tpu.memory_space<vmem_shared>> -> memref<10240x128xf32, #tpu.memory_space<vmem_shared>>
      %dma_start3A_447 = tpu.memref_slice %arg11[%dma_start3A_440] : memref<4x!tpu.dma_semaphore, #tpu.memory_space<semaphore_mem>> -> memref<1x!tpu.dma_semaphore, #tpu.memory_space<semaphore_mem>>
      %dma_start3A_448 = tpu.memref_squeeze %dma_start3A_447 : memref<1x!tpu.dma_semaphore, #tpu.memory_space<semaphore_mem>> -> memref<!tpu.dma_semaphore, #tpu.memory_space<semaphore_mem>>
      tpu.enqueue_indirect_dma source(%arg8 : memref<80x128xf32, #tpu.memory_space<vmem>>) target(%dma_start3A_446 : memref<10240x128xf32, #tpu.memory_space<vmem_shared>>) offsets(%dma_start3A_443 : memref<80xi32, #tpu.memory_space<vmem>>) semaphore(%dma_start3A_448 : memref<!tpu.dma_semaphore, #tpu.memory_space<semaphore_mem>>) {add = true}
      %dma_start3A_449 = arith.constant 1 : i32
      %dma_start3A_450 = arith.constant 1 : i32
      %dma_start3A_451 = arith.constant 1 : i32
      %dma_start3A_452 = arith.constant 0 : i32
      %dma_start3A_453 = tpu.memref_slice %arg6[%dma_start3A_449, %dma_start3A_450, %dma_start3A_452] : memref<2x4x80xi32, #tpu.memory_space<vmem>> -> memref<1x1x80xi32, #tpu.memory_space<vmem>>
      %dma_start3A_454 = tpu.memref_squeeze %dma_start3A_453 : memref<1x1x80xi32, #tpu.memory_space<vmem>> -> memref<80xi32, #tpu.memory_space<vmem>>
      %dma_start3A_455 = arith.constant 0 : i32
      %dma_start3A_456 = arith.constant 0 : i32
      %dma_start3A_457 = tpu.memref_slice %arg9[%dma_start3A_455, %dma_start3A_456] : memref<10240x128xf32, #tpu.memory_space<vmem_shared>> -> memref<10240x128xf32, #tpu.memory_space<vmem_shared>>
      %dma_start3A_458 = tpu.memref_slice %arg11[%dma_start3A_451] : memref<4x!tpu.dma_semaphore, #tpu.memory_space<semaphore_mem>> -> memref<1x!tpu.dma_semaphore, #tpu.memory_space<semaphore_mem>>
      %dma_start3A_459 = tpu.memref_squeeze %dma_start3A_458 : memref<1x!tpu.dma_semaphore, #tpu.memory_space<semaphore_mem>> -> memref<!tpu.dma_semaphore, #tpu.memory_space<semaphore_mem>>
      tpu.enqueue_indirect_dma source(%arg8 : memref<80x128xf32, #tpu.memory_space<vmem>>) target(%dma_start3A_457 : memref<10240x128xf32, #tpu.memory_space<vmem_shared>>) offsets(%dma_start3A_454 : memref<80xi32, #tpu.memory_space<vmem>>) semaphore(%dma_start3A_459 : memref<!tpu.dma_semaphore, #tpu.memory_space<semaphore_mem>>) {add = true}
      %dma_start3A_460 = arith.constant 1 : i32
      %dma_start3A_461 = arith.constant 2 : i32
      %dma_start3A_462 = arith.constant 2 : i32
      %dma_start3A_463 = arith.constant 0 : i32
      %dma_start3A_464 = tpu.memref_slice %arg6[%dma_start3A_460, %dma_start3A_461, %dma_start3A_463] : memref<2x4x80xi32, #tpu.memory_space<vmem>> -> memref<1x1x80xi32, #tpu.memory_space<vmem>>
      %dma_start3A_465 = tpu.memref_squeeze %dma_start3A_464 : memref<1x1x80xi32, #tpu.memory_space<vmem>> -> memref<80xi32, #tpu.memory_space<vmem>>
      %dma_start3A_466 = arith.constant 0 : i32
      %dma_start3A_467 = arith.constant 0 : i32
      %dma_start3A_468 = tpu.memref_slice %arg9[%dma_start3A_466, %dma_start3A_467] : memref<10240x128xf32, #tpu.memory_space<vmem_shared>> -> memref<10240x128xf32, #tpu.memory_space<vmem_shared>>
      %dma_start3A_469 = tpu.memref_slice %arg11[%dma_start3A_462] : memref<4x!tpu.dma_semaphore, #tpu.memory_space<semaphore_mem>> -> memref<1x!tpu.dma_semaphore, #tpu.memory_space<semaphore_mem>>
      %dma_start3A_470 = tpu.memref_squeeze %dma_start3A_469 : memref<1x!tpu.dma_semaphore, #tpu.memory_space<semaphore_mem>> -> memref<!tpu.dma_semaphore, #tpu.memory_space<semaphore_mem>>
      tpu.enqueue_indirect_dma source(%arg8 : memref<80x128xf32, #tpu.memory_space<vmem>>) target(%dma_start3A_468 : memref<10240x128xf32, #tpu.memory_space<vmem_shared>>) offsets(%dma_start3A_465 : memref<80xi32, #tpu.memory_space<vmem>>) semaphore(%dma_start3A_470 : memref<!tpu.dma_semaphore, #tpu.memory_space<semaphore_mem>>) {add = true}
      %dma_start3A_471 = arith.constant 1 : i32
      %dma_start3A_472 = arith.constant 3 : i32
      %dma_start3A_473 = arith.constant 3 : i32
      %dma_start3A_474 = arith.constant 0 : i32
      %dma_start3A_475 = tpu.memref_slice %arg6[%dma_start3A_471, %dma_start3A_472, %dma_start3A_474] : memref<2x4x80xi32, #tpu.memory_space<vmem>> -> memref<1x1x80xi32, #tpu.memory_space<vmem>>
      %dma_start3A_476 = tpu.memref_squeeze %dma_start3A_475 : memref<1x1x80xi32, #tpu.memory_space<vmem>> -> memref<80xi32, #tpu.memory_space<vmem>>
      %dma_start3A_477 = arith.constant 0 : i32
      %dma_start3A_478 = arith.constant 0 : i32
      %dma_start3A_479 = tpu.memref_slice %arg9[%dma_start3A_477, %dma_start3A_478] : memref<10240x128xf32, #tpu.memory_space<vmem_shared>> -> memref<10240x128xf32, #tpu.memory_space<vmem_shared>>
      %dma_start3A_480 = tpu.memref_slice %arg11[%dma_start3A_473] : memref<4x!tpu.dma_semaphore, #tpu.memory_space<semaphore_mem>> -> memref<1x!tpu.dma_semaphore, #tpu.memory_space<semaphore_mem>>
      %dma_start3A_481 = tpu.memref_squeeze %dma_start3A_480 : memref<1x!tpu.dma_semaphore, #tpu.memory_space<semaphore_mem>> -> memref<!tpu.dma_semaphore, #tpu.memory_space<semaphore_mem>>
      tpu.enqueue_indirect_dma source(%arg8 : memref<80x128xf32, #tpu.memory_space<vmem>>) target(%dma_start3A_479 : memref<10240x128xf32, #tpu.memory_space<vmem_shared>>) offsets(%dma_start3A_476 : memref<80xi32, #tpu.memory_space<vmem>>) semaphore(%dma_start3A_481 : memref<!tpu.dma_semaphore, #tpu.memory_space<semaphore_mem>>) {add = true}
    }
    %scan3A_95 = arith.constant 15 : i32
    %dma_wait3A_96 = arith.constant 0 : i32
    %dma_wait3A_97 = arith.constant 1 : i32
    %dma_wait3A_98 = arith.constant 0 : i32
    %dma_wait3A_99 = arith.constant 0 : i32
    %dma_wait3A_100 = arith.constant 0 : i32
    %dma_wait3A_101 = tpu.memref_slice %arg2[%dma_wait3A_96, %dma_wait3A_98, %dma_wait3A_99, %dma_wait3A_100] : memref<1024x2x4x80xi32, #tpu.memory_space<hbm>> -> memref<1x2x4x80xi32, #tpu.memory_space<hbm>>
    %dma_wait3A_102 = tpu.memref_squeeze %dma_wait3A_101 : memref<1x2x4x80xi32, #tpu.memory_space<hbm>> -> memref<2x4x80xi32, #tpu.memory_space<hbm>>
    %dma_wait3A_103 = tpu.memref_slice %arg10[%dma_wait3A_97] : memref<2x!tpu.dma_semaphore, #tpu.memory_space<semaphore_mem>> -> memref<1x!tpu.dma_semaphore, #tpu.memory_space<semaphore_mem>>
    %dma_wait3A_104 = tpu.memref_squeeze %dma_wait3A_103 : memref<1x!tpu.dma_semaphore, #tpu.memory_space<semaphore_mem>> -> memref<!tpu.dma_semaphore, #tpu.memory_space<semaphore_mem>>
    %dma_wait3A_105 = arith.constant 0 : i32
    %dma_wait3A_106 = arith.constant 0 : i32
    %dma_wait3A_107 = arith.constant 0 : i32
    %dma_wait3A_108 = tpu.memref_slice %arg2[%dma_wait3A_96, %dma_wait3A_105, %dma_wait3A_106, %dma_wait3A_107] : memref<1024x2x4x80xi32, #tpu.memory_space<hbm>> -> memref<1x2x4x80xi32, #tpu.memory_space<hbm>>
    %dma_wait3A_109 = tpu.memref_squeeze %dma_wait3A_108 : memref<1x2x4x80xi32, #tpu.memory_space<hbm>> -> memref<2x4x80xi32, #tpu.memory_space<hbm>>
    tpu.wait_dma2 semaphore(%dma_wait3A_104 : memref<!tpu.dma_semaphore, #tpu.memory_space<semaphore_mem>>) src(%dma_wait3A_109 : memref<2x4x80xi32, #tpu.memory_space<hbm>>) dst(%arg7 : memref<2x4x80xi32, #tpu.memory_space<vmem>>)
    %dma_wait3A_110 = arith.constant 0 : i32
    %dma_wait3A_111 = arith.constant 0 : i32
    %dma_wait3A_112 = arith.constant 0 : i32
    %dma_wait3A_113 = tpu.memref_slice %arg9[%dma_wait3A_111, %dma_wait3A_112] : memref<10240x128xf32, #tpu.memory_space<vmem_shared>> -> memref<80x128xf32, #tpu.memory_space<vmem_shared>>
    %dma_wait3A_114 = tpu.memref_slice %arg11[%dma_wait3A_110] : memref<4x!tpu.dma_semaphore, #tpu.memory_space<semaphore_mem>> -> memref<1x!tpu.dma_semaphore, #tpu.memory_space<semaphore_mem>>
    %dma_wait3A_115 = tpu.memref_squeeze %dma_wait3A_114 : memref<1x!tpu.dma_semaphore, #tpu.memory_space<semaphore_mem>> -> memref<!tpu.dma_semaphore, #tpu.memory_space<semaphore_mem>>
    %dma_wait3A_116 = arith.constant 0 : i32
    %dma_wait3A_117 = arith.constant 0 : i32
    %dma_wait3A_118 = tpu.memref_slice %arg9[%dma_wait3A_116, %dma_wait3A_117] : memref<10240x128xf32, #tpu.memory_space<vmem_shared>> -> memref<80x128xf32, #tpu.memory_space<vmem_shared>>
    tpu.wait_dma2 semaphore(%dma_wait3A_115 : memref<!tpu.dma_semaphore, #tpu.memory_space<semaphore_mem>>) src(%arg8 : memref<80x128xf32, #tpu.memory_space<vmem>>) dst(%dma_wait3A_118 : memref<80x128xf32, #tpu.memory_space<vmem_shared>>)
    %dma_wait3A_119 = arith.constant 1 : i32
    %dma_wait3A_120 = arith.constant 0 : i32
    %dma_wait3A_121 = arith.constant 0 : i32
    %dma_wait3A_122 = tpu.memref_slice %arg9[%dma_wait3A_120, %dma_wait3A_121] : memref<10240x128xf32, #tpu.memory_space<vmem_shared>> -> memref<80x128xf32, #tpu.memory_space<vmem_shared>>
    %dma_wait3A_123 = tpu.memref_slice %arg11[%dma_wait3A_119] : memref<4x!tpu.dma_semaphore, #tpu.memory_space<semaphore_mem>> -> memref<1x!tpu.dma_semaphore, #tpu.memory_space<semaphore_mem>>
    %dma_wait3A_124 = tpu.memref_squeeze %dma_wait3A_123 : memref<1x!tpu.dma_semaphore, #tpu.memory_space<semaphore_mem>> -> memref<!tpu.dma_semaphore, #tpu.memory_space<semaphore_mem>>
    %dma_wait3A_125 = arith.constant 0 : i32
    %dma_wait3A_126 = arith.constant 0 : i32
    %dma_wait3A_127 = tpu.memref_slice %arg9[%dma_wait3A_125, %dma_wait3A_126] : memref<10240x128xf32, #tpu.memory_space<vmem_shared>> -> memref<80x128xf32, #tpu.memory_space<vmem_shared>>
    tpu.wait_dma2 semaphore(%dma_wait3A_124 : memref<!tpu.dma_semaphore, #tpu.memory_space<semaphore_mem>>) src(%arg8 : memref<80x128xf32, #tpu.memory_space<vmem>>) dst(%dma_wait3A_127 : memref<80x128xf32, #tpu.memory_space<vmem_shared>>)
    %dma_wait3A_128 = arith.constant 2 : i32
    %dma_wait3A_129 = arith.constant 0 : i32
    %dma_wait3A_130 = arith.constant 0 : i32
    %dma_wait3A_131 = tpu.memref_slice %arg9[%dma_wait3A_129, %dma_wait3A_130] : memref<10240x128xf32, #tpu.memory_space<vmem_shared>> -> memref<80x128xf32, #tpu.memory_space<vmem_shared>>
    %dma_wait3A_132 = tpu.memref_slice %arg11[%dma_wait3A_128] : memref<4x!tpu.dma_semaphore, #tpu.memory_space<semaphore_mem>> -> memref<1x!tpu.dma_semaphore, #tpu.memory_space<semaphore_mem>>
    %dma_wait3A_133 = tpu.memref_squeeze %dma_wait3A_132 : memref<1x!tpu.dma_semaphore, #tpu.memory_space<semaphore_mem>> -> memref<!tpu.dma_semaphore, #tpu.memory_space<semaphore_mem>>
    %dma_wait3A_134 = arith.constant 0 : i32
    %dma_wait3A_135 = arith.constant 0 : i32
    %dma_wait3A_136 = tpu.memref_slice %arg9[%dma_wait3A_134, %dma_wait3A_135] : memref<10240x128xf32, #tpu.memory_space<vmem_shared>> -> memref<80x128xf32, #tpu.memory_space<vmem_shared>>
    tpu.wait_dma2 semaphore(%dma_wait3A_133 : memref<!tpu.dma_semaphore, #tpu.memory_space<semaphore_mem>>) src(%arg8 : memref<80x128xf32, #tpu.memory_space<vmem>>) dst(%dma_wait3A_136 : memref<80x128xf32, #tpu.memory_space<vmem_shared>>)
    %dma_wait3A_137 = arith.constant 3 : i32
    %dma_wait3A_138 = arith.constant 0 : i32
    %dma_wait3A_139 = arith.constant 0 : i32
    %dma_wait3A_140 = tpu.memref_slice %arg9[%dma_wait3A_138, %dma_wait3A_139] : memref<10240x128xf32, #tpu.memory_space<vmem_shared>> -> memref<80x128xf32, #tpu.memory_space<vmem_shared>>
    %dma_wait3A_141 = tpu.memref_slice %arg11[%dma_wait3A_137] : memref<4x!tpu.dma_semaphore, #tpu.memory_space<semaphore_mem>> -> memref<1x!tpu.dma_semaphore, #tpu.memory_space<semaphore_mem>>
    %dma_wait3A_142 = tpu.memref_squeeze %dma_wait3A_141 : memref<1x!tpu.dma_semaphore, #tpu.memory_space<semaphore_mem>> -> memref<!tpu.dma_semaphore, #tpu.memory_space<semaphore_mem>>
    %dma_wait3A_143 = arith.constant 0 : i32
    %dma_wait3A_144 = arith.constant 0 : i32
    %dma_wait3A_145 = tpu.memref_slice %arg9[%dma_wait3A_143, %dma_wait3A_144] : memref<10240x128xf32, #tpu.memory_space<vmem_shared>> -> memref<80x128xf32, #tpu.memory_space<vmem_shared>>
    tpu.wait_dma2 semaphore(%dma_wait3A_142 : memref<!tpu.dma_semaphore, #tpu.memory_space<semaphore_mem>>) src(%arg8 : memref<80x128xf32, #tpu.memory_space<vmem>>) dst(%dma_wait3A_145 : memref<80x128xf32, #tpu.memory_space<vmem_shared>>)
    %dma_start3A_146 = arith.constant 1 : i32
    %dma_start3A_147 = arith.constant 0 : i32
    %dma_start3A_148 = arith.constant 0 : i32
    %dma_start3A_149 = arith.constant 0 : i32
    %dma_start3A_150 = tpu.memref_slice %arg7[%dma_start3A_146, %dma_start3A_147, %dma_start3A_149] : memref<2x4x80xi32, #tpu.memory_space<vmem>> -> memref<1x1x80xi32, #tpu.memory_space<vmem>>
    %dma_start3A_151 = tpu.memref_squeeze %dma_start3A_150 : memref<1x1x80xi32, #tpu.memory_space<vmem>> -> memref<80xi32, #tpu.memory_space<vmem>>
    %dma_start3A_152 = arith.constant 0 : i32
    %dma_start3A_153 = arith.constant 0 : i32
    %dma_start3A_154 = tpu.memref_slice %arg9[%dma_start3A_152, %dma_start3A_153] : memref<10240x128xf32, #tpu.memory_space<vmem_shared>> -> memref<10240x128xf32, #tpu.memory_space<vmem_shared>>
    %dma_start3A_155 = tpu.memref_slice %arg11[%dma_start3A_148] : memref<4x!tpu.dma_semaphore, #tpu.memory_space<semaphore_mem>> -> memref<1x!tpu.dma_semaphore, #tpu.memory_space<semaphore_mem>>
    %dma_start3A_156 = tpu.memref_squeeze %dma_start3A_155 : memref<1x!tpu.dma_semaphore, #tpu.memory_space<semaphore_mem>> -> memref<!tpu.dma_semaphore, #tpu.memory_space<semaphore_mem>>
    tpu.enqueue_indirect_dma source(%arg8 : memref<80x128xf32, #tpu.memory_space<vmem>>) target(%dma_start3A_154 : memref<10240x128xf32, #tpu.memory_space<vmem_shared>>) offsets(%dma_start3A_151 : memref<80xi32, #tpu.memory_space<vmem>>) semaphore(%dma_start3A_156 : memref<!tpu.dma_semaphore, #tpu.memory_space<semaphore_mem>>) {add = true}
    %dma_start3A_157 = arith.constant 1 : i32
    %dma_start3A_158 = arith.constant 1 : i32
    %dma_start3A_159 = arith.constant 1 : i32
    %dma_start3A_160 = arith.constant 0 : i32
    %dma_start3A_161 = tpu.memref_slice %arg7[%dma_start3A_157, %dma_start3A_158, %dma_start3A_160] : memref<2x4x80xi32, #tpu.memory_space<vmem>> -> memref<1x1x80xi32, #tpu.memory_space<vmem>>
    %dma_start3A_162 = tpu.memref_squeeze %dma_start3A_161 : memref<1x1x80xi32, #tpu.memory_space<vmem>> -> memref<80xi32, #tpu.memory_space<vmem>>
    %dma_start3A_163 = arith.constant 0 : i32
    %dma_start3A_164 = arith.constant 0 : i32
    %dma_start3A_165 = tpu.memref_slice %arg9[%dma_start3A_163, %dma_start3A_164] : memref<10240x128xf32, #tpu.memory_space<vmem_shared>> -> memref<10240x128xf32, #tpu.memory_space<vmem_shared>>
    %dma_start3A_166 = tpu.memref_slice %arg11[%dma_start3A_159] : memref<4x!tpu.dma_semaphore, #tpu.memory_space<semaphore_mem>> -> memref<1x!tpu.dma_semaphore, #tpu.memory_space<semaphore_mem>>
    %dma_start3A_167 = tpu.memref_squeeze %dma_start3A_166 : memref<1x!tpu.dma_semaphore, #tpu.memory_space<semaphore_mem>> -> memref<!tpu.dma_semaphore, #tpu.memory_space<semaphore_mem>>
    tpu.enqueue_indirect_dma source(%arg8 : memref<80x128xf32, #tpu.memory_space<vmem>>) target(%dma_start3A_165 : memref<10240x128xf32, #tpu.memory_space<vmem_shared>>) offsets(%dma_start3A_162 : memref<80xi32, #tpu.memory_space<vmem>>) semaphore(%dma_start3A_167 : memref<!tpu.dma_semaphore, #tpu.memory_space<semaphore_mem>>) {add = true}
    %dma_start3A_168 = arith.constant 1 : i32
    %dma_start3A_169 = arith.constant 2 : i32
    %dma_start3A_170 = arith.constant 2 : i32
    %dma_start3A_171 = arith.constant 0 : i32
    %dma_start3A_172 = tpu.memref_slice %arg7[%dma_start3A_168, %dma_start3A_169, %dma_start3A_171] : memref<2x4x80xi32, #tpu.memory_space<vmem>> -> memref<1x1x80xi32, #tpu.memory_space<vmem>>
    %dma_start3A_173 = tpu.memref_squeeze %dma_start3A_172 : memref<1x1x80xi32, #tpu.memory_space<vmem>> -> memref<80xi32, #tpu.memory_space<vmem>>
    %dma_start3A_174 = arith.constant 0 : i32
    %dma_start3A_175 = arith.constant 0 : i32
    %dma_start3A_176 = tpu.memref_slice %arg9[%dma_start3A_174, %dma_start3A_175] : memref<10240x128xf32, #tpu.memory_space<vmem_shared>> -> memref<10240x128xf32, #tpu.memory_space<vmem_shared>>
    %dma_start3A_177 = tpu.memref_slice %arg11[%dma_start3A_170] : memref<4x!tpu.dma_semaphore, #tpu.memory_space<semaphore_mem>> -> memref<1x!tpu.dma_semaphore, #tpu.memory_space<semaphore_mem>>
    %dma_start3A_178 = tpu.memref_squeeze %dma_start3A_177 : memref<1x!tpu.dma_semaphore, #tpu.memory_space<semaphore_mem>> -> memref<!tpu.dma_semaphore, #tpu.memory_space<semaphore_mem>>
    tpu.enqueue_indirect_dma source(%arg8 : memref<80x128xf32, #tpu.memory_space<vmem>>) target(%dma_start3A_176 : memref<10240x128xf32, #tpu.memory_space<vmem_shared>>) offsets(%dma_start3A_173 : memref<80xi32, #tpu.memory_space<vmem>>) semaphore(%dma_start3A_178 : memref<!tpu.dma_semaphore, #tpu.memory_space<semaphore_mem>>) {add = true}
    %dma_start3A_179 = arith.constant 1 : i32
    %dma_start3A_180 = arith.constant 3 : i32
    %dma_start3A_181 = arith.constant 3 : i32
    %dma_start3A_182 = arith.constant 0 : i32
    %dma_start3A_183 = tpu.memref_slice %arg7[%dma_start3A_179, %dma_start3A_180, %dma_start3A_182] : memref<2x4x80xi32, #tpu.memory_space<vmem>> -> memref<1x1x80xi32, #tpu.memory_space<vmem>>
    %dma_start3A_184 = tpu.memref_squeeze %dma_start3A_183 : memref<1x1x80xi32, #tpu.memory_space<vmem>> -> memref<80xi32, #tpu.memory_space<vmem>>
    %dma_start3A_185 = arith.constant 0 : i32
    %dma_start3A_186 = arith.constant 0 : i32
    %dma_start3A_187 = tpu.memref_slice %arg9[%dma_start3A_185, %dma_start3A_186] : memref<10240x128xf32, #tpu.memory_space<vmem_shared>> -> memref<10240x128xf32, #tpu.memory_space<vmem_shared>>
    %dma_start3A_188 = tpu.memref_slice %arg11[%dma_start3A_181] : memref<4x!tpu.dma_semaphore, #tpu.memory_space<semaphore_mem>> -> memref<1x!tpu.dma_semaphore, #tpu.memory_space<semaphore_mem>>
    %dma_start3A_189 = tpu.memref_squeeze %dma_start3A_188 : memref<1x!tpu.dma_semaphore, #tpu.memory_space<semaphore_mem>> -> memref<!tpu.dma_semaphore, #tpu.memory_space<semaphore_mem>>
    tpu.enqueue_indirect_dma source(%arg8 : memref<80x128xf32, #tpu.memory_space<vmem>>) target(%dma_start3A_187 : memref<10240x128xf32, #tpu.memory_space<vmem_shared>>) offsets(%dma_start3A_184 : memref<80xi32, #tpu.memory_space<vmem>>) semaphore(%dma_start3A_189 : memref<!tpu.dma_semaphore, #tpu.memory_space<semaphore_mem>>) {add = true}
    %dma_wait3A_190 = arith.constant 0 : i32
    %dma_wait3A_191 = arith.constant 0 : i32
    %dma_wait3A_192 = arith.constant 0 : i32
    %dma_wait3A_193 = tpu.memref_slice %arg9[%dma_wait3A_191, %dma_wait3A_192] : memref<10240x128xf32, #tpu.memory_space<vmem_shared>> -> memref<80x128xf32, #tpu.memory_space<vmem_shared>>
    %dma_wait3A_194 = tpu.memref_slice %arg11[%dma_wait3A_190] : memref<4x!tpu.dma_semaphore, #tpu.memory_space<semaphore_mem>> -> memref<1x!tpu.dma_semaphore, #tpu.memory_space<semaphore_mem>>
    %dma_wait3A_195 = tpu.memref_squeeze %dma_wait3A_194 : memref<1x!tpu.dma_semaphore, #tpu.memory_space<semaphore_mem>> -> memref<!tpu.dma_semaphore, #tpu.memory_space<semaphore_mem>>
    %dma_wait3A_196 = arith.constant 0 : i32
    %dma_wait3A_197 = arith.constant 0 : i32
    %dma_wait3A_198 = tpu.memref_slice %arg9[%dma_wait3A_196, %dma_wait3A_197] : memref<10240x128xf32, #tpu.memory_space<vmem_shared>> -> memref<80x128xf32, #tpu.memory_space<vmem_shared>>
    tpu.wait_dma2 semaphore(%dma_wait3A_195 : memref<!tpu.dma_semaphore, #tpu.memory_space<semaphore_mem>>) src(%arg8 : memref<80x128xf32, #tpu.memory_space<vmem>>) dst(%dma_wait3A_198 : memref<80x128xf32, #tpu.memory_space<vmem_shared>>)
    %dma_wait3A_199 = arith.constant 1 : i32
    %dma_wait3A_200 = arith.constant 0 : i32
    %dma_wait3A_201 = arith.constant 0 : i32
    %dma_wait3A_202 = tpu.memref_slice %arg9[%dma_wait3A_200, %dma_wait3A_201] : memref<10240x128xf32, #tpu.memory_space<vmem_shared>> -> memref<80x128xf32, #tpu.memory_space<vmem_shared>>
    %dma_wait3A_203 = tpu.memref_slice %arg11[%dma_wait3A_199] : memref<4x!tpu.dma_semaphore, #tpu.memory_space<semaphore_mem>> -> memref<1x!tpu.dma_semaphore, #tpu.memory_space<semaphore_mem>>
    %dma_wait3A_204 = tpu.memref_squeeze %dma_wait3A_203 : memref<1x!tpu.dma_semaphore, #tpu.memory_space<semaphore_mem>> -> memref<!tpu.dma_semaphore, #tpu.memory_space<semaphore_mem>>
    %dma_wait3A_205 = arith.constant 0 : i32
    %dma_wait3A_206 = arith.constant 0 : i32
    %dma_wait3A_207 = tpu.memref_slice %arg9[%dma_wait3A_205, %dma_wait3A_206] : memref<10240x128xf32, #tpu.memory_space<vmem_shared>> -> memref<80x128xf32, #tpu.memory_space<vmem_shared>>
    tpu.wait_dma2 semaphore(%dma_wait3A_204 : memref<!tpu.dma_semaphore, #tpu.memory_space<semaphore_mem>>) src(%arg8 : memref<80x128xf32, #tpu.memory_space<vmem>>) dst(%dma_wait3A_207 : memref<80x128xf32, #tpu.memory_space<vmem_shared>>)
    %dma_wait3A_208 = arith.constant 2 : i32
    %dma_wait3A_209 = arith.constant 0 : i32
    %dma_wait3A_210 = arith.constant 0 : i32
    %dma_wait3A_211 = tpu.memref_slice %arg9[%dma_wait3A_209, %dma_wait3A_210] : memref<10240x128xf32, #tpu.memory_space<vmem_shared>> -> memref<80x128xf32, #tpu.memory_space<vmem_shared>>
    %dma_wait3A_212 = tpu.memref_slice %arg11[%dma_wait3A_208] : memref<4x!tpu.dma_semaphore, #tpu.memory_space<semaphore_mem>> -> memref<1x!tpu.dma_semaphore, #tpu.memory_space<semaphore_mem>>
    %dma_wait3A_213 = tpu.memref_squeeze %dma_wait3A_212 : memref<1x!tpu.dma_semaphore, #tpu.memory_space<semaphore_mem>> -> memref<!tpu.dma_semaphore, #tpu.memory_space<semaphore_mem>>
    %dma_wait3A_214 = arith.constant 0 : i32
    %dma_wait3A_215 = arith.constant 0 : i32
    %dma_wait3A_216 = tpu.memref_slice %arg9[%dma_wait3A_214, %dma_wait3A_215] : memref<10240x128xf32, #tpu.memory_space<vmem_shared>> -> memref<80x128xf32, #tpu.memory_space<vmem_shared>>
    tpu.wait_dma2 semaphore(%dma_wait3A_213 : memref<!tpu.dma_semaphore, #tpu.memory_space<semaphore_mem>>) src(%arg8 : memref<80x128xf32, #tpu.memory_space<vmem>>) dst(%dma_wait3A_216 : memref<80x128xf32, #tpu.memory_space<vmem_shared>>)
    %dma_wait3A_217 = arith.constant 3 : i32
    %dma_wait3A_218 = arith.constant 0 : i32
    %dma_wait3A_219 = arith.constant 0 : i32
    %dma_wait3A_220 = tpu.memref_slice %arg9[%dma_wait3A_218, %dma_wait3A_219] : memref<10240x128xf32, #tpu.memory_space<vmem_shared>> -> memref<80x128xf32, #tpu.memory_space<vmem_shared>>
    %dma_wait3A_221 = tpu.memref_slice %arg11[%dma_wait3A_217] : memref<4x!tpu.dma_semaphore, #tpu.memory_space<semaphore_mem>> -> memref<1x!tpu.dma_semaphore, #tpu.memory_space<semaphore_mem>>
    %dma_wait3A_222 = tpu.memref_squeeze %dma_wait3A_221 : memref<1x!tpu.dma_semaphore, #tpu.memory_space<semaphore_mem>> -> memref<!tpu.dma_semaphore, #tpu.memory_space<semaphore_mem>>
    %dma_wait3A_223 = arith.constant 0 : i32
    %dma_wait3A_224 = arith.constant 0 : i32
    %dma_wait3A_225 = tpu.memref_slice %arg9[%dma_wait3A_223, %dma_wait3A_224] : memref<10240x128xf32, #tpu.memory_space<vmem_shared>> -> memref<80x128xf32, #tpu.memory_space<vmem_shared>>
    tpu.wait_dma2 semaphore(%dma_wait3A_222 : memref<!tpu.dma_semaphore, #tpu.memory_space<semaphore_mem>>) src(%arg8 : memref<80x128xf32, #tpu.memory_space<vmem>>) dst(%dma_wait3A_225 : memref<80x128xf32, #tpu.memory_space<vmem_shared>>)
    %barrier3A_226 = arith.constant 0 : index
    tpu.barrier barrier_id(%barrier3A_226)
    %mul3A_227 = arith.constant 640 : i32
    %mul3A_228 = arith.muli %arg1, %mul3A_227 : i32
    %mul3A_229 = arith.constant 640 : i32
    %mul3A_230 = arith.muli %arg1, %mul3A_229 : i32
    "tpu.region"() ({
      %run_scoped3A = tpu.sem_alloc : memref<!tpu.dma_semaphore, #tpu.memory_space<semaphore_mem>>
      %dma_start3A_231 = arith.constant 0 : i32
      %dma_start3A_232 = tpu.memref_slice %arg5[%arg0, %mul3A_230, %dma_start3A_231] : memref<2x10240x128xf32, #tpu.memory_space<hbm>> -> memref<1x640x128xf32, #tpu.memory_space<hbm>>
      %dma_start3A_233 = tpu.memref_squeeze %dma_start3A_232 : memref<1x640x128xf32, #tpu.memory_space<hbm>> -> memref<640x128xf32, #tpu.memory_space<hbm>>
      %dma_start3A_234 = arith.constant 0 : i32
      %dma_start3A_235 = tpu.memref_slice %arg9[%mul3A_228, %dma_start3A_234] : memref<10240x128xf32, #tpu.memory_space<vmem_shared>> -> memref<640x128xf32, #tpu.memory_space<vmem_shared>>
      tpu.enqueue_dma source(%dma_start3A_235 : memref<640x128xf32, #tpu.memory_space<vmem_shared>>) target(%dma_start3A_233 : memref<640x128xf32, #tpu.memory_space<hbm>>) target_semaphore(%run_scoped3A : memref<!tpu.dma_semaphore, #tpu.memory_space<semaphore_mem>>)
      %dma_wait3A_236 = arith.constant 0 : i32
      %dma_wait3A_237 = tpu.memref_slice %arg5[%arg0, %mul3A_230, %dma_wait3A_236] : memref<2x10240x128xf32, #tpu.memory_space<hbm>> -> memref<1x640x128xf32, #tpu.memory_space<hbm>>
      %dma_wait3A_238 = tpu.memref_squeeze %dma_wait3A_237 : memref<1x640x128xf32, #tpu.memory_space<hbm>> -> memref<640x128xf32, #tpu.memory_space<hbm>>
      %dma_wait3A_239 = arith.constant 0 : i32
      %dma_wait3A_240 = tpu.memref_slice %arg9[%mul3A_228, %dma_wait3A_239] : memref<10240x128xf32, #tpu.memory_space<vmem_shared>> -> memref<640x128xf32, #tpu.memory_space<vmem_shared>>
      tpu.wait_dma2 semaphore(%run_scoped3A : memref<!tpu.dma_semaphore, #tpu.memory_space<semaphore_mem>>) src(%dma_wait3A_240 : memref<640x128xf32, #tpu.memory_space<vmem_shared>>) dst(%dma_wait3A_238 : memref<640x128xf32, #tpu.memory_space<hbm>>)
      tpu.yield
    }) : () -> ()
    return
  }
}

module attributes {stable_mosaic.version = 14 : i64} {
  func.func @_tc_pre_body(%arg0: i32, %arg1: memref<512x128xf32, #tpu.memory_space<vmem>>, %arg2: memref<128x128xf32, #tpu.memory_space<vmem>>, %arg3: memref<2x512x128xf32, #tpu.memory_space<vmem>>, %arg4: memref<512x128xf32, #tpu.memory_space<vmem>>) attributes {dimension_semantics = [#tpu.dimension_semantics<arbitrary>], iteration_bounds = array<i64: 20>, scalar_prefetch = 0 : i64, scratch_operands = 0 : i64, tpu.core_type = #tpu.core_type<tc>, window_params = [{transform_indices = @transform_0, window_bounds = array<i64: 512, 128>}, {pipeline_mode = #tpu.pipeline_mode<synchronous>, transform_indices = @transform_1, window_bounds = array<i64: 128, 128>}, {transform_indices = @transform_2, window_bounds = array<i64: 2, 512, 128>}, {transform_indices = @transform_3, window_bounds = array<i64: 512, 128>}]} {
    %get3A = arith.constant 0 : index
    %get3A_0 = arith.constant 0 : index
    %get3A_1 = arith.constant 0 : index
    %get3A_2 = vector.load %arg3[%get3A, %get3A_0, %get3A_1] : memref<2x512x128xf32, #tpu.memory_space<vmem>>, vector<1x512x1xf32>
    %get3A_3 = vector.shape_cast %get3A_2 : vector<1x512x1xf32> to vector<512xf32>
    %get3A_4 = arith.constant 1 : index
    %get3A_5 = arith.constant 0 : index
    %get3A_6 = arith.constant 0 : index
    %get3A_7 = vector.load %arg3[%get3A_4, %get3A_5, %get3A_6] : memref<2x512x128xf32, #tpu.memory_space<vmem>>, vector<1x512x1xf32>
    %get3A_8 = vector.shape_cast %get3A_7 : vector<1x512x1xf32> to vector<512xf32>
    %add3A = arith.addf %get3A_3, %get3A_8 : vector<512xf32>
    %add3A_9 = arith.constant 1.000000e+00 : f32
    %add3A_10 = vector.broadcast %add3A_9 : f32 to vector<512xf32>
    %add3A_11 = arith.addf %add3A, %add3A_10 : vector<512xf32>
    %rsqrt3A = math.rsqrt %add3A_11 : vector<512xf32>
    %get3A_12 = arith.constant 0 : index
    %get3A_13 = arith.constant 0 : index
    %get3A_14 = vector.load %arg1[%get3A_12, %get3A_13] : memref<512x128xf32, #tpu.memory_space<vmem>>, vector<512x128xf32>
    %get3A_15 = arith.constant 0 : index
    %get3A_16 = arith.constant 0 : index
    %get3A_17 = vector.load %arg2[%get3A_15, %get3A_16] : memref<128x128xf32, #tpu.memory_space<vmem>>, vector<128x128xf32>
    %dot_general3A = arith.constant dense<0.000000e+00> : vector<512x128xf32>
    %dot_general3A_18 = tpu.matmul %get3A_14, %get3A_17, %dot_general3A {dimension_numbers = #tpu.dot_dimension_numbers<[1], [0], [0], [1], [0, 0, 1, 1], [], []>, transpose_lhs_hint = false} : vector<512x128xf32>, vector<128x128xf32>, vector<512x128xf32> -> vector<512x128xf32>
    %broadcast_in_dim3A = vector.shape_cast %rsqrt3A : vector<512xf32> to vector<512x1xf32>
    %mul3A = vector.broadcast %broadcast_in_dim3A : vector<512x1xf32> to vector<512x128xf32>
    %mul3A_19 = arith.mulf %dot_general3A_18, %mul3A : vector<512x128xf32>
    %swap3A = arith.constant 0 : index
    %swap3A_20 = arith.constant 0 : index
    %swap3A_21 = vector.load %arg4[%swap3A, %swap3A_20] : memref<512x128xf32, #tpu.memory_space<vmem>>, vector<512x128xf32>
    tpu.vector_store %arg4[%swap3A, %swap3A_20], %mul3A_19 {strides = array<i32>} : memref<512x128xf32, #tpu.memory_space<vmem>>, vector<512x128xf32>,
    return
  }
  func.func @transform_0(%arg0: i32) -> (i32, i32) {
    %c0_i32 = arith.constant 0 : i32
    %c0_i32_0 = arith.constant 0 : i32
    return %arg0, %c0_i32 : i32, i32
  }
  func.func @transform_1(%arg0: i32) -> (i32, i32) {
    %c0_i32 = arith.constant 0 : i32
    %c0_i32_0 = arith.constant 0 : i32
    %c0_i32_1 = arith.constant 0 : i32
    return %c0_i32, %c0_i32_0 : i32, i32
  }
  func.func @transform_2(%arg0: i32) -> (i32, i32, i32) {
    %c0_i32 = arith.constant 0 : i32
    %c0_i32_0 = arith.constant 0 : i32
    %c0_i32_1 = arith.constant 0 : i32
    return %c0_i32, %arg0, %c0_i32_0 : i32, i32, i32
  }
  func.func @transform_3(%arg0: i32) -> (i32, i32) {
    %c0_i32 = arith.constant 0 : i32
    %c0_i32_0 = arith.constant 0 : i32
    return %arg0, %c0_i32 : i32, i32
  }
}

module attributes {stable_mosaic.version = 14 : i64} {
  func.func @_tc_post_body(%arg0: i32, %arg1: memref<2x512x128xf32, #tpu.memory_space<vmem>>, %arg2: memref<512x128xf32, #tpu.memory_space<vmem>>, %arg3: memref<2x512x128xf32, #tpu.memory_space<vmem>>, %arg4: memref<1x128xf32, #tpu.memory_space<vmem>>, %arg5: memref<512x128xf32, #tpu.memory_space<vmem>>) attributes {dimension_semantics = [#tpu.dimension_semantics<arbitrary>], iteration_bounds = array<i64: 20>, scalar_prefetch = 0 : i64, scratch_operands = 0 : i64, tpu.core_type = #tpu.core_type<tc>, window_params = [{transform_indices = @transform_0, window_bounds = array<i64: 2, 512, 128>}, {transform_indices = @transform_1, window_bounds = array<i64: 512, 128>}, {transform_indices = @transform_2, window_bounds = array<i64: 2, 512, 128>}, {pipeline_mode = #tpu.pipeline_mode<synchronous>, transform_indices = @transform_3, window_bounds = array<i64: 1, 128>}, {transform_indices = @transform_4, window_bounds = array<i64: 512, 128>}]} {
    %get3A = arith.constant 0 : index
    %get3A_0 = arith.constant 0 : index
    %get3A_1 = arith.constant 0 : index
    %get3A_2 = vector.load %arg3[%get3A, %get3A_0, %get3A_1] : memref<2x512x128xf32, #tpu.memory_space<vmem>>, vector<1x512x1xf32>
    %get3A_3 = vector.shape_cast %get3A_2 : vector<1x512x1xf32> to vector<512xf32>
    %get3A_4 = arith.constant 1 : index
    %get3A_5 = arith.constant 0 : index
    %get3A_6 = arith.constant 0 : index
    %get3A_7 = vector.load %arg3[%get3A_4, %get3A_5, %get3A_6] : memref<2x512x128xf32, #tpu.memory_space<vmem>>, vector<1x512x1xf32>
    %get3A_8 = vector.shape_cast %get3A_7 : vector<1x512x1xf32> to vector<512xf32>
    %add3A = arith.addf %get3A_3, %get3A_8 : vector<512xf32>
    %add3A_9 = arith.constant 1.000000e+00 : f32
    %add3A_10 = vector.broadcast %add3A_9 : f32 to vector<512xf32>
    %add3A_11 = arith.addf %add3A, %add3A_10 : vector<512xf32>
    %rsqrt3A = math.rsqrt %add3A_11 : vector<512xf32>
    %get3A_12 = arith.constant 0 : index
    %get3A_13 = arith.constant 0 : index
    %get3A_14 = arith.constant 0 : index
    %get3A_15 = vector.load %arg1[%get3A_12, %get3A_13, %get3A_14] : memref<2x512x128xf32, #tpu.memory_space<vmem>>, vector<1x512x128xf32>
    %get3A_16 = vector.shape_cast %get3A_15 : vector<1x512x128xf32> to vector<512x128xf32>
    %get3A_17 = arith.constant 1 : index
    %get3A_18 = arith.constant 0 : index
    %get3A_19 = arith.constant 0 : index
    %get3A_20 = vector.load %arg1[%get3A_17, %get3A_18, %get3A_19] : memref<2x512x128xf32, #tpu.memory_space<vmem>>, vector<1x512x128xf32>
    %get3A_21 = vector.shape_cast %get3A_20 : vector<1x512x128xf32> to vector<512x128xf32>
    %add3A_22 = arith.addf %get3A_16, %get3A_21 : vector<512x128xf32>
    %get3A_23 = arith.constant 0 : index
    %get3A_24 = arith.constant 0 : index
    %get3A_25 = vector.load %arg2[%get3A_23, %get3A_24] : memref<512x128xf32, #tpu.memory_space<vmem>>, vector<512x128xf32>
    %add3A_26 = arith.addf %add3A_22, %get3A_25 : vector<512x128xf32>
    %broadcast_in_dim3A = vector.shape_cast %rsqrt3A : vector<512xf32> to vector<512x1xf32>
    %mul3A = vector.broadcast %broadcast_in_dim3A : vector<512x1xf32> to vector<512x128xf32>
    %mul3A_27 = arith.mulf %add3A_26, %mul3A : vector<512x128xf32>
    %get3A_28 = arith.constant 0 : index
    %get3A_29 = arith.constant 0 : index
    %get3A_30 = vector.load %arg4[%get3A_28, %get3A_29] : memref<1x128xf32, #tpu.memory_space<vmem>>, vector<1x128xf32>
    %add3A_31 = vector.broadcast %get3A_30 : vector<1x128xf32> to vector<512x128xf32>
    %add3A_32 = arith.addf %mul3A_27, %add3A_31 : vector<512x128xf32>
    %max3A = arith.constant 0.000000e+00 : f32
    %max3A_33 = vector.broadcast %max3A : f32 to vector<512x128xf32>
    %max3A_34 = arith.maximumf %add3A_32, %max3A_33 : vector<512x128xf32>
    %swap3A = arith.constant 0 : index
    %swap3A_35 = arith.constant 0 : index
    %swap3A_36 = vector.load %arg5[%swap3A, %swap3A_35] : memref<512x128xf32, #tpu.memory_space<vmem>>, vector<512x128xf32>
    tpu.vector_store %arg5[%swap3A, %swap3A_35], %max3A_34 {strides = array<i32>} : memref<512x128xf32, #tpu.memory_space<vmem>>, vector<512x128xf32>,
    return
  }
  func.func @transform_0(%arg0: i32) -> (i32, i32, i32) {
    %c0_i32 = arith.constant 0 : i32
    %c0_i32_0 = arith.constant 0 : i32
    %c0_i32_1 = arith.constant 0 : i32
    return %c0_i32, %arg0, %c0_i32_0 : i32, i32, i32
  }
  func.func @transform_1(%arg0: i32) -> (i32, i32) {
    %c0_i32 = arith.constant 0 : i32
    %c0_i32_0 = arith.constant 0 : i32
    return %arg0, %c0_i32 : i32, i32
  }
  func.func @transform_2(%arg0: i32) -> (i32, i32, i32) {
    %c0_i32 = arith.constant 0 : i32
    %c0_i32_0 = arith.constant 0 : i32
    %c0_i32_1 = arith.constant 0 : i32
    return %c0_i32, %arg0, %c0_i32_0 : i32, i32, i32
  }
  func.func @transform_3(%arg0: i32) -> (i32, i32) {
    %c0_i32 = arith.constant 0 : i32
    %c0_i32_0 = arith.constant 0 : i32
    %c0_i32_1 = arith.constant 0 : i32
    return %c0_i32, %c0_i32_0 : i32, i32
  }
  func.func @transform_4(%arg0: i32) -> (i32, i32) {
    %c0_i32 = arith.constant 0 : i32
    %c0_i32_0 = arith.constant 0 : i32
    return %arg0, %c0_i32 : i32, i32
  }
}

</mosaic_0001>

<sc_bundles>
// kernel: kernel.6.cloned.1.call-start
scs
__scs_entry_jumppad:
0x0: {  	(pc) =	sbr.rel $0x88, $3  }
0x1: {  	(tag) =	ssettag $0x0;
	lr =	simm.s32 $0x1  }
0x2: {  	[smem:$0x3F9D] =	sst lr;
	_ =	strace $0xD0000000  }
0x3: {  	_ = 	snop  }
0x4: {  	_ = 	snop  }
0x5: {  	_ = 	snop  }
0x6: {  	_ = 	snop  }
0x7: {  	_ = 	snop  }
__scs_overlays_trampoline_lowered:
0x8: {  	[smem:$0x3FAC] =	sst s0  }
0x9: {  	[smem:$0x3FAD] =	sst s1  }
0xa: {  	[smem:$0x3FAE] =	sst s2  }
0xb: {  	[smem:$0x3FAF] =	sst s3  }
0xc: {  	[smem:$0x3FB0] =	sst s4  }
0xd: {  	[smem:$0x3FB1] =	sst s5  }
0xe: {  	[smem:$0x3FB2] =	sst s6  }
0xf: {  	[smem:$0x3FB3] =	sst s7  }
0x10: {  	[smem:$0x3FB4] =	sst s8  }
0x11: {  	[smem:$0x3FB5] =	sst s9;
	s0 =	simm.s32 @!p0 $0x0  }
0x12: {  	s1 =	sld [smem:$0x3F9B];
	s0 =	simm.s32 @p0 $0x1  }
0x13: {  	[smem:$0x3FB6] =	sst s0;
	s0 =	simm.s32 @!p1 $0x0  }
0x14: {  	s2 =	sld [smem:$0x3F9A];
	s0 =	simm.s32 @p1 $0x1  }
0x15: {  	[smem:$0x3FB7] =	sst s0;
	s0 =	simm.s32 @!p2 $0x0  }
0x16: {  	s3 =	sld [smem:$0x3FDB];
	s0 =	simm.s32 @p2 $0x1  }
0x17: {  	s4 =	simm.s32 $0x1BF5;
	[smem:$0x3FB9] =	sst s0  }
0x18: {  	s0 =	sld [smem:$0x3F9C];
	_ =	swait.ge [sflag:s4], $0x0  }
0x19: {  	s7 =	sld [smem:$0x3F9D]  }
0x1a: {  	s8 =	sadd.s32 $0xFFFFE003, lr  }
0x1b: {  	s9 =	sadd.s32 $0xFFFFFEF7, lr;
	s5 =	simm.s32 $0xFFFFFFFF;
	p2 =	slt.u32 s8, $0xFFFFF086  }
0x1c: {  	p1 =	slt.u32 s9, $0xF7A;
	s5 =	simm.s32 @!p2 $0x0  }
0x1d: {  	s5 =	simm.s32 @p1 $0x1;
	p0 =	seq.s32 s7, s2  }
0x1e: {  	s7 =	smul.u32 @!p0 $0xF7A, s2;
	p2 =	seq.s32 @!p0 s5, $0x0  }
0x1f: {  	s9 =	smul.u32 $0xF7A, s1;
	s8 =	simm.s32 @!p0 $0x1BF5;
	p2 =	por !p2, p0  }
0x20: {  	[sflag:s8] =	ssyncset.s32 @!p0 $0xFFFFF086;
	s6 =	sadd.s32 @!p0 s3, s7;
	s7 =	simm.s32 @!p0 $0x108  }
0x21: {  	s3 =	sadd.s32 s3, s9;
	s6 =	sadd.s32 @!p0 $0x88, s6;
	s7 =	simm.s32 @p2 $0x1082  }
0x22: {  	[simem:s7], [sflag:s8] =	dma.local @!p0 [hbm:s6], $0xF7A  }
0x23: {  	s9 =	sor.u32 $0xD0000000, s2;
	s6 =	simm.s32 $0x108;
	_ =	swait.ge @!p0 [sflag:s8], $0x0  }
0x24: {  	s3 =	sadd.s32 $0x88, s3;
	s6 =	simm.s32 @!p1 $0x1082;
	[sflag:s4] =	ssyncset.s32 $0xFFFFF086  }
0x25: {  	[simem:s6], [sflag:s4] =	dma.local [hbm:s3], $0xF7A  }
0x26: {  	[smem:$0x3F9D] =	sst s1;
	(tag) =	ssettag s2;
	_ =	strace s9  }
0x27: {  	s1 =	sld [smem:$0x3FAD]  }
0x28: {  	s2 =	sld [smem:$0x3FAE]  }
0x29: {  	s4 =	sld [smem:$0x3FB0]  }
0x2a: {  	p0 =	seq.s32 s5, $0x0;
	s5 =	sld [smem:$0x3FB1]  }
0x2b: {  	s6 =	sld [smem:$0x3FB2]  }
0x2c: {  	s7 =	sld [smem:$0x3FB3]  }
0x2d: {  	s3 =	simm.s32 $0x108;
	s8 =	sld [smem:$0x3FB4]  }
0x2e: {  	s3 =	simm.s32 @!p0 $0x1082;
	s9 =	sld [smem:$0x3FB5]  }
0x2f: {  	lr =	sadd.s32 s0, s3;
	s0 =	sld [smem:$0x3FAC]  }
0x30: {  	s3 =	sld [smem:$0x3FAF]  }
0x31: {  	[smem:$0x3FB8] =	sst s10  }
0x32: {  	s10 =	sld [smem:$0x3FB6];
	_ =	sdelay $0x3  }
0x33: {  	p0 =	seq.s32 s10, $0x1;
	s10 =	sld [smem:$0x3FB8];
	_ =	sdelay $0x3  }
0x34: {  	[smem:$0x3FB8] =	sst s10  }
0x35: {  	s10 =	sld [smem:$0x3FB7];
	_ =	sdelay $0x3  }
0x36: {  	p1 =	seq.s32 s10, $0x1;
	s10 =	sld [smem:$0x3FB8];
	_ =	sdelay $0x3  }
0x37: {  	[smem:$0x3FB8] =	sst s10  }
0x38: {  	s10 =	sld [smem:$0x3FB9]  }
0x39: {  	_ = 	snop;
	(pc) =	sbr.ind lr, $3  }
0x3a: {  	_ = 	snop  }
0x3b: {  	_ = 	snop  }
0x3c: {  	p2 =	seq.s32 s10, $0x1;
	s10 =	sld [smem:$0x3FB8]  }
0x3d: {  	_ =	shalt  }
0x3e: {  	_ =	shalt  }
0x3f: {  	_ =	shalt  }
0x40: {  	_ =	shalt  }
0x41: {  	_ =	shalt  }
0x42: {  	_ =	shalt  }
0x43: {  	_ =	shalt  }
0x44: {  	_ =	shalt  }
0x45: {  	_ =	shalt  }
0x46: {  	_ =	shalt  }
0x47: {  	_ =	shalt  }
0x48: {  	_ =	shalt  }
0x49: {  	_ =	shalt  }
0x4a: {  	_ =	shalt  }
0x4b: {  	_ =	shalt  }
0x4c: {  	_ =	shalt  }
0x4d: {  	_ =	shalt  }
0x4e: {  	_ =	shalt  }
0x4f: {  	_ =	shalt  }
0x50: {  	_ =	shalt  }
0x51: {  	_ =	shalt  }
0x52: {  	_ =	shalt  }
0x53: {  	_ =	shalt  }
0x54: {  	_ =	shalt  }
0x55: {  	_ =	shalt  }
0x56: {  	_ =	shalt  }
0x57: {  	_ =	shalt  }
0x58: {  	_ =	shalt  }
0x59: {  	_ =	shalt  }
0x5a: {  	_ =	shalt  }
0x5b: {  	_ =	shalt  }
0x5c: {  	_ =	shalt  }
0x5d: {  	_ =	shalt  }
0x5e: {  	_ =	shalt  }
0x5f: {  	_ =	shalt  }
0x60: {  	_ =	shalt  }
0x61: {  	_ =	shalt  }
0x62: {  	_ =	shalt  }
0x63: {  	_ =	shalt  }
0x64: {  	_ =	shalt  }
0x65: {  	_ =	shalt  }
0x66: {  	_ =	shalt  }
0x67: {  	_ =	shalt  }
0x68: {  	_ =	shalt  }
0x69: {  	_ =	shalt  }
0x6a: {  	_ =	shalt  }
0x6b: {  	_ =	shalt  }
0x6c: {  	_ =	shalt  }
0x6d: {  	_ =	shalt  }
0x6e: {  	_ =	shalt  }
0x6f: {  	_ =	shalt  }
0x70: {  	_ =	shalt  }
0x71: {  	_ =	shalt  }
0x72: {  	_ =	shalt  }
0x73: {  	_ =	shalt  }
0x74: {  	_ =	shalt  }
0x75: {  	_ =	shalt  }
0x76: {  	_ =	shalt  }
0x77: {  	_ =	shalt  }
0x78: {  	_ =	shalt  }
0x79: {  	_ =	shalt  }
0x7a: {  	_ =	shalt  }
0x7b: {  	_ =	shalt  }
0x7c: {  	_ =	shalt  }
0x7d: {  	_ =	shalt  }
0x7e: {  	_ =	shalt  }
0x7f: {  	_ =	shalt  }
0x80: {  	_ =	shalt  }
0x81: {  	_ =	shalt  }
0x82: {  	_ =	shalt  }
0x83: {  	_ =	shalt  }
0x84: {  	_ =	shalt  }
0x85: {  	_ =	shalt  }
0x86: {  	_ =	shalt  }
0x87: {  	_ =	shalt  }
.Lfunc_end0:
.L_simem_size_0:
called_computation_lowered:
.L_overlay_start_0:
0x88: {  	s2 =	sld [smem:$0x3FD9]  }
0x89: {  	s3 =	sld [smem:$0x3FFE];
	_ =	sdelay $0x1  }
0x8a: {  	s1 =	srdreg.scid  }
0x8b: {  	s0 =	sand.u32 $0x1, s1  }
0x8c: {  	s17 =	sshll.u32 s0, $0xA;
	s2 =	sadd.s32 s3, s2  }
0x8d: {  	s2 =	sadd.s32 s2, s17  }
0x8e: {  	[smem:$0x3FC4] =	sst s2  }
0x8f: {  	_ = 	snop  }
0x90: {  	s2 =	sld [smem:$0x3FD0];
	(tm) =	ssettm $0x1  }
0x91: {  	s18 =	sld [smem:$0x3FFB];
	_ =	sdelay $0x3  }
0x92: {  	_ =	strace s18  }
0x93: {  	s3 =	sld [smem:$0x3FFC];
	_ =	sdelay $0x3  }
0x94: {  	_ =	strace s3  }
0x95: {  	s3 =	sld [smem:$0x3FFD];
	_ =	sdelay $0x3  }
0x96: {  	_ =	strace s3  }
0x97: {  	_ =	strace $0x8FFFFFFF  }
0x98: {  	s19 =	sld [smem:$0x3FDB];
	_ =	sdelay $0x1  }
0x99: {  	s4 =	simm.s32 $_scs_section_size  }
0x9a: {  	s5 =	simm.s32 $_size__tile_overlayer_lowered;
	s6 =	simm.s32 $_tile_overlayer_lowered  }
0x9b: {  	s22 =	simm.s32 $0x1BFF;
	s21 =	sshll.u32 s6, $0x1;
	s3 =	sadd.s32 s4, s19  }
0x9c: {  	s7 =	simm.s32 $0x0;
	s20 =	sshll.u32 s5, $0x1;
	s5 =	sadd.s32 s21, s3  }
0x9d: {  	[timem:s7], [sflag:s22] =	dma.local [hbm:s5], s20  }
0x9e: {  	_ =	swait.ge [sflag:s22], s20  }
0x9f: {  	s4 =	ssub.s32 $0x0, s20;
	[sflag:s22] =	ssyncset.done $0x0  }
0xa0: {  	[sflag:s22] =	ssyncadd.s32 s4;
	_ =	sdelay $0x1  }
0xa1: {  	s23 =	simm.s32 $0x1B8B  }
0xa2: {  	_ =	swait.ge [sflag:s23], $0x1  }
0xa3: {  	[sflag:s23] =	ssyncset.done $0x0  }
0xa4: {  	s25 =	simm.s32 $0x1B8E;
	s24 =	sld [smem:$0x3FFE];
	[sflag:s23] =	ssyncadd.s32 $0xFFFFFFFF  }
0xa5: {  	s26 =	simm.s32 $execute0_lowered;
	[smem:$0x3FD2] =	sst s25  }
0xa6: {  	s5 =	sshll.u32 s26, $0x1;
	_ =	strace $0x80000046;
	[dreg:$0x1] =	wrdreg $0xFFFFFFFF  }
0xa7: {  	s28 =	simm.s32 $_size_execute0_lowered;
	s3 =	sadd.s32 s3, s5;
	[dreg:$0x0] =	wrdreg $0x0  }
0xa8: {  	s5 =	sshll.u32 s28, $0x1;
	[dreg:$0x2] =	wrdreg s3  }
0xa9: {  	[dreg:$0x3] =	wrdreg s5  }
0xaa: {  	[dreg:$0x4] =	wrdreg $0xC0  }
0xab: {  	_ =	task [dreg:s7], $0x5FFFF  }
0xac: {  	[dreg:$0x1] =	wrdreg $0xFFFFFFFF  }
0xad: {  	[dreg:$0x0] =	wrdreg $0x60  }
0xae: {  	[dreg:$0x2] =	wrdreg s2  }
0xaf: {  	[dreg:$0x3] =	wrdreg s24  }
0xb0: {  	[dreg:$0x4] =	wrdreg $0x30000  }
0xb1: {  	[dreg:$0x5] =	wrdreg $0x9  }
0xb2: {  	_ =	task.clear_ibuf [dreg:s7], $0x6FFFF;
	_ =	strace $0x90000046  }
0xb3: {  	s29 =	simm.s32 $0x9;
	_ =	strace $0x80000048  }
0xb4: {  	_ =	swait.ge [sflag:s29], $0x1  }
0xb5: {  	[sflag:s29] =	ssyncadd.s32 $0xFFFFFFFF  }
0xb6: {  	_ =	strace $0x90000048  }
0xb7: {  	_ =	sfence  }
0xb8: {  	s30 =	sld [smem:$0x0];
	_ =	sdelay $0x2  }
0xb9: {  	s31 =	sshll.u32 s1, $0xD;
	s1 =	sshrl.u32 s1, $0x2  }
0xba: {  	s3 =	sand.u32 $0x4000, s31;
	s1 =	sadd.s32 s1, s30  }
0xbb: {  	s0 =	sor.u32 s3, s0;
	s1 =	sshll.u32 s1, $0x11  }
0xbc: {  	s0 =	sor.u32 s1, s0  }
0xbd: {  	s0 =	sadd.s32 $0x8F2B, s0  }
0xbe: {  	[sflag:s0] =	ssyncadd.remote.s32 $0x1  }
0xbf: {  	_ =	sfence.sel $0xFFFF  }
0xc0: {  	[dreg:$0x0] =	wrdreg $0xFFFFFFFF;
	(pc) =	sbr.abs _section_cstart, $3  }
0xc1: {  	[dreg:$0x1] =	wrdreg $0xFFFFFFFF  }
0xc2: {  	_ =	task.clear_ibuf [dreg:s7], $0x2FFFF;
	_ =	strace $0x9FFFFFFF  }
0xc3: {  	(tm) =	ssettm $0x7FFFFFFF  }
tec
execute0_lowered:
.L_overlay_start_1:
0x0: {  	(tag) =	ssettag $0x1  }
0x1: {  	s0 =	rddreg [dreg:$0x0];
	s1 =	srdreg.scid  }
0x2: {  	s6 =	rddreg [dreg:$0x1];
	s12 =	stileid.u32  }
0x3: {  	s2 =	rddreg [dreg:$0x2];
	s3 =	simm.s32 $0x0;
	s15 =	simm.s32 $0x1  }
0x4: {  	s16 =	simm.s32 $0x400;
	s17 =	simm.s32 $0x50;
	s18 =	simm.s32 $0x200  }
0x5: {  	s19 =	simm.s32 $0x280;
	s20 =	simm.s32 $0x300;
	s21 =	simm.s32 $0x380  }
0x6: {  	s28 =	simm.s32 $0x600;
	s29 =	simm.s32 $0x680;
	s30 =	simm.s32 $0x700  }
0x7: {  	s31 =	simm.s32 $0x780;
	s1 =	sand.u32 $0x1, s1;
	s5 =	smul.u32 $0x14000, s12  }
0x8: {  	[smem:$0x7FF] =	sst s3;
	s22 =	sadd.s32 $0x1A00, s6;
	s23 =	sadd.s32 $0x1400, s6  }
0x9: {  	s24 =	smul.u32 $0x50000, s12;
	s10 =	sshll.u32 s12, $0xC;
	s26 =	sshll.u32 s12, $0x6  }
0xa: {  	s12 =	simm.s32 $0x7;
	_ =	strace $0x80000047;
	[dreg:$0x4] =	wrdreg s22  }
0xb: {  	s4 =	smul.u32 $0x140000, s1;
	[dreg:$0x5] =	wrdreg s23;
	s25 =	ssub.s32 $0x2, s1  }
0xc: {  	s1 =	sshll.u32 s1, $0x10;
	s13 =	sor.u32 $0x1C07, s26;
	s22 =	simm.s32 $0x2  }
0xd: {  	s23 =	simm.s32 $0x3;
	s26 =	simm.s32 $0x6;
	s9 =	sshrl.u32 s25, $0x1  }
0xe: {  	s11 =	sor.u32 s10, s1;
	s5 =	sadd.s32 s5, s4;
	s9 =	ssub.s32 s25, s9  }
0xf: {  	s25 =	simm.s32 $0x5;
	s7 =	sshrl.u32 s5, $0x3;
	s9 =	smax.u32 s9, $0x1  }
0x10: {  	s8 =	sadd.s32 s7, s6;
	s6 =	sshrl.u32 s24, $0x2;
	s24 =	simm.s32 $0x4  }
0x11: {  	s14 =	sadd.s32 s6, s2;
	s6 =	sadd.s32 s0, s11;
	s8 =	sadd.s32 $0x4200, s8  }
0x12: {  	s0 =	sadd.s32 s1, s0;
	s11 =	simm.s32 $0x800;
	s1 =	simm.s32 $0x0  }
0x13: {  	s7 =	sadd.s32 $0x80, s6;
	s10 =	sadd.s32 s10, s0;
	s14 =	sshrl.u32 s14, $0x3  }
.LBB2_1:
0x14: {  	s0 =	rddreg [dreg:$0x5]  }
0x15: {  	[tilespmem:s11], [sflag:$0x7] =	stream.linear.gather [hbm4b:s0+s3], $0x2800, $0x38;
	[tilespmem:$0x17000] =	vst v63  }
0x16: {  	_ =	swait.ge [sflag:s12], $0x2800  }
0x17: {  	[sflag:s12] =	ssyncset.done $0x0  }
0x18: {  	s4 =	rddreg [dreg:$0x4];
	[sflag:s12] =	ssyncadd.s32 $0xFFFFD800  }
0x19: {  	[spmem:s14], [sflag:s13] =	dma.local [hbm:s4], $0x2800  }
0x1a: {  	_ =	swait.ge [sflag:s12], $0x2800  }
0x1b: {  	[sflag:s12] =	ssyncset.done $0x0  }
0x1c: {  	[sflag:s12] =	ssyncadd.s32 $0xFFFFD800  }
0x1d: {  	[tilespmem:s3], [sflag:$0x1] =	stream.linear.gather [hbm4b:s6+s3], $0x400, $0x38;
	[tilespmem:$0x17000] =	vst v63  }
0x1e: {  	[bflag:$0x0] =	sbarrier.arrive $0xFFFF  }
0x1f: {  	_ =	swait.ge [sflag:s15], $0x400  }
0x20: {  	[sflag:s15] =	ssyncset.done $0x0  }
0x21: {  	[sflag:s15] =	ssyncadd.s32 $0xFFFFFC00  }
0x22: {  	[tilespmem:s16], [sflag:$0x2] =	stream.linear.gather [hbm4b:s7+s3], $0x400, $0x38;
	[tilespmem:$0x17000] =	vst v63  }
0x23: {  	_ = 	snop  }
0x24: {  	[spmem:s2] =	stream.indirect.scatter.add.f32 [tilespmem:s11], [sflag:$0x3], $0x80, s18, s17, $0xb8;
	[tilespmem:$0x17000] =	vst v63  }
0x25: {  	_ = 	snop  }
0x26: {  	[spmem:s2] =	stream.indirect.scatter.add.f32 [tilespmem:s11], [sflag:$0x4], $0x80, s19, s17, $0xb8;
	[tilespmem:$0x17000] =	vst v63  }
0x27: {  	_ = 	snop  }
0x28: {  	[spmem:s2] =	stream.indirect.scatter.add.f32 [tilespmem:s11], [sflag:$0x5], $0x80, s20, s17, $0xb8;
	[tilespmem:$0x17000] =	vst v63  }
0x29: {  	_ = 	snop  }
0x2a: {  	[spmem:s2] =	stream.indirect.scatter.add.f32 [tilespmem:s11], [sflag:$0x6], $0x80, s21, s17, $0xb8;
	[tilespmem:$0x17000] =	vst v63  }
0x2b: {  	_ =	swait.ge [sflag:s22], $0x400  }
0x2c: {  	[sflag:s22] =	ssyncset.done $0x0  }
0x2d: {  	[sflag:s22] =	ssyncadd.s32 $0xFFFFFC00  }
0x2e: {  	_ =	swait.ge [sflag:s23], $0x2800  }
0x2f: {  	[sflag:s23] =	ssyncset.done $0x0  }
0x30: {  	[sflag:s23] =	ssyncadd.s32 $0xFFFFD800  }
0x31: {  	_ =	swait.ge [sflag:s24], $0x2800  }
0x32: {  	[sflag:s24] =	ssyncset.done $0x0  }
0x33: {  	[sflag:s24] =	ssyncadd.s32 $0xFFFFD800  }
0x34: {  	_ =	swait.ge [sflag:s25], $0x2800  }
0x35: {  	[sflag:s25] =	ssyncset.done $0x0  }
0x36: {  	[sflag:s25] =	ssyncadd.s32 $0xFFFFD800  }
0x37: {  	_ =	swait.ge [sflag:s26], $0x2800  }
0x38: {  	s5 =	sadd.s32 $0xFFFFF100, s10;
	[sflag:s26] =	ssyncset.done $0x0  }
0x39: {  	s4 =	sadd.s32 $0x1000, s5;
	[sflag:s26] =	ssyncadd.s32 $0xFFFFD800  }
0x3a: {  	[tilespmem:s3], [sflag:$0x1] =	stream.linear.gather [hbm4b:s4+s3], $0x400, $0x38;
	[tilespmem:$0x17000] =	vst v63  }
0x3b: {  	_ = 	snop  }
0x3c: {  	[spmem:s2] =	stream.indirect.scatter.add.f32 [tilespmem:s11], [sflag:$0x3], $0x80, s28, s17, $0xb8;
	[tilespmem:$0x17000] =	vst v63  }
0x3d: {  	_ = 	snop  }
0x3e: {  	[spmem:s2] =	stream.indirect.scatter.add.f32 [tilespmem:s11], [sflag:$0x4], $0x80, s29, s17, $0xb8;
	[tilespmem:$0x17000] =	vst v63  }
0x3f: {  	_ = 	snop  }
0x40: {  	[spmem:s2] =	stream.indirect.scatter.add.f32 [tilespmem:s11], [sflag:$0x5], $0x80, s30, s17, $0xb8;
	[tilespmem:$0x17000] =	vst v63  }
0x41: {  	_ = 	snop  }
0x42: {  	[spmem:s2] =	stream.indirect.scatter.add.f32 [tilespmem:s11], [sflag:$0x6], $0x80, s31, s17, $0xb8;
	[tilespmem:$0x17000] =	vst v63  }
0x43: {  	_ =	swait.ge [sflag:s15], $0x400  }
0x44: {  	[sflag:s15] =	ssyncset.done $0x0  }
0x45: {  	[sflag:s15] =	ssyncadd.s32 $0xFFFFFC00  }
0x46: {  	_ =	swait.ge [sflag:s23], $0x2800  }
0x47: {  	[sflag:s23] =	ssyncset.done $0x0  }
0x48: {  	[sflag:s23] =	ssyncadd.s32 $0xFFFFD800  }
0x49: {  	_ =	swait.ge [sflag:s24], $0x2800  }
0x4a: {  	[sflag:s24] =	ssyncset.done $0x0  }
0x4b: {  	[sflag:s24] =	ssyncadd.s32 $0xFFFFD800  }
0x4c: {  	_ =	swait.ge [sflag:s25], $0x2800  }
0x4d: {  	[sflag:s25] =	ssyncset.done $0x0  }
0x4e: {  	[sflag:s25] =	ssyncadd.s32 $0xFFFFD800  }
0x4f: {  	_ =	swait.ge [sflag:s26], $0x2800  }
0x50: {  	[sflag:s26] =	ssyncset.done $0x0  }
0x51: {  	s0 =	sadd.s32 $0x1080, s5;
	[sflag:s26] =	ssyncadd.s32 $0xFFFFD800  }
0x52: {  	[tilespmem:s16], [sflag:$0x2] =	stream.linear.gather [hbm4b:s0+s3], $0x400, $0x38;
	[tilespmem:$0x17000] =	vst v63  }
0x53: {  	_ = 	snop  }
0x54: {  	[spmem:s2] =	stream.indirect.scatter.add.f32 [tilespmem:s11], [sflag:$0x3], $0x80, s18, s17, $0xb8;
	[tilespmem:$0x17000] =	vst v63  }
0x55: {  	_ = 	snop  }
0x56: {  	[spmem:s2] =	stream.indirect.scatter.add.f32 [tilespmem:s11], [sflag:$0x4], $0x80, s19, s17, $0xb8;
	[tilespmem:$0x17000] =	vst v63  }
0x57: {  	s0 =	simm.s32 $0xFFFFF200  }
0x58: {  	[spmem:s2] =	stream.indirect.scatter.add.f32 [tilespmem:s11], [sflag:$0x5], $0x80, s20, s17, $0xb8;
	[tilespmem:$0x17000] =	vst v63  }
.LBB2_2:
0x59: {  	[spmem:s2] =	stream.indirect.scatter.add.f32 [tilespmem:s11], [sflag:$0x6], $0x80, s21, s17, $0xb8;
	[tilespmem:$0x17000] =	vst v63  }
0x5a: {  	s4 =	smov.u32 s0  }
0x5b: {  	p0 =	sne.s32 s0, $0xFFFFFF00;
	s0 =	sadd.s32 $0x100, s0;
	_ =	swait.ge [sflag:s22], $0x400  }
0x5c: {  	[sflag:s22] =	ssyncset.done $0x0  }
0x5d: {  	[sflag:s22] =	ssyncadd.s32 $0xFFFFFC00  }
0x5e: {  	_ =	swait.ge [sflag:s23], $0x2800  }
0x5f: {  	[sflag:s23] =	ssyncset.done $0x0  }
0x60: {  	[sflag:s23] =	ssyncadd.s32 $0xFFFFD800  }
0x61: {  	_ =	swait.ge [sflag:s24], $0x2800  }
0x62: {  	[sflag:s24] =	ssyncset.done $0x0  }
0x63: {  	[sflag:s24] =	ssyncadd.s32 $0xFFFFD800  }
0x64: {  	_ =	swait.ge [sflag:s25], $0x2800  }
0x65: {  	[sflag:s25] =	ssyncset.done $0x0  }
0x66: {  	[sflag:s25] =	ssyncadd.s32 $0xFFFFD800  }
0x67: {  	_ =	swait.ge [sflag:s26], $0x2800  }
0x68: {  	s4 =	sadd.s32 s4, s10;
	[sflag:s26] =	ssyncset.done $0x0  }
0x69: {  	s5 =	sadd.s32 $0x1000, s4;
	[sflag:s26] =	ssyncadd.s32 $0xFFFFD800  }
0x6a: {  	[tilespmem:s3], [sflag:$0x1] =	stream.linear.gather [hbm4b:s5+s3], $0x400, $0x38;
	[tilespmem:$0x17000] =	vst v63  }
0x6b: {  	_ = 	snop  }
0x6c: {  	[spmem:s2] =	stream.indirect.scatter.add.f32 [tilespmem:s11], [sflag:$0x3], $0x80, s28, s17, $0xb8;
	[tilespmem:$0x17000] =	vst v63  }
0x6d: {  	_ = 	snop  }
0x6e: {  	[spmem:s2] =	stream.indirect.scatter.add.f32 [tilespmem:s11], [sflag:$0x4], $0x80, s29, s17, $0xb8;
	[tilespmem:$0x17000] =	vst v63  }
0x6f: {  	_ = 	snop  }
0x70: {  	[spmem:s2] =	stream.indirect.scatter.add.f32 [tilespmem:s11], [sflag:$0x5], $0x80, s30, s17, $0xb8;
	[tilespmem:$0x17000] =	vst v63  }
0x71: {  	_ = 	snop  }
0x72: {  	[spmem:s2] =	stream.indirect.scatter.add.f32 [tilespmem:s11], [sflag:$0x6], $0x80, s31, s17, $0xb8;
	[tilespmem:$0x17000] =	vst v63  }
0x73: {  	_ =	swait.ge [sflag:s15], $0x400  }
0x74: {  	[sflag:s15] =	ssyncset.done $0x0  }
0x75: {  	[sflag:s15] =	ssyncadd.s32 $0xFFFFFC00  }
0x76: {  	_ =	swait.ge [sflag:s23], $0x2800  }
0x77: {  	[sflag:s23] =	ssyncset.done $0x0  }
0x78: {  	[sflag:s23] =	ssyncadd.s32 $0xFFFFD800  }
0x79: {  	_ =	swait.ge [sflag:s24], $0x2800  }
0x7a: {  	[sflag:s24] =	ssyncset.done $0x0  }
0x7b: {  	[sflag:s24] =	ssyncadd.s32 $0xFFFFD800  }
0x7c: {  	_ =	swait.ge [sflag:s25], $0x2800  }
0x7d: {  	[sflag:s25] =	ssyncset.done $0x0  }
0x7e: {  	[sflag:s25] =	ssyncadd.s32 $0xFFFFD800  }
0x7f: {  	_ =	swait.ge [sflag:s26], $0x2800  }
0x80: {  	[sflag:s26] =	ssyncset.done $0x0  }
0x81: {  	s4 =	sadd.s32 $0x1080, s4;
	[sflag:s26] =	ssyncadd.s32 $0xFFFFD800  }
0x82: {  	[tilespmem:s16], [sflag:$0x2] =	stream.linear.gather [hbm4b:s4+s3], $0x400, $0x38;
	[tilespmem:$0x17000] =	vst v63  }
0x83: {  	_ = 	snop  }
0x84: {  	[spmem:s2] =	stream.indirect.scatter.add.f32 [tilespmem:s11], [sflag:$0x3], $0x80, s18, s17, $0xb8;
	[tilespmem:$0x17000] =	vst v63  }
.Ltmp0:
0x85: {  	_ = 	snop;
	(pc) =	sbr.rel @p0 .LBB2_2-.Ltmp0, $4  }
0x86: {  	_ = 	snop  }
0x87: {  	[spmem:s2] =	stream.indirect.scatter.add.f32 [tilespmem:s11], [sflag:$0x4], $0x80, s19, s17, $0xb8;
	[tilespmem:$0x17000] =	vst v63  }
0x88: {  	_ = 	snop  }
0x89: {  	[spmem:s2] =	stream.indirect.scatter.add.f32 [tilespmem:s11], [sflag:$0x5], $0x80, s20, s17, $0xb8;
	[tilespmem:$0x17000] =	vst v63  }
0x8a: {  	[spmem:s2] =	stream.indirect.scatter.add.f32 [tilespmem:s11], [sflag:$0x6], $0x80, s21, s17, $0xb8;
	[tilespmem:$0x17000] =	vst v63  }
0x8b: {  	_ =	swait.ge [sflag:s22], $0x400  }
0x8c: {  	[sflag:s22] =	ssyncset.done $0x0  }
0x8d: {  	[sflag:s22] =	ssyncadd.s32 $0xFFFFFC00  }
0x8e: {  	_ =	swait.ge [sflag:s23], $0x2800  }
0x8f: {  	[sflag:s23] =	ssyncset.done $0x0  }
0x90: {  	[sflag:s23] =	ssyncadd.s32 $0xFFFFD800  }
0x91: {  	_ =	swait.ge [sflag:s24], $0x2800  }
0x92: {  	[sflag:s24] =	ssyncset.done $0x0  }
0x93: {  	[sflag:s24] =	ssyncadd.s32 $0xFFFFD800  }
0x94: {  	_ =	swait.ge [sflag:s25], $0x2800  }
0x95: {  	[sflag:s25] =	ssyncset.done $0x0  }
0x96: {  	[sflag:s25] =	ssyncadd.s32 $0xFFFFD800  }
0x97: {  	_ =	swait.ge [sflag:s26], $0x2800  }
0x98: {  	[sflag:s26] =	ssyncset.done $0x0  }
0x99: {  	[sflag:s26] =	ssyncadd.s32 $0xFFFFD800  }
0x9a: {  	[spmem:s2] =	stream.indirect.scatter.add.f32 [tilespmem:s11], [sflag:$0x3], $0x80, s28, s17, $0xb8;
	[tilespmem:$0x17000] =	vst v63  }
0x9b: {  	_ = 	snop  }
0x9c: {  	[spmem:s2] =	stream.indirect.scatter.add.f32 [tilespmem:s11], [sflag:$0x4], $0x80, s29, s17, $0xb8;
	[tilespmem:$0x17000] =	vst v63  }
0x9d: {  	_ = 	snop  }
0x9e: {  	[spmem:s2] =	stream.indirect.scatter.add.f32 [tilespmem:s11], [sflag:$0x5], $0x80, s30, s17, $0xb8;
	[tilespmem:$0x17000] =	vst v63  }
0x9f: {  	_ = 	snop  }
0xa0: {  	[spmem:s2] =	stream.indirect.scatter.add.f32 [tilespmem:s11], [sflag:$0x6], $0x80, s31, s17, $0xb8;
	[tilespmem:$0x17000] =	vst v63  }
0xa1: {  	_ =	swait.ge [sflag:s23], $0x2800  }
0xa2: {  	[sflag:s23] =	ssyncset.done $0x0  }
0xa3: {  	[sflag:s23] =	ssyncadd.s32 $0xFFFFD800  }
0xa4: {  	_ =	swait.ge [sflag:s24], $0x2800  }
0xa5: {  	[sflag:s24] =	ssyncset.done $0x0  }
0xa6: {  	[sflag:s24] =	ssyncadd.s32 $0xFFFFD800  }
0xa7: {  	_ =	swait.ge [sflag:s25], $0x2800  }
0xa8: {  	[sflag:s25] =	ssyncset.done $0x0  }
0xa9: {  	[sflag:s25] =	ssyncadd.s32 $0xFFFFD800  }
0xaa: {  	_ =	swait.ge [sflag:s26], $0x2800  }
0xab: {  	s1 =	sadd.s32 $0x1, s1;
	[sflag:s26] =	ssyncset.done $0x0  }
0xac: {  	p0 =	sne.s32 s1, s9;
	[sflag:s26] =	ssyncadd.s32 $0xFFFFD800  }
.Ltmp1:
0xad: {  	[bflag:$0x0] =	sbarrier.arrive $0xFFFF;
	(pc) =	sbr.rel @p0 .LBB2_1-.Ltmp1, $4  }
0xae: {  	[hbm:s8], [sflag:s13] =	dma.local [spmem:s14], $0x2800  }
0xaf: {  	_ =	swait.ge [sflag:s12], $0x2800  }
0xb0: {  	[sflag:s12] =	ssyncset.done $0x0  }
0xb1: {  	[sflag:s12] =	ssyncadd.s32 $0xFFFFD800  }
0xb2: {  	_ =	sfence.sel $0x180000  }
0xb3: {  	[bflag:$0x0] =	sbarrier.arrive $0xFFFF  }
0xb4: {  	_ =	strace $0x90000047  }
0xb5: {  	s0 =	stileid.u32;
	[bflag:$0x2] =	sbarrier.arrive $0xFFFF  }
0xb6: {  	p0 =	sne.s32 s0, $0x0;
	s0 =	rddreg [dreg:$0x3]  }
0xb7: {  	s0 =	sadd.s32 @!p0 $0x100000, s0  }
0xb8: {  	[sflag:s0] =	ssyncadd.tile.s32 @!p0 $0x1;
	_ =	shalt  }
.Lfunc_end2:
_tile_overlayer_lowered:
.L_overlay_start_2:
0xb9: {  	(tag) =	ssettag $0x2  }
0xba: {  	s0 =	rddreg [dreg:$0x0];
	s2 =	stileid.u32  }
0xbb: {  	s1 =	rddreg [dreg:$0x1];
	p0 =	sne.s32 s2, $0x0  }
0xbc: {  	s3 =	rddreg [dreg:$0x2];
	[bflag:$0x3] =	sbarrier.arrive $0xFFFF;
	s2 =	simm.s32 @!p0 $0x1C07  }
0xbd: {  	[timem:s3], [sflag:s2] =	dma.local @!p0 [hbm:s0], s1  }
0xbe: {  	s0 =	simm.s32 @!p0 $0x7  }
0xbf: {  	_ =	swait.ge @!p0 [sflag:s0], s1  }
0xc0: {  	s1 =	ssub.s32 @!p0 $0x0, s1;
	[sflag:s0] =	ssyncset.done @!p0 $0x0  }
0xc1: {  	[sflag:s0] =	ssyncadd.s32 @!p0 s1  }
0xc2: {  	[bflag:$0x3] =	sbarrier.arrive $0xFFFF  }
0xc3: {  	_ =	shalt  }

// kernel: kernel.9.cloned.1.call-start
scs
__scs_entry_jumppad:
0x0: {  	(pc) =	sbr.rel $0x88, $3  }
0x1: {  	(tag) =	ssettag $0x0;
	lr =	simm.s32 $0x1  }
0x2: {  	[smem:$0x3F9D] =	sst lr;
	_ =	strace $0xD0000000  }
0x3: {  	_ = 	snop  }
0x4: {  	_ = 	snop  }
0x5: {  	_ = 	snop  }
0x6: {  	_ = 	snop  }
0x7: {  	_ = 	snop  }
__scs_overlays_trampoline_lowered:
0x8: {  	[smem:$0x3FAC] =	sst s0  }
0x9: {  	[smem:$0x3FAD] =	sst s1  }
0xa: {  	[smem:$0x3FAE] =	sst s2  }
0xb: {  	[smem:$0x3FAF] =	sst s3  }
0xc: {  	[smem:$0x3FB0] =	sst s4  }
0xd: {  	[smem:$0x3FB1] =	sst s5  }
0xe: {  	[smem:$0x3FB2] =	sst s6  }
0xf: {  	[smem:$0x3FB3] =	sst s7  }
0x10: {  	[smem:$0x3FB4] =	sst s8  }
0x11: {  	[smem:$0x3FB5] =	sst s9;
	s0 =	simm.s32 @!p0 $0x0  }
0x12: {  	s1 =	sld [smem:$0x3F9B];
	s0 =	simm.s32 @p0 $0x1  }
0x13: {  	[smem:$0x3FB6] =	sst s0;
	s0 =	simm.s32 @!p1 $0x0  }
0x14: {  	s2 =	sld [smem:$0x3F9A];
	s0 =	simm.s32 @p1 $0x1  }
0x15: {  	[smem:$0x3FB7] =	sst s0;
	s0 =	simm.s32 @!p2 $0x0  }
0x16: {  	s3 =	sld [smem:$0x3FDB];
	s0 =	simm.s32 @p2 $0x1  }
0x17: {  	s4 =	simm.s32 $0x1BF5;
	[smem:$0x3FB9] =	sst s0  }
0x18: {  	s0 =	sld [smem:$0x3F9C];
	_ =	swait.ge [sflag:s4], $0x0  }
0x19: {  	s7 =	sld [smem:$0x3F9D]  }
0x1a: {  	s8 =	sadd.s32 $0xFFFFE003, lr  }
0x1b: {  	s9 =	sadd.s32 $0xFFFFFEF7, lr;
	s5 =	simm.s32 $0xFFFFFFFF;
	p2 =	slt.u32 s8, $0xFFFFF086  }
0x1c: {  	p1 =	slt.u32 s9, $0xF7A;
	s5 =	simm.s32 @!p2 $0x0  }
0x1d: {  	s5 =	simm.s32 @p1 $0x1;
	p0 =	seq.s32 s7, s2  }
0x1e: {  	s7 =	smul.u32 @!p0 $0xF7A, s2;
	p2 =	seq.s32 @!p0 s5, $0x0  }
0x1f: {  	s9 =	smul.u32 $0xF7A, s1;
	s8 =	simm.s32 @!p0 $0x1BF5;
	p2 =	por !p2, p0  }
0x20: {  	[sflag:s8] =	ssyncset.s32 @!p0 $0xFFFFF086;
	s6 =	sadd.s32 @!p0 s3, s7;
	s7 =	simm.s32 @!p0 $0x108  }
0x21: {  	s3 =	sadd.s32 s3, s9;
	s6 =	sadd.s32 @!p0 $0x88, s6;
	s7 =	simm.s32 @p2 $0x1082  }
0x22: {  	[simem:s7], [sflag:s8] =	dma.local @!p0 [hbm:s6], $0xF7A  }
0x23: {  	s9 =	sor.u32 $0xD0000000, s2;
	s6 =	simm.s32 $0x108;
	_ =	swait.ge @!p0 [sflag:s8], $0x0  }
0x24: {  	s3 =	sadd.s32 $0x88, s3;
	s6 =	simm.s32 @!p1 $0x1082;
	[sflag:s4] =	ssyncset.s32 $0xFFFFF086  }
0x25: {  	[simem:s6], [sflag:s4] =	dma.local [hbm:s3], $0xF7A  }
0x26: {  	[smem:$0x3F9D] =	sst s1;
	(tag) =	ssettag s2;
	_ =	strace s9  }
0x27: {  	s1 =	sld [smem:$0x3FAD]  }
0x28: {  	s2 =	sld [smem:$0x3FAE]  }
0x29: {  	s4 =	sld [smem:$0x3FB0]  }
0x2a: {  	p0 =	seq.s32 s5, $0x0;
	s5 =	sld [smem:$0x3FB1]  }
0x2b: {  	s6 =	sld [smem:$0x3FB2]  }
0x2c: {  	s7 =	sld [smem:$0x3FB3]  }
0x2d: {  	s3 =	simm.s32 $0x108;
	s8 =	sld [smem:$0x3FB4]  }
0x2e: {  	s3 =	simm.s32 @!p0 $0x1082;
	s9 =	sld [smem:$0x3FB5]  }
0x2f: {  	lr =	sadd.s32 s0, s3;
	s0 =	sld [smem:$0x3FAC]  }
0x30: {  	s3 =	sld [smem:$0x3FAF]  }
0x31: {  	[smem:$0x3FB8] =	sst s10  }
0x32: {  	s10 =	sld [smem:$0x3FB6];
	_ =	sdelay $0x3  }
0x33: {  	p0 =	seq.s32 s10, $0x1;
	s10 =	sld [smem:$0x3FB8];
	_ =	sdelay $0x3  }
0x34: {  	[smem:$0x3FB8] =	sst s10  }
0x35: {  	s10 =	sld [smem:$0x3FB7];
	_ =	sdelay $0x3  }
0x36: {  	p1 =	seq.s32 s10, $0x1;
	s10 =	sld [smem:$0x3FB8];
	_ =	sdelay $0x3  }
0x37: {  	[smem:$0x3FB8] =	sst s10  }
0x38: {  	s10 =	sld [smem:$0x3FB9]  }
0x39: {  	_ = 	snop;
	(pc) =	sbr.ind lr, $3  }
0x3a: {  	_ = 	snop  }
0x3b: {  	_ = 	snop  }
0x3c: {  	p2 =	seq.s32 s10, $0x1;
	s10 =	sld [smem:$0x3FB8]  }
0x3d: {  	_ =	shalt  }
0x3e: {  	_ =	shalt  }
0x3f: {  	_ =	shalt  }
0x40: {  	_ =	shalt  }
0x41: {  	_ =	shalt  }
0x42: {  	_ =	shalt  }
0x43: {  	_ =	shalt  }
0x44: {  	_ =	shalt  }
0x45: {  	_ =	shalt  }
0x46: {  	_ =	shalt  }
0x47: {  	_ =	shalt  }
0x48: {  	_ =	shalt  }
0x49: {  	_ =	shalt  }
0x4a: {  	_ =	shalt  }
0x4b: {  	_ =	shalt  }
0x4c: {  	_ =	shalt  }
0x4d: {  	_ =	shalt  }
0x4e: {  	_ =	shalt  }
0x4f: {  	_ =	shalt  }
0x50: {  	_ =	shalt  }
0x51: {  	_ =	shalt  }
0x52: {  	_ =	shalt  }
0x53: {  	_ =	shalt  }
0x54: {  	_ =	shalt  }
0x55: {  	_ =	shalt  }
0x56: {  	_ =	shalt  }
0x57: {  	_ =	shalt  }
0x58: {  	_ =	shalt  }
0x59: {  	_ =	shalt  }
0x5a: {  	_ =	shalt  }
0x5b: {  	_ =	shalt  }
0x5c: {  	_ =	shalt  }
0x5d: {  	_ =	shalt  }
0x5e: {  	_ =	shalt  }
0x5f: {  	_ =	shalt  }
0x60: {  	_ =	shalt  }
0x61: {  	_ =	shalt  }
0x62: {  	_ =	shalt  }
0x63: {  	_ =	shalt  }
0x64: {  	_ =	shalt  }
0x65: {  	_ =	shalt  }
0x66: {  	_ =	shalt  }
0x67: {  	_ =	shalt  }
0x68: {  	_ =	shalt  }
0x69: {  	_ =	shalt  }
0x6a: {  	_ =	shalt  }
0x6b: {  	_ =	shalt  }
0x6c: {  	_ =	shalt  }
0x6d: {  	_ =	shalt  }
0x6e: {  	_ =	shalt  }
0x6f: {  	_ =	shalt  }
0x70: {  	_ =	shalt  }
0x71: {  	_ =	shalt  }
0x72: {  	_ =	shalt  }
0x73: {  	_ =	shalt  }
0x74: {  	_ =	shalt  }
0x75: {  	_ =	shalt  }
0x76: {  	_ =	shalt  }
0x77: {  	_ =	shalt  }
0x78: {  	_ =	shalt  }
0x79: {  	_ =	shalt  }
0x7a: {  	_ =	shalt  }
0x7b: {  	_ =	shalt  }
0x7c: {  	_ =	shalt  }
0x7d: {  	_ =	shalt  }
0x7e: {  	_ =	shalt  }
0x7f: {  	_ =	shalt  }
0x80: {  	_ =	shalt  }
0x81: {  	_ =	shalt  }
0x82: {  	_ =	shalt  }
0x83: {  	_ =	shalt  }
0x84: {  	_ =	shalt  }
0x85: {  	_ =	shalt  }
0x86: {  	_ =	shalt  }
0x87: {  	_ =	shalt  }
.Lfunc_end0:
.L_simem_size_0:
called_computation.1_lowered:
.L_overlay_start_0:
0x88: {  	s2 =	sld [smem:$0x3FD9]  }
0x89: {  	s3 =	sld [smem:$0x3FFE];
	_ =	sdelay $0x1  }
0x8a: {  	s1 =	srdreg.scid  }
0x8b: {  	s0 =	sand.u32 $0x1, s1  }
0x8c: {  	s17 =	sshll.u32 s0, $0xA;
	s2 =	sadd.s32 s3, s2  }
0x8d: {  	s2 =	sadd.s32 s2, s17  }
0x8e: {  	[smem:$0x3FC4] =	sst s2  }
0x8f: {  	_ = 	snop  }
0x90: {  	s2 =	sld [smem:$0x3FD0];
	(tm) =	ssettm $0x1  }
0x91: {  	s18 =	sld [smem:$0x3FFB];
	_ =	sdelay $0x3  }
0x92: {  	_ =	strace s18  }
0x93: {  	s3 =	sld [smem:$0x3FFC];
	_ =	sdelay $0x3  }
0x94: {  	_ =	strace s3  }
0x95: {  	s3 =	sld [smem:$0x3FFD];
	_ =	sdelay $0x3  }
0x96: {  	_ =	strace s3  }
0x97: {  	_ =	strace $0x8FFFFFFF  }
0x98: {  	s19 =	sld [smem:$0x3FDB];
	_ =	sdelay $0x1  }
0x99: {  	s4 =	simm.s32 $_scs_section_size  }
0x9a: {  	s5 =	simm.s32 $_size__tile_overlayer_lowered;
	s6 =	simm.s32 $_tile_overlayer_lowered  }
0x9b: {  	s22 =	simm.s32 $0x1BFF;
	s21 =	sshll.u32 s6, $0x1;
	s3 =	sadd.s32 s4, s19  }
0x9c: {  	s7 =	simm.s32 $0x0;
	s20 =	sshll.u32 s5, $0x1;
	s5 =	sadd.s32 s21, s3  }
0x9d: {  	[timem:s7], [sflag:s22] =	dma.local [hbm:s5], s20  }
0x9e: {  	_ =	swait.ge [sflag:s22], s20  }
0x9f: {  	s4 =	ssub.s32 $0x0, s20;
	[sflag:s22] =	ssyncset.done $0x0  }
0xa0: {  	[sflag:s22] =	ssyncadd.s32 s4;
	_ =	sdelay $0x1  }
0xa1: {  	s23 =	simm.s32 $0x1B8B  }
0xa2: {  	_ =	swait.ge [sflag:s23], $0x1  }
0xa3: {  	[sflag:s23] =	ssyncset.done $0x0  }
0xa4: {  	s25 =	simm.s32 $0x1B8E;
	s24 =	sld [smem:$0x3FFE];
	[sflag:s23] =	ssyncadd.s32 $0xFFFFFFFF  }
0xa5: {  	s26 =	simm.s32 $execute0_lowered;
	[smem:$0x3FD2] =	sst s25  }
0xa6: {  	s5 =	sshll.u32 s26, $0x1;
	_ =	strace $0x80000049;
	[dreg:$0x1] =	wrdreg $0xFFFFFFFF  }
0xa7: {  	s28 =	simm.s32 $_size_execute0_lowered;
	s3 =	sadd.s32 s3, s5;
	[dreg:$0x0] =	wrdreg $0x0  }
0xa8: {  	s5 =	sshll.u32 s28, $0x1;
	[dreg:$0x2] =	wrdreg s3  }
0xa9: {  	[dreg:$0x3] =	wrdreg s5  }
0xaa: {  	[dreg:$0x4] =	wrdreg $0xC0  }
0xab: {  	_ =	task [dreg:s7], $0x5FFFF  }
0xac: {  	[dreg:$0x1] =	wrdreg $0xFFFFFFFF  }
0xad: {  	[dreg:$0x0] =	wrdreg $0x60  }
0xae: {  	[dreg:$0x2] =	wrdreg s24  }
0xaf: {  	[dreg:$0x3] =	wrdreg s2  }
0xb0: {  	[dreg:$0x4] =	wrdreg $0xA8000  }
0xb1: {  	[dreg:$0x5] =	wrdreg $0x9  }
0xb2: {  	_ =	task.clear_ibuf [dreg:s7], $0x6FFFF;
	_ =	strace $0x90000049  }
0xb3: {  	s29 =	simm.s32 $0x9;
	_ =	strace $0x8000004B  }
0xb4: {  	_ =	swait.ge [sflag:s29], $0x1  }
0xb5: {  	[sflag:s29] =	ssyncadd.s32 $0xFFFFFFFF  }
0xb6: {  	_ =	strace $0x9000004B  }
0xb7: {  	_ =	sfence  }
0xb8: {  	s30 =	sld [smem:$0x0];
	_ =	sdelay $0x2  }
0xb9: {  	s31 =	sshll.u32 s1, $0xD;
	s1 =	sshrl.u32 s1, $0x2  }
0xba: {  	s3 =	sand.u32 $0x4000, s31;
	s1 =	sadd.s32 s1, s30  }
0xbb: {  	s0 =	sor.u32 s3, s0;
	s1 =	sshll.u32 s1, $0x11  }
0xbc: {  	s0 =	sor.u32 s1, s0  }
0xbd: {  	s0 =	sadd.s32 $0x8F2B, s0  }
0xbe: {  	[sflag:s0] =	ssyncadd.remote.s32 $0x1  }
0xbf: {  	_ =	sfence.sel $0xFFFF  }
0xc0: {  	[dreg:$0x0] =	wrdreg $0xFFFFFFFF;
	(pc) =	sbr.abs _section_cstart, $3  }
0xc1: {  	[dreg:$0x1] =	wrdreg $0xFFFFFFFF  }
0xc2: {  	_ =	task.clear_ibuf [dreg:s7], $0x2FFFF;
	_ =	strace $0x9FFFFFFF  }
0xc3: {  	(tm) =	ssettm $0x7FFFFFFF  }
tec
execute0_lowered:
.L_overlay_start_1:
0x0: {  	(tag) =	ssettag $0x1  }
0x1: {  	s0 =	rddreg [dreg:$0x0]  }
0x2: {  	s2 =	rddreg [dreg:$0x1]  }
0x3: {  	s1 =	rddreg [dreg:$0x2]  }
0x4: {  	s3 =	srdreg.scid;
	s11 =	stileid.u32;
	s16 =	simm.s32 $0x1  }
0x5: {  	s17 =	simm.s32 $0x50;
	s18 =	simm.s32 $0x800;
	s29 =	simm.s32 $0x4  }
0x6: {  	s14 =	simm.s32 $0xA;
	s15 =	simm.s32 $0x680;
	s31 =	simm.s32 $0x80  }
0x7: {  	s12 =	simm.s32 $0x180;
	s13 =	simm.s32 $0x300;
	s7 =	smul.u32 $0x14000, s11  }
0x8: {  	s5 =	sand.u32 $0x1, s3;
	s3 =	simm.s32 $0x0;
	s20 =	smul.u32 $0x34, s11  }
0x9: {  	s4 =	sadd.s32 $0x54200, s0;
	s8 =	sadd.s32 $0x1A00, s0;
	s10 =	smul.u32 $0xC, s11  }
0xa: {  	s21 =	smul.u32 $0x50000, s11;
	s24 =	sshll.u32 s11, $0x6;
	s11 =	simm.s32 $0x8  }
0xb: {  	s6 =	smul.u32 $0x140000, s5;
	[smem:$0x7FF] =	sst s3;
	s19 =	ssub.s32 $0x2, s5  }
0xc: {  	p0 =	seq.s32 s5, $0x0;
	s28 =	sor.u32 $0x1C0B, s24;
	s24 =	simm.s32 $0x8000  }
0xd: {  	_ =	strace $0x8000004A;
	[dreg:$0x4] =	wrdreg s8;
	s9 =	sshrl.u32 s19, $0x1  }
0xe: {  	s5 =	sadd.s32 $0xC0, s20;
	s23 =	sshrl.u32 s21, $0x2;
	s20 =	simm.s32 $0x3000  }
0xf: {  	s8 =	simm.s32 $0x7;
	s21 =	simm.s32 $0x780;
	[dreg:$0x5] =	wrdreg s28  }
0x10: {  	s6 =	sadd.s32 s7, s6;
	s22 =	ssub.s32 s19, s9;
	s5 =	smov.u32 @p0 s10  }
0x11: {  	s7 =	sadd.s32 s23, s1;
	s9 =	simm.s32 $0x5;
	s19 =	simm.s32 $0x700  }
0x12: {  	s10 =	simm.s32 $0x280;
	s6 =	sshrl.u32 s6, $0x3;
	s5 =	sshll.u32 s5, $0x7  }
0x13: {  	s25 =	smax.u32 s22, $0x1;
	s30 =	sshrl.u32 s7, $0x3;
	s22 =	simm.s32 $0x5800  }
0x14: {  	s7 =	simm.s32 $0x9;
	s0 =	sadd.s32 s6, s0;
	[dreg:$0xa] =	wrdreg s25  }
0x15: {  	s2 =	sadd.s32 s2, s5;
	s25 =	simm.s32 $0x400;
	[dreg:$0xc] =	wrdreg s30  }
0x16: {  	s6 =	simm.s32 $0x200;
	s5 =	sadd.s32 $0x80, s2;
	[dreg:$0x6] =	wrdreg s2  }
0x17: {  	s0 =	sadd.s32 $0x7C200, s0;
	s26 =	sadd.s32 $0x180, s2;
	[dreg:$0x7] =	wrdreg s5  }
0x18: {  	s2 =	simm.s32 $0x0;
	s5 =	simm.s32 $0x5;
	[dreg:$0x9] =	wrdreg s0  }
0x19: {  	[dreg:$0xb] =	wrdreg s26;
	s26 =	simm.s32 $0x3;
	s5 =	simm.s32 @!p0 $0x19  }
0x1a: {  	s0 =	simm.s32 $0x6;
	[dreg:$0x8] =	wrdreg s5;
	s5 =	simm.s32 $0x2  }
.LBB2_1:
0x1b: {  	[dreg:$0xd] =	wrdreg s2  }
0x1c: {  	s2 =	simm.s32 $0xB;
	s23 =	rddreg [dreg:$0x4]  }
0x1d: {  	[spmem:s30], [sflag:s28] =	dma.local [hbm:s23], $0x2800  }
0x1e: {  	_ =	swait.ge [sflag:s2], $0x2800  }
0x1f: {  	[sflag:s2] =	ssyncset.done $0x0  }
0x20: {  	[sflag:s2] =	ssyncadd.s32 $0xFFFFD800;
	s2 =	rddreg [dreg:$0x6]  }
0x21: {  	[tilespmem:s3], [sflag:$0x1] =	stream.linear.gather [hbm4b:s2+s3], $0x400, $0x38;
	[tilespmem:$0x1E800] =	vst v63  }
0x22: {  	[bflag:$0x0] =	sbarrier.arrive $0xFFFF  }
0x23: {  	_ =	swait.ge [sflag:s16], $0x400  }
0x24: {  	[sflag:s16] =	ssyncset.done $0x0  }
0x25: {  	[sflag:s16] =	ssyncadd.s32 $0xFFFFFC00  }
0x26: {  	[tilespmem:s18], [sflag:$0x3] =	stream.indirect.gather [hbm4b:s4+s17], $0x80, s3, s17, $0xb8;
	[tilespmem:$0x1E800] =	vst v63  }
0x27: {  	_ = 	snop  }
0x28: {  	[tilespmem:s20], [sflag:$0x4] =	stream.indirect.gather [hbm4b:s4+s17], $0x80, s31, s17, $0xb8;
	[tilespmem:$0x1E800] =	vst v63  }
0x29: {  	s2 =	simm.s32 $0x100  }
0x2a: {  	[tilespmem:s22], [sflag:$0x5] =	stream.indirect.gather [hbm4b:s4+s17], $0x80, s2, s17, $0xb8;
	[tilespmem:$0x1E800] =	vst v63  }
0x2b: {  	_ = 	snop  }
0x2c: {  	[tilespmem:s24], [sflag:$0x6] =	stream.indirect.gather [hbm4b:s4+s17], $0x80, s12, s17, $0xb8;
	[tilespmem:$0x1E800] =	vst v63  }
0x2d: {  	s30 =	rddreg [dreg:$0x7]  }
0x2e: {  	[tilespmem:s25], [sflag:$0x2] =	stream.linear.gather [hbm4b:s30+s3], $0x400, $0x38;
	[tilespmem:$0x1E800] =	vst v63  }
0x2f: {  	_ =	swait.ge [sflag:s26], $0x2800  }
0x30: {  	[sflag:s26] =	ssyncset.done $0x0  }
0x31: {  	[sflag:s26] =	ssyncadd.s32 $0xFFFFD800  }
0x32: {  	[spmem:s1] =	stream.indirect.scatter.add.f32 [tilespmem:s18], [sflag:$0x7], $0x80, s6, s17, $0xb8;
	[tilespmem:$0x1E800] =	vst v63  }
0x33: {  	_ =	swait.ge [sflag:s29], $0x2800  }
0x34: {  	[sflag:s29] =	ssyncset.done $0x0  }
0x35: {  	[sflag:s29] =	ssyncadd.s32 $0xFFFFD800  }
0x36: {  	[spmem:s1] =	stream.indirect.scatter.add.f32 [tilespmem:s20], [sflag:$0x8], $0x80, s10, s17, $0xb8;
	[tilespmem:$0x1E800] =	vst v63  }
0x37: {  	_ =	swait.ge [sflag:s9], $0x2800  }
0x38: {  	[sflag:s9] =	ssyncset.done $0x0  }
0x39: {  	[sflag:s9] =	ssyncadd.s32 $0xFFFFD800  }
0x3a: {  	[spmem:s1] =	stream.indirect.scatter.add.f32 [tilespmem:s22], [sflag:$0x9], $0x80, s13, s17, $0xb8;
	[tilespmem:$0x1E800] =	vst v63  }
0x3b: {  	_ =	swait.ge [sflag:s0], $0x2800  }
0x3c: {  	[sflag:s0] =	ssyncset.done $0x0  }
0x3d: {  	s30 =	simm.s32 $0x380;
	[sflag:s0] =	ssyncadd.s32 $0xFFFFD800  }
0x3e: {  	[spmem:s1] =	stream.indirect.scatter.add.f32 [tilespmem:s24], [sflag:$0xA], $0x80, s30, s17, $0xb8;
	[tilespmem:$0x1E800] =	vst v63  }
0x3f: {  	_ =	swait.ge [sflag:s5], $0x400  }
0x40: {  	[sflag:s5] =	ssyncset.done $0x0  }
0x41: {  	[sflag:s5] =	ssyncadd.s32 $0xFFFFFC00  }
0x42: {  	_ =	swait.ge [sflag:s8], $0x2800  }
0x43: {  	[sflag:s8] =	ssyncset.done $0x0  }
0x44: {  	[sflag:s8] =	ssyncadd.s32 $0xFFFFD800  }
0x45: {  	[tilespmem:s18], [sflag:$0x3] =	stream.indirect.gather [hbm4b:s4+s17], $0x80, s25, s17, $0xb8;
	[tilespmem:$0x1E800] =	vst v63  }
0x46: {  	_ =	swait.ge [sflag:s11], $0x2800  }
0x47: {  	[sflag:s11] =	ssyncset.done $0x0  }
0x48: {  	s30 =	simm.s32 $0x480;
	[sflag:s11] =	ssyncadd.s32 $0xFFFFD800  }
0x49: {  	[tilespmem:s20], [sflag:$0x4] =	stream.indirect.gather [hbm4b:s4+s17], $0x80, s30, s17, $0xb8;
	[tilespmem:$0x1E800] =	vst v63  }
0x4a: {  	_ =	swait.ge [sflag:s7], $0x2800  }
0x4b: {  	[sflag:s7] =	ssyncset.done $0x0  }
0x4c: {  	s30 =	simm.s32 $0x500;
	[sflag:s7] =	ssyncadd.s32 $0xFFFFD800  }
0x4d: {  	[tilespmem:s22], [sflag:$0x5] =	stream.indirect.gather [hbm4b:s4+s17], $0x80, s30, s17, $0xb8;
	[tilespmem:$0x1E800] =	vst v63  }
0x4e: {  	_ =	swait.ge [sflag:s14], $0x2800  }
0x4f: {  	[sflag:s14] =	ssyncset.done $0x0  }
0x50: {  	s30 =	simm.s32 $0x580;
	s28 =	rddreg [dreg:$0xb];
	[sflag:s14] =	ssyncadd.s32 $0xFFFFD800  }
0x51: {  	[tilespmem:s24], [sflag:$0x6] =	stream.indirect.gather [hbm4b:s4+s17], $0x80, s30, s17, $0xb8;
	[tilespmem:$0x1E800] =	vst v63  }
0x52: {  	s30 =	sadd.s32 $0xFFFFFF80, s28  }
0x53: {  	[tilespmem:s3], [sflag:$0x1] =	stream.linear.gather [hbm4b:s30+s3], $0x400, $0x38;
	[tilespmem:$0x1E800] =	vst v63  }
0x54: {  	_ =	swait.ge [sflag:s26], $0x2800  }
0x55: {  	[sflag:s26] =	ssyncset.done $0x0  }
0x56: {  	s30 =	simm.s32 $0x600;
	[sflag:s26] =	ssyncadd.s32 $0xFFFFD800  }
0x57: {  	[spmem:s1] =	stream.indirect.scatter.add.f32 [tilespmem:s18], [sflag:$0x7], $0x80, s30, s17, $0xb8;
	[tilespmem:$0x1E800] =	vst v63  }
0x58: {  	_ =	swait.ge [sflag:s29], $0x2800  }
0x59: {  	[sflag:s29] =	ssyncset.done $0x0  }
0x5a: {  	[sflag:s29] =	ssyncadd.s32 $0xFFFFD800  }
0x5b: {  	[spmem:s1] =	stream.indirect.scatter.add.f32 [tilespmem:s20], [sflag:$0x8], $0x80, s15, s17, $0xb8;
	[tilespmem:$0x1E800] =	vst v63  }
0x5c: {  	_ =	swait.ge [sflag:s9], $0x2800  }
0x5d: {  	[sflag:s9] =	ssyncset.done $0x0  }
0x5e: {  	[sflag:s9] =	ssyncadd.s32 $0xFFFFD800  }
0x5f: {  	[spmem:s1] =	stream.indirect.scatter.add.f32 [tilespmem:s22], [sflag:$0x9], $0x80, s19, s17, $0xb8;
	[tilespmem:$0x1E800] =	vst v63  }
0x60: {  	_ =	swait.ge [sflag:s0], $0x2800  }
0x61: {  	[sflag:s0] =	ssyncset.done $0x0  }
0x62: {  	[sflag:s0] =	ssyncadd.s32 $0xFFFFD800  }
0x63: {  	[spmem:s1] =	stream.indirect.scatter.add.f32 [tilespmem:s24], [sflag:$0xA], $0x80, s21, s17, $0xb8;
	[tilespmem:$0x1E800] =	vst v63  }
0x64: {  	_ =	swait.ge [sflag:s16], $0x400  }
0x65: {  	[sflag:s16] =	ssyncset.done $0x0  }
0x66: {  	[sflag:s16] =	ssyncadd.s32 $0xFFFFFC00  }
0x67: {  	_ =	swait.ge [sflag:s8], $0x2800  }
0x68: {  	[sflag:s8] =	ssyncset.done $0x0  }
0x69: {  	[sflag:s8] =	ssyncadd.s32 $0xFFFFD800  }
0x6a: {  	[tilespmem:s18], [sflag:$0x3] =	stream.indirect.gather [hbm4b:s4+s17], $0x80, s3, s17, $0xb8;
	[tilespmem:$0x1E800] =	vst v63  }
0x6b: {  	_ =	swait.ge [sflag:s11], $0x2800  }
0x6c: {  	[sflag:s11] =	ssyncset.done $0x0  }
0x6d: {  	[sflag:s11] =	ssyncadd.s32 $0xFFFFD800  }
0x6e: {  	[tilespmem:s20], [sflag:$0x4] =	stream.indirect.gather [hbm4b:s4+s17], $0x80, s31, s17, $0xb8;
	[tilespmem:$0x1E800] =	vst v63  }
0x6f: {  	_ =	swait.ge [sflag:s7], $0x2800  }
0x70: {  	[sflag:s7] =	ssyncset.done $0x0  }
0x71: {  	[sflag:s7] =	ssyncadd.s32 $0xFFFFD800  }
0x72: {  	[tilespmem:s22], [sflag:$0x5] =	stream.indirect.gather [hbm4b:s4+s17], $0x80, s2, s17, $0xb8;
	[tilespmem:$0x1E800] =	vst v63  }
0x73: {  	_ =	swait.ge [sflag:s14], $0x2800  }
0x74: {  	[sflag:s14] =	ssyncset.done $0x0  }
0x75: {  	[sflag:s14] =	ssyncadd.s32 $0xFFFFD800  }
0x76: {  	[tilespmem:s24], [sflag:$0x6] =	stream.indirect.gather [hbm4b:s4+s17], $0x80, s12, s17, $0xb8;
	[tilespmem:$0x1E800] =	vst v63  }
0x77: {  	_ = 	snop  }
0x78: {  	[tilespmem:s25], [sflag:$0x2] =	stream.linear.gather [hbm4b:s28+s3], $0x400, $0x38;
	[tilespmem:$0x1E800] =	vst v63  }
0x79: {  	_ =	swait.ge [sflag:s26], $0x2800  }
0x7a: {  	[sflag:s26] =	ssyncset.done $0x0  }
0x7b: {  	[sflag:s26] =	ssyncadd.s32 $0xFFFFD800  }
0x7c: {  	[spmem:s1] =	stream.indirect.scatter.add.f32 [tilespmem:s18], [sflag:$0x7], $0x80, s6, s17, $0xb8;
	[tilespmem:$0x1E800] =	vst v63  }
0x7d: {  	_ =	swait.ge [sflag:s29], $0x2800  }
0x7e: {  	[sflag:s29] =	ssyncset.done $0x0  }
0x7f: {  	[sflag:s29] =	ssyncadd.s32 $0xFFFFD800  }
0x80: {  	[spmem:s1] =	stream.indirect.scatter.add.f32 [tilespmem:s20], [sflag:$0x8], $0x80, s10, s17, $0xb8;
	[tilespmem:$0x1E800] =	vst v63  }
0x81: {  	_ =	swait.ge [sflag:s9], $0x2800  }
0x82: {  	[sflag:s9] =	ssyncset.done $0x0  }
0x83: {  	[sflag:s9] =	ssyncadd.s32 $0xFFFFD800  }
0x84: {  	[spmem:s1] =	stream.indirect.scatter.add.f32 [tilespmem:s22], [sflag:$0x9], $0x80, s13, s17, $0xb8;
	[tilespmem:$0x1E800] =	vst v63  }
0x85: {  	_ =	swait.ge [sflag:s0], $0x2800  }
0x86: {  	s30 =	rddreg [dreg:$0x8]  }
0x87: {  	p0 =	sne.s32 s30, $0x1  }
.Ltmp0:
0x88: {  	_ = 	snop;
	(pc) =	sbr.rel @!p0 .LBB2_3-.Ltmp0, $3  }
0x89: {  	_ =	sdelay $0x1  }
0x8a: {  	[sflag:s0] =	ssyncset.done $0x0  }
0x8b: {  	s28 =	sadd.s32 $0x100, s28;
	s23 =	sadd.s32 $0xFFFFFFFF, s30;
	[sflag:s0] =	ssyncadd.s32 $0xFFFFD800  }
.LBB2_2:
0x8c: {  	s30 =	simm.s32 $0x380  }
0x8d: {  	[spmem:s1] =	stream.indirect.scatter.add.f32 [tilespmem:s24], [sflag:$0xA], $0x80, s30, s17, $0xb8;
	[tilespmem:$0x1E800] =	vst v63  }
0x8e: {  	p0 =	sne.s32 s23, $0x1;
	s23 =	sadd.s32 $0xFFFFFFFF, s23;
	_ =	swait.ge [sflag:s5], $0x400  }
0x8f: {  	[sflag:s5] =	ssyncset.done $0x0  }
0x90: {  	[sflag:s5] =	ssyncadd.s32 $0xFFFFFC00  }
0x91: {  	_ =	swait.ge [sflag:s8], $0x2800  }
0x92: {  	[sflag:s8] =	ssyncset.done $0x0  }
0x93: {  	[sflag:s8] =	ssyncadd.s32 $0xFFFFD800  }
0x94: {  	[tilespmem:s18], [sflag:$0x3] =	stream.indirect.gather [hbm4b:s4+s17], $0x80, s25, s17, $0xb8;
	[tilespmem:$0x1E800] =	vst v63  }
0x95: {  	_ =	swait.ge [sflag:s11], $0x2800  }
0x96: {  	[sflag:s11] =	ssyncset.done $0x0  }
0x97: {  	s30 =	simm.s32 $0x480;
	[sflag:s11] =	ssyncadd.s32 $0xFFFFD800  }
0x98: {  	[tilespmem:s20], [sflag:$0x4] =	stream.indirect.gather [hbm4b:s4+s17], $0x80, s30, s17, $0xb8;
	[tilespmem:$0x1E800] =	vst v63  }
0x99: {  	_ =	swait.ge [sflag:s7], $0x2800  }
0x9a: {  	[sflag:s7] =	ssyncset.done $0x0  }
0x9b: {  	s30 =	simm.s32 $0x500;
	[sflag:s7] =	ssyncadd.s32 $0xFFFFD800  }
0x9c: {  	[tilespmem:s22], [sflag:$0x5] =	stream.indirect.gather [hbm4b:s4+s17], $0x80, s30, s17, $0xb8;
	[tilespmem:$0x1E800] =	vst v63  }
0x9d: {  	_ =	swait.ge [sflag:s14], $0x2800  }
0x9e: {  	[sflag:s14] =	ssyncset.done $0x0  }
0x9f: {  	s30 =	simm.s32 $0x580;
	[sflag:s14] =	ssyncadd.s32 $0xFFFFD800  }
0xa0: {  	[tilespmem:s24], [sflag:$0x6] =	stream.indirect.gather [hbm4b:s4+s17], $0x80, s30, s17, $0xb8;
	[tilespmem:$0x1E800] =	vst v63  }
0xa1: {  	s30 =	sadd.s32 $0xFFFFFF80, s28  }
0xa2: {  	[tilespmem:s3], [sflag:$0x1] =	stream.linear.gather [hbm4b:s30+s3], $0x400, $0x38;
	[tilespmem:$0x1E800] =	vst v63  }
0xa3: {  	_ =	swait.ge [sflag:s26], $0x2800  }
0xa4: {  	[sflag:s26] =	ssyncset.done $0x0  }
0xa5: {  	s30 =	simm.s32 $0x600;
	[sflag:s26] =	ssyncadd.s32 $0xFFFFD800  }
0xa6: {  	[spmem:s1] =	stream.indirect.scatter.add.f32 [tilespmem:s18], [sflag:$0x7], $0x80, s30, s17, $0xb8;
	[tilespmem:$0x1E800] =	vst v63  }
0xa7: {  	_ =	swait.ge [sflag:s29], $0x2800  }
0xa8: {  	[sflag:s29] =	ssyncset.done $0x0  }
0xa9: {  	[sflag:s29] =	ssyncadd.s32 $0xFFFFD800  }
0xaa: {  	[spmem:s1] =	stream.indirect.scatter.add.f32 [tilespmem:s20], [sflag:$0x8], $0x80, s15, s17, $0xb8;
	[tilespmem:$0x1E800] =	vst v63  }
0xab: {  	_ =	swait.ge [sflag:s9], $0x2800  }
0xac: {  	[sflag:s9] =	ssyncset.done $0x0  }
0xad: {  	[sflag:s9] =	ssyncadd.s32 $0xFFFFD800  }
0xae: {  	[spmem:s1] =	stream.indirect.scatter.add.f32 [tilespmem:s22], [sflag:$0x9], $0x80, s19, s17, $0xb8;
	[tilespmem:$0x1E800] =	vst v63  }
0xaf: {  	_ =	swait.ge [sflag:s0], $0x2800  }
0xb0: {  	[sflag:s0] =	ssyncset.done $0x0  }
0xb1: {  	[sflag:s0] =	ssyncadd.s32 $0xFFFFD800  }
0xb2: {  	[spmem:s1] =	stream.indirect.scatter.add.f32 [tilespmem:s24], [sflag:$0xA], $0x80, s21, s17, $0xb8;
	[tilespmem:$0x1E800] =	vst v63  }
0xb3: {  	_ =	swait.ge [sflag:s16], $0x400  }
0xb4: {  	[sflag:s16] =	ssyncset.done $0x0  }
0xb5: {  	[sflag:s16] =	ssyncadd.s32 $0xFFFFFC00  }
0xb6: {  	_ =	swait.ge [sflag:s8], $0x2800  }
0xb7: {  	[sflag:s8] =	ssyncset.done $0x0  }
0xb8: {  	[sflag:s8] =	ssyncadd.s32 $0xFFFFD800  }
0xb9: {  	[tilespmem:s18], [sflag:$0x3] =	stream.indirect.gather [hbm4b:s4+s17], $0x80, s3, s17, $0xb8;
	[tilespmem:$0x1E800] =	vst v63  }
0xba: {  	_ =	swait.ge [sflag:s11], $0x2800  }
0xbb: {  	[sflag:s11] =	ssyncset.done $0x0  }
0xbc: {  	[sflag:s11] =	ssyncadd.s32 $0xFFFFD800  }
0xbd: {  	[tilespmem:s20], [sflag:$0x4] =	stream.indirect.gather [hbm4b:s4+s17], $0x80, s31, s17, $0xb8;
	[tilespmem:$0x1E800] =	vst v63  }
0xbe: {  	_ =	swait.ge [sflag:s7], $0x2800  }
0xbf: {  	[sflag:s7] =	ssyncset.done $0x0  }
0xc0: {  	[sflag:s7] =	ssyncadd.s32 $0xFFFFD800  }
0xc1: {  	[tilespmem:s22], [sflag:$0x5] =	stream.indirect.gather [hbm4b:s4+s17], $0x80, s2, s17, $0xb8;
	[tilespmem:$0x1E800] =	vst v63  }
0xc2: {  	_ =	swait.ge [sflag:s14], $0x2800  }
0xc3: {  	[sflag:s14] =	ssyncset.done $0x0  }
0xc4: {  	[sflag:s14] =	ssyncadd.s32 $0xFFFFD800  }
0xc5: {  	[tilespmem:s24], [sflag:$0x6] =	stream.indirect.gather [hbm4b:s4+s17], $0x80, s12, s17, $0xb8;
	[tilespmem:$0x1E800] =	vst v63  }
0xc6: {  	_ = 	snop  }
0xc7: {  	[tilespmem:s25], [sflag:$0x2] =	stream.linear.gather [hbm4b:s28+s3], $0x400, $0x38;
	[tilespmem:$0x1E800] =	vst v63  }
0xc8: {  	_ =	swait.ge [sflag:s26], $0x2800  }
0xc9: {  	[sflag:s26] =	ssyncset.done $0x0  }
0xca: {  	[sflag:s26] =	ssyncadd.s32 $0xFFFFD800  }
0xcb: {  	[spmem:s1] =	stream.indirect.scatter.add.f32 [tilespmem:s18], [sflag:$0x7], $0x80, s6, s17, $0xb8;
	[tilespmem:$0x1E800] =	vst v63  }
0xcc: {  	_ =	swait.ge [sflag:s29], $0x2800  }
0xcd: {  	[sflag:s29] =	ssyncset.done $0x0  }
0xce: {  	[sflag:s29] =	ssyncadd.s32 $0xFFFFD800  }
0xcf: {  	[spmem:s1] =	stream.indirect.scatter.add.f32 [tilespmem:s20], [sflag:$0x8], $0x80, s10, s17, $0xb8;
	[tilespmem:$0x1E800] =	vst v63  }
0xd0: {  	_ =	swait.ge [sflag:s9], $0x2800  }
0xd1: {  	[sflag:s9] =	ssyncset.done $0x0  }
.Ltmp1:
0xd2: {  	[sflag:s9] =	ssyncadd.s32 $0xFFFFD800;
	(pc) =	sbr.rel @p0 .LBB2_2-.Ltmp1, $4  }
0xd3: {  	[spmem:s1] =	stream.indirect.scatter.add.f32 [tilespmem:s22], [sflag:$0x9], $0x80, s13, s17, $0xb8;
	[tilespmem:$0x1E800] =	vst v63  }
0xd4: {  	_ =	swait.ge [sflag:s0], $0x2800  }
0xd5: {  	[sflag:s0] =	ssyncset.done $0x0  }
0xd6: {  	s28 =	sadd.s32 $0x100, s28;
	[sflag:s0] =	ssyncadd.s32 $0xFFFFD800  }
.LBB2_3:
0xd7: {  	s2 =	simm.s32 $0x380  }
0xd8: {  	[spmem:s1] =	stream.indirect.scatter.add.f32 [tilespmem:s24], [sflag:$0xA], $0x80, s2, s17, $0xb8;
	[tilespmem:$0x1E800] =	vst v63  }
0xd9: {  	_ =	swait.ge [sflag:s5], $0x400  }
0xda: {  	[sflag:s5] =	ssyncset.done $0x0  }
0xdb: {  	[sflag:s5] =	ssyncadd.s32 $0xFFFFFC00  }
0xdc: {  	_ =	swait.ge [sflag:s8], $0x2800  }
0xdd: {  	[sflag:s8] =	ssyncset.done $0x0  }
0xde: {  	[sflag:s8] =	ssyncadd.s32 $0xFFFFD800  }
0xdf: {  	[tilespmem:s18], [sflag:$0x3] =	stream.indirect.gather [hbm4b:s4+s17], $0x80, s25, s17, $0xb8;
	[tilespmem:$0x1E800] =	vst v63  }
0xe0: {  	_ =	swait.ge [sflag:s11], $0x2800  }
0xe1: {  	[sflag:s11] =	ssyncset.done $0x0  }
0xe2: {  	s23 =	simm.s32 $0x480;
	[sflag:s11] =	ssyncadd.s32 $0xFFFFD800  }
0xe3: {  	[tilespmem:s20], [sflag:$0x4] =	stream.indirect.gather [hbm4b:s4+s17], $0x80, s23, s17, $0xb8;
	[tilespmem:$0x1E800] =	vst v63  }
0xe4: {  	_ =	swait.ge [sflag:s7], $0x2800  }
0xe5: {  	[sflag:s7] =	ssyncset.done $0x0  }
0xe6: {  	s23 =	simm.s32 $0x500;
	[sflag:s7] =	ssyncadd.s32 $0xFFFFD800  }
0xe7: {  	[tilespmem:s22], [sflag:$0x5] =	stream.indirect.gather [hbm4b:s4+s17], $0x80, s23, s17, $0xb8;
	[tilespmem:$0x1E800] =	vst v63  }
0xe8: {  	_ =	swait.ge [sflag:s14], $0x2800  }
0xe9: {  	[sflag:s14] =	ssyncset.done $0x0  }
0xea: {  	s23 =	simm.s32 $0x580;
	[sflag:s14] =	ssyncadd.s32 $0xFFFFD800  }
0xeb: {  	[tilespmem:s24], [sflag:$0x6] =	stream.indirect.gather [hbm4b:s4+s17], $0x80, s23, s17, $0xb8;
	[tilespmem:$0x1E800] =	vst v63  }
0xec: {  	_ =	swait.ge [sflag:s26], $0x2800  }
0xed: {  	[sflag:s26] =	ssyncset.done $0x0  }
0xee: {  	s23 =	simm.s32 $0x600;
	[sflag:s26] =	ssyncadd.s32 $0xFFFFD800  }
0xef: {  	[spmem:s1] =	stream.indirect.scatter.add.f32 [tilespmem:s18], [sflag:$0x7], $0x80, s23, s17, $0xb8;
	[tilespmem:$0x1E800] =	vst v63  }
0xf0: {  	_ =	swait.ge [sflag:s29], $0x2800  }
0xf1: {  	[sflag:s29] =	ssyncset.done $0x0  }
0xf2: {  	[sflag:s29] =	ssyncadd.s32 $0xFFFFD800  }
0xf3: {  	[spmem:s1] =	stream.indirect.scatter.add.f32 [tilespmem:s20], [sflag:$0x8], $0x80, s15, s17, $0xb8;
	[tilespmem:$0x1E800] =	vst v63  }
0xf4: {  	_ =	swait.ge [sflag:s9], $0x2800  }
0xf5: {  	[sflag:s9] =	ssyncset.done $0x0  }
0xf6: {  	[sflag:s9] =	ssyncadd.s32 $0xFFFFD800  }
0xf7: {  	[spmem:s1] =	stream.indirect.scatter.add.f32 [tilespmem:s22], [sflag:$0x9], $0x80, s19, s17, $0xb8;
	[tilespmem:$0x1E800] =	vst v63  }
0xf8: {  	_ =	swait.ge [sflag:s0], $0x2800  }
0xf9: {  	[sflag:s0] =	ssyncset.done $0x0  }
0xfa: {  	[sflag:s0] =	ssyncadd.s32 $0xFFFFD800  }
0xfb: {  	[spmem:s1] =	stream.indirect.scatter.add.f32 [tilespmem:s24], [sflag:$0xA], $0x80, s21, s17, $0xb8;
	[tilespmem:$0x1E800] =	vst v63  }
0xfc: {  	_ =	swait.ge [sflag:s8], $0x2800  }
0xfd: {  	[sflag:s8] =	ssyncset.done $0x0  }
0xfe: {  	[sflag:s8] =	ssyncadd.s32 $0xFFFFD800  }
0xff: {  	_ =	swait.ge [sflag:s11], $0x2800  }
0x100: {  	[sflag:s11] =	ssyncset.done $0x0  }
0x101: {  	[sflag:s11] =	ssyncadd.s32 $0xFFFFD800  }
0x102: {  	_ =	swait.ge [sflag:s7], $0x2800  }
0x103: {  	[sflag:s7] =	ssyncset.done $0x0  }
0x104: {  	[sflag:s7] =	ssyncadd.s32 $0xFFFFD800  }
0x105: {  	_ =	swait.ge [sflag:s14], $0x2800  }
0x106: {  	[sflag:s14] =	ssyncset.done $0x0  }
0x107: {  	[sflag:s14] =	ssyncadd.s32 $0xFFFFD800  }
0x108: {  	[bflag:$0x0] =	sbarrier.arrive $0xFFFF  }
0x109: {  	s28 =	rddreg [dreg:$0x5]  }
0x10a: {  	s23 =	rddreg [dreg:$0x9]  }
0x10b: {  	s30 =	rddreg [dreg:$0xc]  }
0x10c: {  	[hbm:s23], [sflag:s28] =	dma.local [spmem:s30], $0x2800  }
0x10d: {  	s23 =	simm.s32 $0xB  }
0x10e: {  	_ =	swait.ge [sflag:s23], $0x2800  }
0x10f: {  	s2 =	rddreg [dreg:$0xd]  }
0x110: {  	[sflag:s23] =	ssyncset.done $0x0;
	s23 =	rddreg [dreg:$0xa];
	s2 =	sadd.s32 $0x1, s2  }
0x111: {  	p0 =	sne.s32 s2, s23  }
.Ltmp2:
0x112: {  	_ = 	snop;
	(pc) =	sbr.rel @p0 .LBB2_1-.Ltmp2, $3  }
0x113: {  	_ =	sdelay $0x1  }
0x114: {  	s23 =	simm.s32 $0xB  }
0x115: {  	[sflag:s23] =	ssyncadd.s32 $0xFFFFD800  }
0x116: {  	_ =	sfence.sel $0x180000  }
0x117: {  	[bflag:$0x0] =	sbarrier.arrive $0xFFFF  }
0x118: {  	_ =	strace $0x9000004A  }
0x119: {  	s0 =	stileid.u32;
	[bflag:$0x2] =	sbarrier.arrive $0xFFFF  }
0x11a: {  	p0 =	sne.s32 s0, $0x0;
	s0 =	rddreg [dreg:$0x3]  }
0x11b: {  	s0 =	sadd.s32 @!p0 $0x100000, s0  }
0x11c: {  	[sflag:s0] =	ssyncadd.tile.s32 @!p0 $0x1;
	_ =	shalt  }
.Lfunc_end2:
_tile_overlayer_lowered:
.L_overlay_start_2:
0x11d: {  	(tag) =	ssettag $0x2  }
0x11e: {  	s0 =	rddreg [dreg:$0x0];
	s2 =	stileid.u32  }
0x11f: {  	s1 =	rddreg [dreg:$0x1];
	p0 =	sne.s32 s2, $0x0  }
0x120: {  	s3 =	rddreg [dreg:$0x2];
	[bflag:$0x3] =	sbarrier.arrive $0xFFFF;
	s2 =	simm.s32 @!p0 $0x1C0B  }
0x121: {  	[timem:s3], [sflag:s2] =	dma.local @!p0 [hbm:s0], s1  }
0x122: {  	s0 =	simm.s32 @!p0 $0xB  }
0x123: {  	_ =	swait.ge @!p0 [sflag:s0], s1  }
0x124: {  	s1 =	ssub.s32 @!p0 $0x0, s1;
	[sflag:s0] =	ssyncset.done @!p0 $0x0  }
0x125: {  	[sflag:s0] =	ssyncadd.s32 @!p0 s1  }
0x126: {  	[bflag:$0x3] =	sbarrier.arrive $0xFFFF  }
0x127: {  	_ =	shalt  }

</sc_bundles>
